<compile_context>
chip_gen: v7x
topology: tpu7x:2x2x1
jax: 0.10.2.dev20260603
libtpu: 0.0.44.dev20260713+nightly
codegen_flags: <defaults>
</compile_context>

<pallas_src>
import functools

import jax
import jax.numpy as jnp
from jax import lax
from jax.experimental import pallas as pl
from jax.experimental.pallas import tpu as pltpu
import jax.experimental.pallas.tpu_sc as plsc

_E = 8
_K = 2
_N = 4096
_C = 1024
_H = 4096
_CAP = _N * _K // _E
_HBLK = 512
_NW = 32
_TPW = _N // _NW
_CHUNK = 64


@functools.cache
def _make_dispatch():
    mesh = plsc.VectorSubcoreMesh(core_axis_name="c", subcore_axis_name="s")

    @functools.partial(
        pl.kernel,
        out_type=jax.ShapeDtypeStruct((_E * _CAP + 1024, _C), jnp.float32),
        mesh=mesh,
        scratch_types=[
            pltpu.VMEM((_CHUNK,), jnp.int32),
            pltpu.VMEM((_CHUNK, _C), jnp.float32),
            pltpu.SemaphoreType.DMA,
        ],
    )
    def _dispatch(x_hbm, slot_hbm, xbuf_hbm, idx_v, rows_v, sem):
        wid = lax.axis_index("s") * 2 + lax.axis_index("c")
        base = wid * _TPW
        for c in range(_TPW // _CHUNK):
            b = base + c * _CHUNK
            pltpu.sync_copy(slot_hbm.at[pl.ds(b, _CHUNK)], idx_v)
            pltpu.sync_copy(x_hbm.at[pl.ds(b, _CHUNK)], rows_v)
            pltpu.async_copy(rows_v, xbuf_hbm.at[idx_v], sem).wait()

    return _dispatch



_RBLK = 256


def _ffn_body(cnt_ref, x_ref, w1_ref, b1_ref, w2_ref, b2_ref, out_ref):
    e = pl.program_id(0)
    h_idx = pl.program_id(1)
    cnt = cnt_ref[e]
    for r in range(_CAP // _RBLK):
        active = r * _RBLK < cnt
        rows = pl.ds(r * _RBLK, _RBLK)

        @pl.when(jnp.logical_and(h_idx == 0, jnp.logical_not(active)))
        def _():
            out_ref[rows, :] = jnp.zeros((_RBLK, _C), jnp.float32)

        @pl.when(active)
        def _():
            xb = x_ref[rows, :].astype(jnp.bfloat16)
            w1b = w1_ref[0].astype(jnp.bfloat16)
            h = jnp.maximum(
                jnp.dot(xb, w1b, preferred_element_type=jnp.float32)
                + b1_ref[0, 0, :][None, :], 0.0)
            h = (h * h).astype(jnp.bfloat16)
            w2b = w2_ref[0].astype(jnp.bfloat16)
            part = jnp.dot(h, w2b, preferred_element_type=jnp.float32)

            @pl.when(h_idx == 0)
            def _():
                out_ref[rows, :] = part + b2_ref[0, 0, :][None, :]

            @pl.when(h_idx != 0)
            def _():
                out_ref[rows, :] += part


def _ffn(counts, xbuf, W1, b1r, W2, b2r):
    return pl.pallas_call(
        _ffn_body,
        grid_spec=pltpu.PrefetchScalarGridSpec(
            num_scalar_prefetch=1,
            grid=(_E, _H // _HBLK),
            in_specs=[
                pl.BlockSpec((_CAP, _C), lambda e, h, c: (e, 0)),
                pl.BlockSpec((1, _C, _HBLK), lambda e, h, c: (e, 0, h)),
                pl.BlockSpec((1, 1, _HBLK), lambda e, h, c: (e, 0, h)),
                pl.BlockSpec((1, _HBLK, _C), lambda e, h, c: (e, h, 0)),
                pl.BlockSpec((1, 1, _C), lambda e, h, c: (e, 0, 0)),
            ],
            out_specs=pl.BlockSpec((_CAP, _C), lambda e, h, c: (e, 0)),
        ),
        out_shape=jax.ShapeDtypeStruct((_E * _CAP, _C), jnp.float32),
    )(counts, xbuf, W1, b1r, W2, b2r)



@functools.cache
def _make_combine():
    mesh = plsc.VectorSubcoreMesh(core_axis_name="c", subcore_axis_name="s")

    @functools.partial(
        pl.kernel,
        out_type=jax.ShapeDtypeStruct((_N, _C), jnp.float32),
        mesh=mesh,
        scratch_types=[
            pltpu.VMEM((_CHUNK,), jnp.int32),
            pltpu.VMEM((_CHUNK, 16), jnp.float32),
            pltpu.VMEM((_CHUNK, _C), jnp.float32),
            pltpu.SemaphoreType.DMA,
        ],
    )
    def _combine(ybuf_hbm, slot_hbm, gate_hbm, out_hbm, idx_v, g_v, rows_v, sem):
        wid = lax.axis_index("s") * 2 + lax.axis_index("c")
        base = wid * _TPW
        for c in range(_TPW // _CHUNK):
            b = base + c * _CHUNK
            pltpu.sync_copy(slot_hbm.at[pl.ds(b, _CHUNK)], idx_v)
            pltpu.sync_copy(gate_hbm.at[pl.ds(b, _CHUNK)], g_v)
            pltpu.async_copy(ybuf_hbm.at[idx_v], rows_v, sem).wait()

            def body(j, carry):
                gv = g_v[j, :]
                for v in range(_C // 16):
                    rows_v[j, pl.ds(v * 16, 16)] = rows_v[j, pl.ds(v * 16, 16)] * gv
                return carry

            lax.fori_loop(0, _CHUNK, body, 0)
            pltpu.sync_copy(rows_v, out_hbm.at[pl.ds(b, _CHUNK)])

    return _combine



def kernel(x, Wg, bg, Wn, bn, W1, b1, W2, b2):
    B, T, C = x.shape
    E = Wg.shape[1]
    logits = x @ Wg + bg
    noise_logits = x @ Wn + bn
    noise = jax.random.normal(jax.random.key(42), logits.shape,
                              dtype=logits.dtype) * jax.nn.softplus(noise_logits)
    noisy = logits + noise
    topv, topi = jax.lax.top_k(noisy, _K)
    keep = (jax.nn.one_hot(topi, E, dtype=jnp.float32).sum(axis=-2) > 0)
    sparse_logits = jnp.where(keep, noisy, -jnp.inf)
    gating = jax.nn.softmax(sparse_logits, axis=-1)

    flat_x = x.reshape(-1, C)
    flat_g = gating.reshape(-1, E)
    top1 = jnp.argmax(flat_g, axis=-1)
    gate = jnp.take_along_axis(flat_g, top1[:, None], axis=-1)[:, 0]
    onehot = (top1[:, None] == jnp.arange(E)[None, :]).astype(jnp.int32)
    cum = jnp.cumsum(onehot, axis=0)
    rank = jnp.take_along_axis(cum, top1[:, None], axis=-1)[:, 0] - 1
    valid = rank < _CAP
    slot = top1.astype(jnp.int32) * _CAP + rank.astype(jnp.int32)
    slot_sc = jnp.where(valid, slot, _E * _CAP).astype(jnp.int32)
    slot_g = jnp.where(valid, slot, 0).astype(jnp.int32)
    gate_m = jnp.where(valid, gate, 0.0).astype(jnp.float32)
    gate_b = jnp.broadcast_to(gate_m[:, None], (_N, 16))

    counts = jnp.minimum(cum[-1], _CAP).astype(jnp.int32)
    xbuf = _make_dispatch()(flat_x, slot_sc)
    ybuf = _ffn(counts, xbuf, W1, b1.reshape(E, 1, _H), W2, b2.reshape(E, 1, _C))
    out = _make_combine()(ybuf, slot_g, gate_b)
    return out.reshape(B, T, C)

# --- scband reference (transcript-rebuilt; emitter-appended) ---
"""Pipeline reference for scband-sparse-mo-e-55207509622871 (READ-ONLY COPY).

The authoritative reference and input builder live on the scoring server;
editing this copy changes nothing except your own understanding.
"""

import jax, jax.numpy as jnp
import numpy as np

NUM_EXPERTS = 8
TOP_K = 2
CAP_F = 1.0


def setup_inputs(seed: int = 0) -> dict:
    key = jax.random.key(seed)
    ks = jax.random.split(key, 8)
    B, T, C = 2, 2048, 1024
    E = NUM_EXPERTS
    H = 4 * C
    x = jax.random.normal(ks[0], (B, T, C), dtype=jnp.float32)
    Wg = jax.random.normal(ks[1], (C, E), dtype=jnp.float32) * 0.02
    bg = jnp.zeros((E,), dtype=jnp.float32)
    Wn = jax.random.normal(ks[2], (C, E), dtype=jnp.float32) * 0.02
    bn = jnp.zeros((E,), dtype=jnp.float32)
    W1 = jax.random.normal(ks[3], (E, C, H), dtype=jnp.float32) * 0.02
    b1 = jnp.zeros((E, H), dtype=jnp.float32)
    W2 = jax.random.normal(ks[4], (E, H, C), dtype=jnp.float32) * 0.02
    b2 = jnp.zeros((E, C), dtype=jnp.float32)
    return {"x": x, "Wg": Wg, "bg": bg, "Wn": Wn, "bn": bn,
            "W1": W1, "b1": b1, "W2": W2, "b2": b2}


def reference(x, Wg, bg, Wn, bn, W1, b1, W2, b2):
    B, T, C = x.shape
    E = Wg.shape[1]
    # NoisyTopkRouter
    logits = x @ Wg + bg
    noise_logits = x @ Wn + bn
    noise = jax.random.normal(jax.random.key(42), logits.shape, dtype=logits.dtype) * jax.nn.softplus(noise_logits)
    noisy = logits + noise
    topv, topi = jax.lax.top_k(noisy, TOP_K)
    keep = (jax.nn.one_hot(topi, E, dtype=jnp.float32).sum(axis=-2) > 0)
    sparse_logits = jnp.where(keep, noisy, -jnp.inf)
    gating = jax.nn.softmax(sparse_logits, axis=-1)  # [B, T, E]
    # SparseMoE dispatch (top-1 argmax routing with capacity truncation)
    flat_x = x.reshape(-1, C)
    flat_g = gating.reshape(-1, E)
    N = flat_x.shape[0]
    capacity = int(N * TOP_K / E * CAP_F)
    top1 = jnp.argmax(gating, axis=-1).reshape(-1)  # [N]
    updates = jnp.zeros_like(flat_x)
    for i in range(E):
        m = (top1 == i)
        # stable sort puts selected token indices first, in original token order
        order = jnp.argsort(jnp.where(m, 0, 1))
        idx = order[:capacity]
        valid = m[idx].astype(flat_x.dtype)[:, None]
        xin = flat_x[idx]
        h = jnp.square(jnp.maximum(xin @ W1[i] + b1[i], 0.0))  # ReLUSquared
        out = h @ W2[i] + b2[i]  # Dropout in eval mode -> identity
        gate = flat_g[idx, i][:, None]
        updates = updates.at[idx].add(out * gate * valid)
    return updates.reshape(B, T, C)

if __name__ == "__main__":
    import jax
    _d = setup_inputs()
    print(jax.jit(kernel)(*tuple(_d.values())))

</pallas_src>

<mosaic_0001>
#map = affine_map<(d0, d1) -> (0, 0)>
#map1 = affine_map<(d0, d1) -> (0)>
module attributes {stable_mosaic.version = 14 : i64} {
  func.func @_combine(%arg0: i32, %arg1: i32, %arg2: memref<8192x1024xf32, #tpu.memory_space<hbm>>, %arg3: memref<4096xi32, #tpu.memory_space<hbm>>, %arg4: memref<4096x16xf32, #tpu.memory_space<hbm>>, %arg5: memref<4096x1024xf32, #tpu.memory_space<hbm>>, %arg6: memref<64xi32, #tpu.memory_space<vmem>>, %arg7: memref<64x16xf32, #tpu.memory_space<vmem>>, %arg8: memref<64x1024xf32, #tpu.memory_space<vmem>>, %arg9: memref<!tpu.dma_semaphore, #tpu.memory_space<semaphore_mem>>) attributes {dimension_semantics = [#tpu.dimension_semantics<core_parallel>, #tpu.dimension_semantics<subcore_parallel>], iteration_bounds = array<i64: 2, 16>, scalar_prefetch = 0 : i64, scratch_operands = 4 : i64, tpu.core_type = #tpu.core_type<sc_vector_subcore>, window_params = [{transform_indices = #map}, {transform_indices = #map1}, {transform_indices = #map}, {transform_indices = #map}]} {
    %mul3A = arith.constant 2 : i32
    %mul3A_0 = arith.muli %arg1, %mul3A : i32
    %add3A = arith.addi %mul3A_0, %arg0 : i32
    %mul3A_1 = arith.constant 128 : i32
    %mul3A_2 = arith.muli %add3A, %mul3A_1 : i32
    %add3A_3 = arith.constant 0 : i32
    %add3A_4 = arith.addi %mul3A_2, %add3A_3 : i32
    "tpu.region"() ({
      %run_scoped3A = tpu.sem_alloc : memref<!tpu.dma_semaphore, #tpu.memory_space<semaphore_mem>>
      %dma_start3A_28 = tpu.memref_slice %arg3[%add3A_4] : memref<4096xi32, #tpu.memory_space<hbm>> -> memref<64xi32, #tpu.memory_space<hbm>>
      %dma_start3A_29 = tpu.memref_slice %arg3[%add3A_4] : memref<4096xi32, #tpu.memory_space<hbm>> -> memref<64xi32, #tpu.memory_space<hbm>>
      tpu.enqueue_dma source(%dma_start3A_29 : memref<64xi32, #tpu.memory_space<hbm>>) target(%arg6 : memref<64xi32, #tpu.memory_space<vmem>>) target_semaphore(%run_scoped3A : memref<!tpu.dma_semaphore, #tpu.memory_space<semaphore_mem>>)
      %dma_wait3A_30 = tpu.memref_slice %arg3[%add3A_4] : memref<4096xi32, #tpu.memory_space<hbm>> -> memref<64xi32, #tpu.memory_space<hbm>>
      %dma_wait3A_31 = tpu.memref_slice %arg3[%add3A_4] : memref<4096xi32, #tpu.memory_space<hbm>> -> memref<64xi32, #tpu.memory_space<hbm>>
      tpu.wait_dma2 semaphore(%run_scoped3A : memref<!tpu.dma_semaphore, #tpu.memory_space<semaphore_mem>>) src(%dma_wait3A_31 : memref<64xi32, #tpu.memory_space<hbm>>) dst(%arg6 : memref<64xi32, #tpu.memory_space<vmem>>)
      tpu.yield
    }) : () -> ()
    "tpu.region"() ({
      %run_scoped3A = tpu.sem_alloc : memref<!tpu.dma_semaphore, #tpu.memory_space<semaphore_mem>>
      %dma_start3A_28 = arith.constant 0 : i32
      %dma_start3A_29 = tpu.memref_slice %arg4[%add3A_4, %dma_start3A_28] : memref<4096x16xf32, #tpu.memory_space<hbm>> -> memref<64x16xf32, #tpu.memory_space<hbm>>
      %dma_start3A_30 = arith.constant 0 : i32
      %dma_start3A_31 = tpu.memref_slice %arg4[%add3A_4, %dma_start3A_30] : memref<4096x16xf32, #tpu.memory_space<hbm>> -> memref<64x16xf32, #tpu.memory_space<hbm>>
      tpu.enqueue_dma source(%dma_start3A_31 : memref<64x16xf32, #tpu.memory_space<hbm>>) target(%arg7 : memref<64x16xf32, #tpu.memory_space<vmem>>) target_semaphore(%run_scoped3A : memref<!tpu.dma_semaphore, #tpu.memory_space<semaphore_mem>>)
      %dma_wait3A_32 = arith.constant 0 : i32
      %dma_wait3A_33 = tpu.memref_slice %arg4[%add3A_4, %dma_wait3A_32] : memref<4096x16xf32, #tpu.memory_space<hbm>> -> memref<64x16xf32, #tpu.memory_space<hbm>>
      %dma_wait3A_34 = arith.constant 0 : i32
      %dma_wait3A_35 = tpu.memref_slice %arg4[%add3A_4, %dma_wait3A_34] : memref<4096x16xf32, #tpu.memory_space<hbm>> -> memref<64x16xf32, #tpu.memory_space<hbm>>
      tpu.wait_dma2 semaphore(%run_scoped3A : memref<!tpu.dma_semaphore, #tpu.memory_space<semaphore_mem>>) src(%dma_wait3A_35 : memref<64x16xf32, #tpu.memory_space<hbm>>) dst(%arg7 : memref<64x16xf32, #tpu.memory_space<vmem>>)
      tpu.yield
    }) : () -> ()
    %dma_start3A = arith.constant 0 : i32
    %dma_start3A_5 = arith.constant 0 : i32
    %dma_start3A_6 = tpu.memref_slice %arg2[%dma_start3A, %dma_start3A_5] : memref<8192x1024xf32, #tpu.memory_space<hbm>> -> memref<8192x1024xf32, #tpu.memory_space<hbm>>
    tpu.enqueue_indirect_dma source(%dma_start3A_6 : memref<8192x1024xf32, #tpu.memory_space<hbm>>) target(%arg8 : memref<64x1024xf32, #tpu.memory_space<vmem>>) offsets(%arg6 : memref<64xi32, #tpu.memory_space<vmem>>) semaphore(%arg9 : memref<!tpu.dma_semaphore, #tpu.memory_space<semaphore_mem>>)
    %dma_wait3A = arith.constant 0 : i32
    %dma_wait3A_7 = arith.constant 0 : i32
    %dma_wait3A_8 = tpu.memref_slice %arg2[%dma_wait3A, %dma_wait3A_7] : memref<8192x1024xf32, #tpu.memory_space<hbm>> -> memref<8192x1024xf32, #tpu.memory_space<hbm>>
    tpu.wait_indirect_dma semaphore(%arg9 : memref<!tpu.dma_semaphore, #tpu.memory_space<semaphore_mem>>) src(%dma_wait3A_8 : memref<8192x1024xf32, #tpu.memory_space<hbm>>) dst(%arg8 : memref<64x1024xf32, #tpu.memory_space<vmem>>)
    %scan3A = arith.constant 0 : i32
    %scan3A_9 = arith.constant 0 : i32
    %scan3A_10 = arith.constant 64 : i32
    %scan3A_11 = arith.addi %scan3A_9, %scan3A_10 : i32
    %scan3A_12 = arith.constant 1 : i32
    scf.for %scan3A_28 = %scan3A_9 to %scan3A_11 step %scan3A_12  : i32 {
      %get3A = arith.index_cast %scan3A_28 : i32 to index
      %get3A_29 = arith.constant 0 : index
      %get3A_30 = tpu.vector_load %arg7[%get3A, %get3A_29] {strides = array<i32>} : memref<64x16xf32, #tpu.memory_space<vmem>>, vector<1x16xf32>,
      %get3A_31 = vector.shape_cast %get3A_30 : vector<1x16xf32> to vector<16xf32>
      %get3A_32 = arith.index_cast %scan3A_28 : i32 to index
      %get3A_33 = arith.constant 0 : index
      %get3A_34 = tpu.vector_load %arg8[%get3A_32, %get3A_33] {strides = array<i32>} : memref<64x1024xf32, #tpu.memory_space<vmem>>, vector<1x16xf32>,
      %get3A_35 = vector.shape_cast %get3A_34 : vector<1x16xf32> to vector<16xf32>
      %mul3A_36 = arith.mulf %get3A_35, %get3A_31 : vector<16xf32>
      %swap3A = arith.index_cast %scan3A_28 : i32 to index
      %swap3A_37 = arith.constant 0 : index
      %swap3A_38 = tpu.vector_load %arg8[%swap3A, %swap3A_37] {strides = array<i32>} : memref<64x1024xf32, #tpu.memory_space<vmem>>, vector<1x16xf32>,
      %swap3A_39 = vector.shape_cast %swap3A_38 : vector<1x16xf32> to vector<16xf32>
      %swap3A_40 = vector.shape_cast %mul3A_36 : vector<16xf32> to vector<1x16xf32>
      tpu.vector_store %arg8[%swap3A, %swap3A_37], %swap3A_40 {strides = array<i32>} : memref<64x1024xf32, #tpu.memory_space<vmem>>, vector<1x16xf32>,
      %get3A_41 = arith.index_cast %scan3A_28 : i32 to index
      %get3A_42 = arith.constant 16 : index
      %get3A_43 = tpu.vector_load %arg8[%get3A_41, %get3A_42] {strides = array<i32>} : memref<64x1024xf32, #tpu.memory_space<vmem>>, vector<1x16xf32>,
      %get3A_44 = vector.shape_cast %get3A_43 : vector<1x16xf32> to vector<16xf32>
      %mul3A_45 = arith.mulf %get3A_44, %get3A_31 : vector<16xf32>
      %swap3A_46 = arith.index_cast %scan3A_28 : i32 to index
      %swap3A_47 = arith.constant 16 : index
      %swap3A_48 = tpu.vector_load %arg8[%swap3A_46, %swap3A_47] {strides = array<i32>} : memref<64x1024xf32, #tpu.memory_space<vmem>>, vector<1x16xf32>,
      %swap3A_49 = vector.shape_cast %swap3A_48 : vector<1x16xf32> to vector<16xf32>
      %swap3A_50 = vector.shape_cast %mul3A_45 : vector<16xf32> to vector<1x16xf32>
      tpu.vector_store %arg8[%swap3A_46, %swap3A_47], %swap3A_50 {strides = array<i32>} : memref<64x1024xf32, #tpu.memory_space<vmem>>, vector<1x16xf32>,
      %get3A_51 = arith.index_cast %scan3A_28 : i32 to index
      %get3A_52 = arith.constant 32 : index
      %get3A_53 = tpu.vector_load %arg8[%get3A_51, %get3A_52] {strides = array<i32>} : memref<64x1024xf32, #tpu.memory_space<vmem>>, vector<1x16xf32>,
      %get3A_54 = vector.shape_cast %get3A_53 : vector<1x16xf32> to vector<16xf32>
      %mul3A_55 = arith.mulf %get3A_54, %get3A_31 : vector<16xf32>
      %swap3A_56 = arith.index_cast %scan3A_28 : i32 to index
      %swap3A_57 = arith.constant 32 : index
      %swap3A_58 = tpu.vector_load %arg8[%swap3A_56, %swap3A_57] {strides = array<i32>} : memref<64x1024xf32, #tpu.memory_space<vmem>>, vector<1x16xf32>,
      %swap3A_59 = vector.shape_cast %swap3A_58 : vector<1x16xf32> to vector<16xf32>
      %swap3A_60 = vector.shape_cast %mul3A_55 : vector<16xf32> to vector<1x16xf32>
      tpu.vector_store %arg8[%swap3A_56, %swap3A_57], %swap3A_60 {strides = array<i32>} : memref<64x1024xf32, #tpu.memory_space<vmem>>, vector<1x16xf32>,
      %get3A_61 = arith.index_cast %scan3A_28 : i32 to index
      %get3A_62 = arith.constant 48 : index
      %get3A_63 = tpu.vector_load %arg8[%get3A_61, %get3A_62] {strides = array<i32>} : memref<64x1024xf32, #tpu.memory_space<vmem>>, vector<1x16xf32>,
      %get3A_64 = vector.shape_cast %get3A_63 : vector<1x16xf32> to vector<16xf32>
      %mul3A_65 = arith.mulf %get3A_64, %get3A_31 : vector<16xf32>
      %swap3A_66 = arith.index_cast %scan3A_28 : i32 to index
      %swap3A_67 = arith.constant 48 : index
      %swap3A_68 = tpu.vector_load %arg8[%swap3A_66, %swap3A_67] {strides = array<i32>} : memref<64x1024xf32, #tpu.memory_space<vmem>>, vector<1x16xf32>,
      %swap3A_69 = vector.shape_cast %swap3A_68 : vector<1x16xf32> to vector<16xf32>
      %swap3A_70 = vector.shape_cast %mul3A_65 : vector<16xf32> to vector<1x16xf32>
      tpu.vector_store %arg8[%swap3A_66, %swap3A_67], %swap3A_70 {strides = array<i32>} : memref<64x1024xf32, #tpu.memory_space<vmem>>, vector<1x16xf32>,
      %get3A_71 = arith.index_cast %scan3A_28 : i32 to index
      %get3A_72 = arith.constant 64 : index
      %get3A_73 = tpu.vector_load %arg8[%get3A_71, %get3A_72] {strides = array<i32>} : memref<64x1024xf32, #tpu.memory_space<vmem>>, vector<1x16xf32>,
      %get3A_74 = vector.shape_cast %get3A_73 : vector<1x16xf32> to vector<16xf32>
      %mul3A_75 = arith.mulf %get3A_74, %get3A_31 : vector<16xf32>
      %swap3A_76 = arith.index_cast %scan3A_28 : i32 to index
      %swap3A_77 = arith.constant 64 : index
      %swap3A_78 = tpu.vector_load %arg8[%swap3A_76, %swap3A_77] {strides = array<i32>} : memref<64x1024xf32, #tpu.memory_space<vmem>>, vector<1x16xf32>,
      %swap3A_79 = vector.shape_cast %swap3A_78 : vector<1x16xf32> to vector<16xf32>
      %swap3A_80 = vector.shape_cast %mul3A_75 : vector<16xf32> to vector<1x16xf32>
      tpu.vector_store %arg8[%swap3A_76, %swap3A_77], %swap3A_80 {strides = array<i32>} : memref<64x1024xf32, #tpu.memory_space<vmem>>, vector<1x16xf32>,
      %get3A_81 = arith.index_cast %scan3A_28 : i32 to index
      %get3A_82 = arith.constant 80 : index
      %get3A_83 = tpu.vector_load %arg8[%get3A_81, %get3A_82] {strides = array<i32>} : memref<64x1024xf32, #tpu.memory_space<vmem>>, vector<1x16xf32>,
      %get3A_84 = vector.shape_cast %get3A_83 : vector<1x16xf32> to vector<16xf32>
      %mul3A_85 = arith.mulf %get3A_84, %get3A_31 : vector<16xf32>
      %swap3A_86 = arith.index_cast %scan3A_28 : i32 to index
      %swap3A_87 = arith.constant 80 : index
      %swap3A_88 = tpu.vector_load %arg8[%swap3A_86, %swap3A_87] {strides = array<i32>} : memref<64x1024xf32, #tpu.memory_space<vmem>>, vector<1x16xf32>,
      %swap3A_89 = vector.shape_cast %swap3A_88 : vector<1x16xf32> to vector<16xf32>
      %swap3A_90 = vector.shape_cast %mul3A_85 : vector<16xf32> to vector<1x16xf32>
      tpu.vector_store %arg8[%swap3A_86, %swap3A_87], %swap3A_90 {strides = array<i32>} : memref<64x1024xf32, #tpu.memory_space<vmem>>, vector<1x16xf32>,
      %get3A_91 = arith.index_cast %scan3A_28 : i32 to index
      %get3A_92 = arith.constant 96 : index
      %get3A_93 = tpu.vector_load %arg8[%get3A_91, %get3A_92] {strides = array<i32>} : memref<64x1024xf32, #tpu.memory_space<vmem>>, vector<1x16xf32>,
      %get3A_94 = vector.shape_cast %get3A_93 : vector<1x16xf32> to vector<16xf32>
      %mul3A_95 = arith.mulf %get3A_94, %get3A_31 : vector<16xf32>
      %swap3A_96 = arith.index_cast %scan3A_28 : i32 to index
      %swap3A_97 = arith.constant 96 : index
      %swap3A_98 = tpu.vector_load %arg8[%swap3A_96, %swap3A_97] {strides = array<i32>} : memref<64x1024xf32, #tpu.memory_space<vmem>>, vector<1x16xf32>,
      %swap3A_99 = vector.shape_cast %swap3A_98 : vector<1x16xf32> to vector<16xf32>
      %swap3A_100 = vector.shape_cast %mul3A_95 : vector<16xf32> to vector<1x16xf32>
      tpu.vector_store %arg8[%swap3A_96, %swap3A_97], %swap3A_100 {strides = array<i32>} : memref<64x1024xf32, #tpu.memory_space<vmem>>, vector<1x16xf32>,
      %get3A_101 = arith.index_cast %scan3A_28 : i32 to index
      %get3A_102 = arith.constant 112 : index
      %get3A_103 = tpu.vector_load %arg8[%get3A_101, %get3A_102] {strides = array<i32>} : memref<64x1024xf32, #tpu.memory_space<vmem>>, vector<1x16xf32>,
      %get3A_104 = vector.shape_cast %get3A_103 : vector<1x16xf32> to vector<16xf32>
      %mul3A_105 = arith.mulf %get3A_104, %get3A_31 : vector<16xf32>
      %swap3A_106 = arith.index_cast %scan3A_28 : i32 to index
      %swap3A_107 = arith.constant 112 : index
      %swap3A_108 = tpu.vector_load %arg8[%swap3A_106, %swap3A_107] {strides = array<i32>} : memref<64x1024xf32, #tpu.memory_space<vmem>>, vector<1x16xf32>,
      %swap3A_109 = vector.shape_cast %swap3A_108 : vector<1x16xf32> to vector<16xf32>
      %swap3A_110 = vector.shape_cast %mul3A_105 : vector<16xf32> to vector<1x16xf32>
      tpu.vector_store %arg8[%swap3A_106, %swap3A_107], %swap3A_110 {strides = array<i32>} : memref<64x1024xf32, #tpu.memory_space<vmem>>, vector<1x16xf32>,
      %get3A_111 = arith.index_cast %scan3A_28 : i32 to index
      %get3A_112 = arith.constant 128 : index
      %get3A_113 = tpu.vector_load %arg8[%get3A_111, %get3A_112] {strides = array<i32>} : memref<64x1024xf32, #tpu.memory_space<vmem>>, vector<1x16xf32>,
      %get3A_114 = vector.shape_cast %get3A_113 : vector<1x16xf32> to vector<16xf32>
      %mul3A_115 = arith.mulf %get3A_114, %get3A_31 : vector<16xf32>
      %swap3A_116 = arith.index_cast %scan3A_28 : i32 to index
      %swap3A_117 = arith.constant 128 : index
      %swap3A_118 = tpu.vector_load %arg8[%swap3A_116, %swap3A_117] {strides = array<i32>} : memref<64x1024xf32, #tpu.memory_space<vmem>>, vector<1x16xf32>,
      %swap3A_119 = vector.shape_cast %swap3A_118 : vector<1x16xf32> to vector<16xf32>
      %swap3A_120 = vector.shape_cast %mul3A_115 : vector<16xf32> to vector<1x16xf32>
      tpu.vector_store %arg8[%swap3A_116, %swap3A_117], %swap3A_120 {strides = array<i32>} : memref<64x1024xf32, #tpu.memory_space<vmem>>, vector<1x16xf32>,
      %get3A_121 = arith.index_cast %scan3A_28 : i32 to index
      %get3A_122 = arith.constant 144 : index
      %get3A_123 = tpu.vector_load %arg8[%get3A_121, %get3A_122] {strides = array<i32>} : memref<64x1024xf32, #tpu.memory_space<vmem>>, vector<1x16xf32>,
      %get3A_124 = vector.shape_cast %get3A_123 : vector<1x16xf32> to vector<16xf32>
      %mul3A_125 = arith.mulf %get3A_124, %get3A_31 : vector<16xf32>
      %swap3A_126 = arith.index_cast %scan3A_28 : i32 to index
      %swap3A_127 = arith.constant 144 : index
      %swap3A_128 = tpu.vector_load %arg8[%swap3A_126, %swap3A_127] {strides = array<i32>} : memref<64x1024xf32, #tpu.memory_space<vmem>>, vector<1x16xf32>,
      %swap3A_129 = vector.shape_cast %swap3A_128 : vector<1x16xf32> to vector<16xf32>
      %swap3A_130 = vector.shape_cast %mul3A_125 : vector<16xf32> to vector<1x16xf32>
      tpu.vector_store %arg8[%swap3A_126, %swap3A_127], %swap3A_130 {strides = array<i32>} : memref<64x1024xf32, #tpu.memory_space<vmem>>, vector<1x16xf32>,
      %get3A_131 = arith.index_cast %scan3A_28 : i32 to index
      %get3A_132 = arith.constant 160 : index
      %get3A_133 = tpu.vector_load %arg8[%get3A_131, %get3A_132] {strides = array<i32>} : memref<64x1024xf32, #tpu.memory_space<vmem>>, vector<1x16xf32>,
      %get3A_134 = vector.shape_cast %get3A_133 : vector<1x16xf32> to vector<16xf32>
      %mul3A_135 = arith.mulf %get3A_134, %get3A_31 : vector<16xf32>
      %swap3A_136 = arith.index_cast %scan3A_28 : i32 to index
      %swap3A_137 = arith.constant 160 : index
      %swap3A_138 = tpu.vector_load %arg8[%swap3A_136, %swap3A_137] {strides = array<i32>} : memref<64x1024xf32, #tpu.memory_space<vmem>>, vector<1x16xf32>,
      %swap3A_139 = vector.shape_cast %swap3A_138 : vector<1x16xf32> to vector<16xf32>
      %swap3A_140 = vector.shape_cast %mul3A_135 : vector<16xf32> to vector<1x16xf32>
      tpu.vector_store %arg8[%swap3A_136, %swap3A_137], %swap3A_140 {strides = array<i32>} : memref<64x1024xf32, #tpu.memory_space<vmem>>, vector<1x16xf32>,
      %get3A_141 = arith.index_cast %scan3A_28 : i32 to index
      %get3A_142 = arith.constant 176 : index
      %get3A_143 = tpu.vector_load %arg8[%get3A_141, %get3A_142] {strides = array<i32>} : memref<64x1024xf32, #tpu.memory_space<vmem>>, vector<1x16xf32>,
      %get3A_144 = vector.shape_cast %get3A_143 : vector<1x16xf32> to vector<16xf32>
      %mul3A_145 = arith.mulf %get3A_144, %get3A_31 : vector<16xf32>
      %swap3A_146 = arith.index_cast %scan3A_28 : i32 to index
      %swap3A_147 = arith.constant 176 : index
      %swap3A_148 = tpu.vector_load %arg8[%swap3A_146, %swap3A_147] {strides = array<i32>} : memref<64x1024xf32, #tpu.memory_space<vmem>>, vector<1x16xf32>,
      %swap3A_149 = vector.shape_cast %swap3A_148 : vector<1x16xf32> to vector<16xf32>
      %swap3A_150 = vector.shape_cast %mul3A_145 : vector<16xf32> to vector<1x16xf32>
      tpu.vector_store %arg8[%swap3A_146, %swap3A_147], %swap3A_150 {strides = array<i32>} : memref<64x1024xf32, #tpu.memory_space<vmem>>, vector<1x16xf32>,
      %get3A_151 = arith.index_cast %scan3A_28 : i32 to index
      %get3A_152 = arith.constant 192 : index
      %get3A_153 = tpu.vector_load %arg8[%get3A_151, %get3A_152] {strides = array<i32>} : memref<64x1024xf32, #tpu.memory_space<vmem>>, vector<1x16xf32>,
      %get3A_154 = vector.shape_cast %get3A_153 : vector<1x16xf32> to vector<16xf32>
      %mul3A_155 = arith.mulf %get3A_154, %get3A_31 : vector<16xf32>
      %swap3A_156 = arith.index_cast %scan3A_28 : i32 to index
      %swap3A_157 = arith.constant 192 : index
      %swap3A_158 = tpu.vector_load %arg8[%swap3A_156, %swap3A_157] {strides = array<i32>} : memref<64x1024xf32, #tpu.memory_space<vmem>>, vector<1x16xf32>,
      %swap3A_159 = vector.shape_cast %swap3A_158 : vector<1x16xf32> to vector<16xf32>
      %swap3A_160 = vector.shape_cast %mul3A_155 : vector<16xf32> to vector<1x16xf32>
      tpu.vector_store %arg8[%swap3A_156, %swap3A_157], %swap3A_160 {strides = array<i32>} : memref<64x1024xf32, #tpu.memory_space<vmem>>, vector<1x16xf32>,
      %get3A_161 = arith.index_cast %scan3A_28 : i32 to index
      %get3A_162 = arith.constant 208 : index
      %get3A_163 = tpu.vector_load %arg8[%get3A_161, %get3A_162] {strides = array<i32>} : memref<64x1024xf32, #tpu.memory_space<vmem>>, vector<1x16xf32>,
      %get3A_164 = vector.shape_cast %get3A_163 : vector<1x16xf32> to vector<16xf32>
      %mul3A_165 = arith.mulf %get3A_164, %get3A_31 : vector<16xf32>
      %swap3A_166 = arith.index_cast %scan3A_28 : i32 to index
      %swap3A_167 = arith.constant 208 : index
      %swap3A_168 = tpu.vector_load %arg8[%swap3A_166, %swap3A_167] {strides = array<i32>} : memref<64x1024xf32, #tpu.memory_space<vmem>>, vector<1x16xf32>,
      %swap3A_169 = vector.shape_cast %swap3A_168 : vector<1x16xf32> to vector<16xf32>
      %swap3A_170 = vector.shape_cast %mul3A_165 : vector<16xf32> to vector<1x16xf32>
      tpu.vector_store %arg8[%swap3A_166, %swap3A_167], %swap3A_170 {strides = array<i32>} : memref<64x1024xf32, #tpu.memory_space<vmem>>, vector<1x16xf32>,
      %get3A_171 = arith.index_cast %scan3A_28 : i32 to index
      %get3A_172 = arith.constant 224 : index
      %get3A_173 = tpu.vector_load %arg8[%get3A_171, %get3A_172] {strides = array<i32>} : memref<64x1024xf32, #tpu.memory_space<vmem>>, vector<1x16xf32>,
      %get3A_174 = vector.shape_cast %get3A_173 : vector<1x16xf32> to vector<16xf32>
      %mul3A_175 = arith.mulf %get3A_174, %get3A_31 : vector<16xf32>
      %swap3A_176 = arith.index_cast %scan3A_28 : i32 to index
      %swap3A_177 = arith.constant 224 : index
      %swap3A_178 = tpu.vector_load %arg8[%swap3A_176, %swap3A_177] {strides = array<i32>} : memref<64x1024xf32, #tpu.memory_space<vmem>>, vector<1x16xf32>,
      %swap3A_179 = vector.shape_cast %swap3A_178 : vector<1x16xf32> to vector<16xf32>
      %swap3A_180 = vector.shape_cast %mul3A_175 : vector<16xf32> to vector<1x16xf32>
      tpu.vector_store %arg8[%swap3A_176, %swap3A_177], %swap3A_180 {strides = array<i32>} : memref<64x1024xf32, #tpu.memory_space<vmem>>, vector<1x16xf32>,
      %get3A_181 = arith.index_cast %scan3A_28 : i32 to index
      %get3A_182 = arith.constant 240 : index
      %get3A_183 = tpu.vector_load %arg8[%get3A_181, %get3A_182] {strides = array<i32>} : memref<64x1024xf32, #tpu.memory_space<vmem>>, vector<1x16xf32>,
      %get3A_184 = vector.shape_cast %get3A_183 : vector<1x16xf32> to vector<16xf32>
      %mul3A_185 = arith.mulf %get3A_184, %get3A_31 : vector<16xf32>
      %swap3A_186 = arith.index_cast %scan3A_28 : i32 to index
      %swap3A_187 = arith.constant 240 : index
      %swap3A_188 = tpu.vector_load %arg8[%swap3A_186, %swap3A_187] {strides = array<i32>} : memref<64x1024xf32, #tpu.memory_space<vmem>>, vector<1x16xf32>,
      %swap3A_189 = vector.shape_cast %swap3A_188 : vector<1x16xf32> to vector<16xf32>
      %swap3A_190 = vector.shape_cast %mul3A_185 : vector<16xf32> to vector<1x16xf32>
      tpu.vector_store %arg8[%swap3A_186, %swap3A_187], %swap3A_190 {strides = array<i32>} : memref<64x1024xf32, #tpu.memory_space<vmem>>, vector<1x16xf32>,
      %get3A_191 = arith.index_cast %scan3A_28 : i32 to index
      %get3A_192 = arith.constant 256 : index
      %get3A_193 = tpu.vector_load %arg8[%get3A_191, %get3A_192] {strides = array<i32>} : memref<64x1024xf32, #tpu.memory_space<vmem>>, vector<1x16xf32>,
      %get3A_194 = vector.shape_cast %get3A_193 : vector<1x16xf32> to vector<16xf32>
      %mul3A_195 = arith.mulf %get3A_194, %get3A_31 : vector<16xf32>
      %swap3A_196 = arith.index_cast %scan3A_28 : i32 to index
      %swap3A_197 = arith.constant 256 : index
      %swap3A_198 = tpu.vector_load %arg8[%swap3A_196, %swap3A_197] {strides = array<i32>} : memref<64x1024xf32, #tpu.memory_space<vmem>>, vector<1x16xf32>,
      %swap3A_199 = vector.shape_cast %swap3A_198 : vector<1x16xf32> to vector<16xf32>
      %swap3A_200 = vector.shape_cast %mul3A_195 : vector<16xf32> to vector<1x16xf32>
      tpu.vector_store %arg8[%swap3A_196, %swap3A_197], %swap3A_200 {strides = array<i32>} : memref<64x1024xf32, #tpu.memory_space<vmem>>, vector<1x16xf32>,
      %get3A_201 = arith.index_cast %scan3A_28 : i32 to index
      %get3A_202 = arith.constant 272 : index
      %get3A_203 = tpu.vector_load %arg8[%get3A_201, %get3A_202] {strides = array<i32>} : memref<64x1024xf32, #tpu.memory_space<vmem>>, vector<1x16xf32>,
      %get3A_204 = vector.shape_cast %get3A_203 : vector<1x16xf32> to vector<16xf32>
      %mul3A_205 = arith.mulf %get3A_204, %get3A_31 : vector<16xf32>
      %swap3A_206 = arith.index_cast %scan3A_28 : i32 to index
      %swap3A_207 = arith.constant 272 : index
      %swap3A_208 = tpu.vector_load %arg8[%swap3A_206, %swap3A_207] {strides = array<i32>} : memref<64x1024xf32, #tpu.memory_space<vmem>>, vector<1x16xf32>,
      %swap3A_209 = vector.shape_cast %swap3A_208 : vector<1x16xf32> to vector<16xf32>
      %swap3A_210 = vector.shape_cast %mul3A_205 : vector<16xf32> to vector<1x16xf32>
      tpu.vector_store %arg8[%swap3A_206, %swap3A_207], %swap3A_210 {strides = array<i32>} : memref<64x1024xf32, #tpu.memory_space<vmem>>, vector<1x16xf32>,
      %get3A_211 = arith.index_cast %scan3A_28 : i32 to index
      %get3A_212 = arith.constant 288 : index
      %get3A_213 = tpu.vector_load %arg8[%get3A_211, %get3A_212] {strides = array<i32>} : memref<64x1024xf32, #tpu.memory_space<vmem>>, vector<1x16xf32>,
      %get3A_214 = vector.shape_cast %get3A_213 : vector<1x16xf32> to vector<16xf32>
      %mul3A_215 = arith.mulf %get3A_214, %get3A_31 : vector<16xf32>
      %swap3A_216 = arith.index_cast %scan3A_28 : i32 to index
      %swap3A_217 = arith.constant 288 : index
      %swap3A_218 = tpu.vector_load %arg8[%swap3A_216, %swap3A_217] {strides = array<i32>} : memref<64x1024xf32, #tpu.memory_space<vmem>>, vector<1x16xf32>,
      %swap3A_219 = vector.shape_cast %swap3A_218 : vector<1x16xf32> to vector<16xf32>
      %swap3A_220 = vector.shape_cast %mul3A_215 : vector<16xf32> to vector<1x16xf32>
      tpu.vector_store %arg8[%swap3A_216, %swap3A_217], %swap3A_220 {strides = array<i32>} : memref<64x1024xf32, #tpu.memory_space<vmem>>, vector<1x16xf32>,
      %get3A_221 = arith.index_cast %scan3A_28 : i32 to index
      %get3A_222 = arith.constant 304 : index
      %get3A_223 = tpu.vector_load %arg8[%get3A_221, %get3A_222] {strides = array<i32>} : memref<64x1024xf32, #tpu.memory_space<vmem>>, vector<1x16xf32>,
      %get3A_224 = vector.shape_cast %get3A_223 : vector<1x16xf32> to vector<16xf32>
      %mul3A_225 = arith.mulf %get3A_224, %get3A_31 : vector<16xf32>
      %swap3A_226 = arith.index_cast %scan3A_28 : i32 to index
      %swap3A_227 = arith.constant 304 : index
      %swap3A_228 = tpu.vector_load %arg8[%swap3A_226, %swap3A_227] {strides = array<i32>} : memref<64x1024xf32, #tpu.memory_space<vmem>>, vector<1x16xf32>,
      %swap3A_229 = vector.shape_cast %swap3A_228 : vector<1x16xf32> to vector<16xf32>
      %swap3A_230 = vector.shape_cast %mul3A_225 : vector<16xf32> to vector<1x16xf32>
      tpu.vector_store %arg8[%swap3A_226, %swap3A_227], %swap3A_230 {strides = array<i32>} : memref<64x1024xf32, #tpu.memory_space<vmem>>, vector<1x16xf32>,
      %get3A_231 = arith.index_cast %scan3A_28 : i32 to index
      %get3A_232 = arith.constant 320 : index
      %get3A_233 = tpu.vector_load %arg8[%get3A_231, %get3A_232] {strides = array<i32>} : memref<64x1024xf32, #tpu.memory_space<vmem>>, vector<1x16xf32>,
      %get3A_234 = vector.shape_cast %get3A_233 : vector<1x16xf32> to vector<16xf32>
      %mul3A_235 = arith.mulf %get3A_234, %get3A_31 : vector<16xf32>
      %swap3A_236 = arith.index_cast %scan3A_28 : i32 to index
      %swap3A_237 = arith.constant 320 : index
      %swap3A_238 = tpu.vector_load %arg8[%swap3A_236, %swap3A_237] {strides = array<i32>} : memref<64x1024xf32, #tpu.memory_space<vmem>>, vector<1x16xf32>,
      %swap3A_239 = vector.shape_cast %swap3A_238 : vector<1x16xf32> to vector<16xf32>
      %swap3A_240 = vector.shape_cast %mul3A_235 : vector<16xf32> to vector<1x16xf32>
      tpu.vector_store %arg8[%swap3A_236, %swap3A_237], %swap3A_240 {strides = array<i32>} : memref<64x1024xf32, #tpu.memory_space<vmem>>, vector<1x16xf32>,
      %get3A_241 = arith.index_cast %scan3A_28 : i32 to index
      %get3A_242 = arith.constant 336 : index
      %get3A_243 = tpu.vector_load %arg8[%get3A_241, %get3A_242] {strides = array<i32>} : memref<64x1024xf32, #tpu.memory_space<vmem>>, vector<1x16xf32>,
      %get3A_244 = vector.shape_cast %get3A_243 : vector<1x16xf32> to vector<16xf32>
      %mul3A_245 = arith.mulf %get3A_244, %get3A_31 : vector<16xf32>
      %swap3A_246 = arith.index_cast %scan3A_28 : i32 to index
      %swap3A_247 = arith.constant 336 : index
      %swap3A_248 = tpu.vector_load %arg8[%swap3A_246, %swap3A_247] {strides = array<i32>} : memref<64x1024xf32, #tpu.memory_space<vmem>>, vector<1x16xf32>,
      %swap3A_249 = vector.shape_cast %swap3A_248 : vector<1x16xf32> to vector<16xf32>
      %swap3A_250 = vector.shape_cast %mul3A_245 : vector<16xf32> to vector<1x16xf32>
      tpu.vector_store %arg8[%swap3A_246, %swap3A_247], %swap3A_250 {strides = array<i32>} : memref<64x1024xf32, #tpu.memory_space<vmem>>, vector<1x16xf32>,
      %get3A_251 = arith.index_cast %scan3A_28 : i32 to index
      %get3A_252 = arith.constant 352 : index
      %get3A_253 = tpu.vector_load %arg8[%get3A_251, %get3A_252] {strides = array<i32>} : memref<64x1024xf32, #tpu.memory_space<vmem>>, vector<1x16xf32>,
      %get3A_254 = vector.shape_cast %get3A_253 : vector<1x16xf32> to vector<16xf32>
      %mul3A_255 = arith.mulf %get3A_254, %get3A_31 : vector<16xf32>
      %swap3A_256 = arith.index_cast %scan3A_28 : i32 to index
      %swap3A_257 = arith.constant 352 : index
      %swap3A_258 = tpu.vector_load %arg8[%swap3A_256, %swap3A_257] {strides = array<i32>} : memref<64x1024xf32, #tpu.memory_space<vmem>>, vector<1x16xf32>,
      %swap3A_259 = vector.shape_cast %swap3A_258 : vector<1x16xf32> to vector<16xf32>
      %swap3A_260 = vector.shape_cast %mul3A_255 : vector<16xf32> to vector<1x16xf32>
      tpu.vector_store %arg8[%swap3A_256, %swap3A_257], %swap3A_260 {strides = array<i32>} : memref<64x1024xf32, #tpu.memory_space<vmem>>, vector<1x16xf32>,
      %get3A_261 = arith.index_cast %scan3A_28 : i32 to index
      %get3A_262 = arith.constant 368 : index
      %get3A_263 = tpu.vector_load %arg8[%get3A_261, %get3A_262] {strides = array<i32>} : memref<64x1024xf32, #tpu.memory_space<vmem>>, vector<1x16xf32>,
      %get3A_264 = vector.shape_cast %get3A_263 : vector<1x16xf32> to vector<16xf32>
      %mul3A_265 = arith.mulf %get3A_264, %get3A_31 : vector<16xf32>
      %swap3A_266 = arith.index_cast %scan3A_28 : i32 to index
      %swap3A_267 = arith.constant 368 : index
      %swap3A_268 = tpu.vector_load %arg8[%swap3A_266, %swap3A_267] {strides = array<i32>} : memref<64x1024xf32, #tpu.memory_space<vmem>>, vector<1x16xf32>,
      %swap3A_269 = vector.shape_cast %swap3A_268 : vector<1x16xf32> to vector<16xf32>
      %swap3A_270 = vector.shape_cast %mul3A_265 : vector<16xf32> to vector<1x16xf32>
      tpu.vector_store %arg8[%swap3A_266, %swap3A_267], %swap3A_270 {strides = array<i32>} : memref<64x1024xf32, #tpu.memory_space<vmem>>, vector<1x16xf32>,
      %get3A_271 = arith.index_cast %scan3A_28 : i32 to index
      %get3A_272 = arith.constant 384 : index
      %get3A_273 = tpu.vector_load %arg8[%get3A_271, %get3A_272] {strides = array<i32>} : memref<64x1024xf32, #tpu.memory_space<vmem>>, vector<1x16xf32>,
      %get3A_274 = vector.shape_cast %get3A_273 : vector<1x16xf32> to vector<16xf32>
      %mul3A_275 = arith.mulf %get3A_274, %get3A_31 : vector<16xf32>
      %swap3A_276 = arith.index_cast %scan3A_28 : i32 to index
      %swap3A_277 = arith.constant 384 : index
      %swap3A_278 = tpu.vector_load %arg8[%swap3A_276, %swap3A_277] {strides = array<i32>} : memref<64x1024xf32, #tpu.memory_space<vmem>>, vector<1x16xf32>,
      %swap3A_279 = vector.shape_cast %swap3A_278 : vector<1x16xf32> to vector<16xf32>
      %swap3A_280 = vector.shape_cast %mul3A_275 : vector<16xf32> to vector<1x16xf32>
      tpu.vector_store %arg8[%swap3A_276, %swap3A_277], %swap3A_280 {strides = array<i32>} : memref<64x1024xf32, #tpu.memory_space<vmem>>, vector<1x16xf32>,
      %get3A_281 = arith.index_cast %scan3A_28 : i32 to index
      %get3A_282 = arith.constant 400 : index
      %get3A_283 = tpu.vector_load %arg8[%get3A_281, %get3A_282] {strides = array<i32>} : memref<64x1024xf32, #tpu.memory_space<vmem>>, vector<1x16xf32>,
      %get3A_284 = vector.shape_cast %get3A_283 : vector<1x16xf32> to vector<16xf32>
      %mul3A_285 = arith.mulf %get3A_284, %get3A_31 : vector<16xf32>
      %swap3A_286 = arith.index_cast %scan3A_28 : i32 to index
      %swap3A_287 = arith.constant 400 : index
      %swap3A_288 = tpu.vector_load %arg8[%swap3A_286, %swap3A_287] {strides = array<i32>} : memref<64x1024xf32, #tpu.memory_space<vmem>>, vector<1x16xf32>,
      %swap3A_289 = vector.shape_cast %swap3A_288 : vector<1x16xf32> to vector<16xf32>
      %swap3A_290 = vector.shape_cast %mul3A_285 : vector<16xf32> to vector<1x16xf32>
      tpu.vector_store %arg8[%swap3A_286, %swap3A_287], %swap3A_290 {strides = array<i32>} : memref<64x1024xf32, #tpu.memory_space<vmem>>, vector<1x16xf32>,
      %get3A_291 = arith.index_cast %scan3A_28 : i32 to index
      %get3A_292 = arith.constant 416 : index
      %get3A_293 = tpu.vector_load %arg8[%get3A_291, %get3A_292] {strides = array<i32>} : memref<64x1024xf32, #tpu.memory_space<vmem>>, vector<1x16xf32>,
      %get3A_294 = vector.shape_cast %get3A_293 : vector<1x16xf32> to vector<16xf32>
      %mul3A_295 = arith.mulf %get3A_294, %get3A_31 : vector<16xf32>
      %swap3A_296 = arith.index_cast %scan3A_28 : i32 to index
      %swap3A_297 = arith.constant 416 : index
      %swap3A_298 = tpu.vector_load %arg8[%swap3A_296, %swap3A_297] {strides = array<i32>} : memref<64x1024xf32, #tpu.memory_space<vmem>>, vector<1x16xf32>,
      %swap3A_299 = vector.shape_cast %swap3A_298 : vector<1x16xf32> to vector<16xf32>
      %swap3A_300 = vector.shape_cast %mul3A_295 : vector<16xf32> to vector<1x16xf32>
      tpu.vector_store %arg8[%swap3A_296, %swap3A_297], %swap3A_300 {strides = array<i32>} : memref<64x1024xf32, #tpu.memory_space<vmem>>, vector<1x16xf32>,
      %get3A_301 = arith.index_cast %scan3A_28 : i32 to index
      %get3A_302 = arith.constant 432 : index
      %get3A_303 = tpu.vector_load %arg8[%get3A_301, %get3A_302] {strides = array<i32>} : memref<64x1024xf32, #tpu.memory_space<vmem>>, vector<1x16xf32>,
      %get3A_304 = vector.shape_cast %get3A_303 : vector<1x16xf32> to vector<16xf32>
      %mul3A_305 = arith.mulf %get3A_304, %get3A_31 : vector<16xf32>
      %swap3A_306 = arith.index_cast %scan3A_28 : i32 to index
      %swap3A_307 = arith.constant 432 : index
      %swap3A_308 = tpu.vector_load %arg8[%swap3A_306, %swap3A_307] {strides = array<i32>} : memref<64x1024xf32, #tpu.memory_space<vmem>>, vector<1x16xf32>,
      %swap3A_309 = vector.shape_cast %swap3A_308 : vector<1x16xf32> to vector<16xf32>
      %swap3A_310 = vector.shape_cast %mul3A_305 : vector<16xf32> to vector<1x16xf32>
      tpu.vector_store %arg8[%swap3A_306, %swap3A_307], %swap3A_310 {strides = array<i32>} : memref<64x1024xf32, #tpu.memory_space<vmem>>, vector<1x16xf32>,
      %get3A_311 = arith.index_cast %scan3A_28 : i32 to index
      %get3A_312 = arith.constant 448 : index
      %get3A_313 = tpu.vector_load %arg8[%get3A_311, %get3A_312] {strides = array<i32>} : memref<64x1024xf32, #tpu.memory_space<vmem>>, vector<1x16xf32>,
      %get3A_314 = vector.shape_cast %get3A_313 : vector<1x16xf32> to vector<16xf32>
      %mul3A_315 = arith.mulf %get3A_314, %get3A_31 : vector<16xf32>
      %swap3A_316 = arith.index_cast %scan3A_28 : i32 to index
      %swap3A_317 = arith.constant 448 : index
      %swap3A_318 = tpu.vector_load %arg8[%swap3A_316, %swap3A_317] {strides = array<i32>} : memref<64x1024xf32, #tpu.memory_space<vmem>>, vector<1x16xf32>,
      %swap3A_319 = vector.shape_cast %swap3A_318 : vector<1x16xf32> to vector<16xf32>
      %swap3A_320 = vector.shape_cast %mul3A_315 : vector<16xf32> to vector<1x16xf32>
      tpu.vector_store %arg8[%swap3A_316, %swap3A_317], %swap3A_320 {strides = array<i32>} : memref<64x1024xf32, #tpu.memory_space<vmem>>, vector<1x16xf32>,
      %get3A_321 = arith.index_cast %scan3A_28 : i32 to index
      %get3A_322 = arith.constant 464 : index
      %get3A_323 = tpu.vector_load %arg8[%get3A_321, %get3A_322] {strides = array<i32>} : memref<64x1024xf32, #tpu.memory_space<vmem>>, vector<1x16xf32>,
      %get3A_324 = vector.shape_cast %get3A_323 : vector<1x16xf32> to vector<16xf32>
      %mul3A_325 = arith.mulf %get3A_324, %get3A_31 : vector<16xf32>
      %swap3A_326 = arith.index_cast %scan3A_28 : i32 to index
      %swap3A_327 = arith.constant 464 : index
      %swap3A_328 = tpu.vector_load %arg8[%swap3A_326, %swap3A_327] {strides = array<i32>} : memref<64x1024xf32, #tpu.memory_space<vmem>>, vector<1x16xf32>,
      %swap3A_329 = vector.shape_cast %swap3A_328 : vector<1x16xf32> to vector<16xf32>
      %swap3A_330 = vector.shape_cast %mul3A_325 : vector<16xf32> to vector<1x16xf32>
      tpu.vector_store %arg8[%swap3A_326, %swap3A_327], %swap3A_330 {strides = array<i32>} : memref<64x1024xf32, #tpu.memory_space<vmem>>, vector<1x16xf32>,
      %get3A_331 = arith.index_cast %scan3A_28 : i32 to index
      %get3A_332 = arith.constant 480 : index
      %get3A_333 = tpu.vector_load %arg8[%get3A_331, %get3A_332] {strides = array<i32>} : memref<64x1024xf32, #tpu.memory_space<vmem>>, vector<1x16xf32>,
      %get3A_334 = vector.shape_cast %get3A_333 : vector<1x16xf32> to vector<16xf32>
      %mul3A_335 = arith.mulf %get3A_334, %get3A_31 : vector<16xf32>
      %swap3A_336 = arith.index_cast %scan3A_28 : i32 to index
      %swap3A_337 = arith.constant 480 : index
      %swap3A_338 = tpu.vector_load %arg8[%swap3A_336, %swap3A_337] {strides = array<i32>} : memref<64x1024xf32, #tpu.memory_space<vmem>>, vector<1x16xf32>,
      %swap3A_339 = vector.shape_cast %swap3A_338 : vector<1x16xf32> to vector<16xf32>
      %swap3A_340 = vector.shape_cast %mul3A_335 : vector<16xf32> to vector<1x16xf32>
      tpu.vector_store %arg8[%swap3A_336, %swap3A_337], %swap3A_340 {strides = array<i32>} : memref<64x1024xf32, #tpu.memory_space<vmem>>, vector<1x16xf32>,
      %get3A_341 = arith.index_cast %scan3A_28 : i32 to index
      %get3A_342 = arith.constant 496 : index
      %get3A_343 = tpu.vector_load %arg8[%get3A_341, %get3A_342] {strides = array<i32>} : memref<64x1024xf32, #tpu.memory_space<vmem>>, vector<1x16xf32>,
      %get3A_344 = vector.shape_cast %get3A_343 : vector<1x16xf32> to vector<16xf32>
      %mul3A_345 = arith.mulf %get3A_344, %get3A_31 : vector<16xf32>
      %swap3A_346 = arith.index_cast %scan3A_28 : i32 to index
      %swap3A_347 = arith.constant 496 : index
      %swap3A_348 = tpu.vector_load %arg8[%swap3A_346, %swap3A_347] {strides = array<i32>} : memref<64x1024xf32, #tpu.memory_space<vmem>>, vector<1x16xf32>,
      %swap3A_349 = vector.shape_cast %swap3A_348 : vector<1x16xf32> to vector<16xf32>
      %swap3A_350 = vector.shape_cast %mul3A_345 : vector<16xf32> to vector<1x16xf32>
      tpu.vector_store %arg8[%swap3A_346, %swap3A_347], %swap3A_350 {strides = array<i32>} : memref<64x1024xf32, #tpu.memory_space<vmem>>, vector<1x16xf32>,
      %get3A_351 = arith.index_cast %scan3A_28 : i32 to index
      %get3A_352 = arith.constant 512 : index
      %get3A_353 = tpu.vector_load %arg8[%get3A_351, %get3A_352] {strides = array<i32>} : memref<64x1024xf32, #tpu.memory_space<vmem>>, vector<1x16xf32>,
      %get3A_354 = vector.shape_cast %get3A_353 : vector<1x16xf32> to vector<16xf32>
      %mul3A_355 = arith.mulf %get3A_354, %get3A_31 : vector<16xf32>
      %swap3A_356 = arith.index_cast %scan3A_28 : i32 to index
      %swap3A_357 = arith.constant 512 : index
      %swap3A_358 = tpu.vector_load %arg8[%swap3A_356, %swap3A_357] {strides = array<i32>} : memref<64x1024xf32, #tpu.memory_space<vmem>>, vector<1x16xf32>,
      %swap3A_359 = vector.shape_cast %swap3A_358 : vector<1x16xf32> to vector<16xf32>
      %swap3A_360 = vector.shape_cast %mul3A_355 : vector<16xf32> to vector<1x16xf32>
      tpu.vector_store %arg8[%swap3A_356, %swap3A_357], %swap3A_360 {strides = array<i32>} : memref<64x1024xf32, #tpu.memory_space<vmem>>, vector<1x16xf32>,
      %get3A_361 = arith.index_cast %scan3A_28 : i32 to index
      %get3A_362 = arith.constant 528 : index
      %get3A_363 = tpu.vector_load %arg8[%get3A_361, %get3A_362] {strides = array<i32>} : memref<64x1024xf32, #tpu.memory_space<vmem>>, vector<1x16xf32>,
      %get3A_364 = vector.shape_cast %get3A_363 : vector<1x16xf32> to vector<16xf32>
      %mul3A_365 = arith.mulf %get3A_364, %get3A_31 : vector<16xf32>
      %swap3A_366 = arith.index_cast %scan3A_28 : i32 to index
      %swap3A_367 = arith.constant 528 : index
      %swap3A_368 = tpu.vector_load %arg8[%swap3A_366, %swap3A_367] {strides = array<i32>} : memref<64x1024xf32, #tpu.memory_space<vmem>>, vector<1x16xf32>,
      %swap3A_369 = vector.shape_cast %swap3A_368 : vector<1x16xf32> to vector<16xf32>
      %swap3A_370 = vector.shape_cast %mul3A_365 : vector<16xf32> to vector<1x16xf32>
      tpu.vector_store %arg8[%swap3A_366, %swap3A_367], %swap3A_370 {strides = array<i32>} : memref<64x1024xf32, #tpu.memory_space<vmem>>, vector<1x16xf32>,
      %get3A_371 = arith.index_cast %scan3A_28 : i32 to index
      %get3A_372 = arith.constant 544 : index
      %get3A_373 = tpu.vector_load %arg8[%get3A_371, %get3A_372] {strides = array<i32>} : memref<64x1024xf32, #tpu.memory_space<vmem>>, vector<1x16xf32>,
      %get3A_374 = vector.shape_cast %get3A_373 : vector<1x16xf32> to vector<16xf32>
      %mul3A_375 = arith.mulf %get3A_374, %get3A_31 : vector<16xf32>
      %swap3A_376 = arith.index_cast %scan3A_28 : i32 to index
      %swap3A_377 = arith.constant 544 : index
      %swap3A_378 = tpu.vector_load %arg8[%swap3A_376, %swap3A_377] {strides = array<i32>} : memref<64x1024xf32, #tpu.memory_space<vmem>>, vector<1x16xf32>,
      %swap3A_379 = vector.shape_cast %swap3A_378 : vector<1x16xf32> to vector<16xf32>
      %swap3A_380 = vector.shape_cast %mul3A_375 : vector<16xf32> to vector<1x16xf32>
      tpu.vector_store %arg8[%swap3A_376, %swap3A_377], %swap3A_380 {strides = array<i32>} : memref<64x1024xf32, #tpu.memory_space<vmem>>, vector<1x16xf32>,
      %get3A_381 = arith.index_cast %scan3A_28 : i32 to index
      %get3A_382 = arith.constant 560 : index
      %get3A_383 = tpu.vector_load %arg8[%get3A_381, %get3A_382] {strides = array<i32>} : memref<64x1024xf32, #tpu.memory_space<vmem>>, vector<1x16xf32>,
      %get3A_384 = vector.shape_cast %get3A_383 : vector<1x16xf32> to vector<16xf32>
      %mul3A_385 = arith.mulf %get3A_384, %get3A_31 : vector<16xf32>
      %swap3A_386 = arith.index_cast %scan3A_28 : i32 to index
      %swap3A_387 = arith.constant 560 : index
      %swap3A_388 = tpu.vector_load %arg8[%swap3A_386, %swap3A_387] {strides = array<i32>} : memref<64x1024xf32, #tpu.memory_space<vmem>>, vector<1x16xf32>,
      %swap3A_389 = vector.shape_cast %swap3A_388 : vector<1x16xf32> to vector<16xf32>
      %swap3A_390 = vector.shape_cast %mul3A_385 : vector<16xf32> to vector<1x16xf32>
      tpu.vector_store %arg8[%swap3A_386, %swap3A_387], %swap3A_390 {strides = array<i32>} : memref<64x1024xf32, #tpu.memory_space<vmem>>, vector<1x16xf32>,
      %get3A_391 = arith.index_cast %scan3A_28 : i32 to index
      %get3A_392 = arith.constant 576 : index
      %get3A_393 = tpu.vector_load %arg8[%get3A_391, %get3A_392] {strides = array<i32>} : memref<64x1024xf32, #tpu.memory_space<vmem>>, vector<1x16xf32>,
      %get3A_394 = vector.shape_cast %get3A_393 : vector<1x16xf32> to vector<16xf32>
      %mul3A_395 = arith.mulf %get3A_394, %get3A_31 : vector<16xf32>
      %swap3A_396 = arith.index_cast %scan3A_28 : i32 to index
      %swap3A_397 = arith.constant 576 : index
      %swap3A_398 = tpu.vector_load %arg8[%swap3A_396, %swap3A_397] {strides = array<i32>} : memref<64x1024xf32, #tpu.memory_space<vmem>>, vector<1x16xf32>,
      %swap3A_399 = vector.shape_cast %swap3A_398 : vector<1x16xf32> to vector<16xf32>
      %swap3A_400 = vector.shape_cast %mul3A_395 : vector<16xf32> to vector<1x16xf32>
      tpu.vector_store %arg8[%swap3A_396, %swap3A_397], %swap3A_400 {strides = array<i32>} : memref<64x1024xf32, #tpu.memory_space<vmem>>, vector<1x16xf32>,
      %get3A_401 = arith.index_cast %scan3A_28 : i32 to index
      %get3A_402 = arith.constant 592 : index
      %get3A_403 = tpu.vector_load %arg8[%get3A_401, %get3A_402] {strides = array<i32>} : memref<64x1024xf32, #tpu.memory_space<vmem>>, vector<1x16xf32>,
      %get3A_404 = vector.shape_cast %get3A_403 : vector<1x16xf32> to vector<16xf32>
      %mul3A_405 = arith.mulf %get3A_404, %get3A_31 : vector<16xf32>
      %swap3A_406 = arith.index_cast %scan3A_28 : i32 to index
      %swap3A_407 = arith.constant 592 : index
      %swap3A_408 = tpu.vector_load %arg8[%swap3A_406, %swap3A_407] {strides = array<i32>} : memref<64x1024xf32, #tpu.memory_space<vmem>>, vector<1x16xf32>,
      %swap3A_409 = vector.shape_cast %swap3A_408 : vector<1x16xf32> to vector<16xf32>
      %swap3A_410 = vector.shape_cast %mul3A_405 : vector<16xf32> to vector<1x16xf32>
      tpu.vector_store %arg8[%swap3A_406, %swap3A_407], %swap3A_410 {strides = array<i32>} : memref<64x1024xf32, #tpu.memory_space<vmem>>, vector<1x16xf32>,
      %get3A_411 = arith.index_cast %scan3A_28 : i32 to index
      %get3A_412 = arith.constant 608 : index
      %get3A_413 = tpu.vector_load %arg8[%get3A_411, %get3A_412] {strides = array<i32>} : memref<64x1024xf32, #tpu.memory_space<vmem>>, vector<1x16xf32>,
      %get3A_414 = vector.shape_cast %get3A_413 : vector<1x16xf32> to vector<16xf32>
      %mul3A_415 = arith.mulf %get3A_414, %get3A_31 : vector<16xf32>
      %swap3A_416 = arith.index_cast %scan3A_28 : i32 to index
      %swap3A_417 = arith.constant 608 : index
      %swap3A_418 = tpu.vector_load %arg8[%swap3A_416, %swap3A_417] {strides = array<i32>} : memref<64x1024xf32, #tpu.memory_space<vmem>>, vector<1x16xf32>,
      %swap3A_419 = vector.shape_cast %swap3A_418 : vector<1x16xf32> to vector<16xf32>
      %swap3A_420 = vector.shape_cast %mul3A_415 : vector<16xf32> to vector<1x16xf32>
      tpu.vector_store %arg8[%swap3A_416, %swap3A_417], %swap3A_420 {strides = array<i32>} : memref<64x1024xf32, #tpu.memory_space<vmem>>, vector<1x16xf32>,
      %get3A_421 = arith.index_cast %scan3A_28 : i32 to index
      %get3A_422 = arith.constant 624 : index
      %get3A_423 = tpu.vector_load %arg8[%get3A_421, %get3A_422] {strides = array<i32>} : memref<64x1024xf32, #tpu.memory_space<vmem>>, vector<1x16xf32>,
      %get3A_424 = vector.shape_cast %get3A_423 : vector<1x16xf32> to vector<16xf32>
      %mul3A_425 = arith.mulf %get3A_424, %get3A_31 : vector<16xf32>
      %swap3A_426 = arith.index_cast %scan3A_28 : i32 to index
      %swap3A_427 = arith.constant 624 : index
      %swap3A_428 = tpu.vector_load %arg8[%swap3A_426, %swap3A_427] {strides = array<i32>} : memref<64x1024xf32, #tpu.memory_space<vmem>>, vector<1x16xf32>,
      %swap3A_429 = vector.shape_cast %swap3A_428 : vector<1x16xf32> to vector<16xf32>
      %swap3A_430 = vector.shape_cast %mul3A_425 : vector<16xf32> to vector<1x16xf32>
      tpu.vector_store %arg8[%swap3A_426, %swap3A_427], %swap3A_430 {strides = array<i32>} : memref<64x1024xf32, #tpu.memory_space<vmem>>, vector<1x16xf32>,
      %get3A_431 = arith.index_cast %scan3A_28 : i32 to index
      %get3A_432 = arith.constant 640 : index
      %get3A_433 = tpu.vector_load %arg8[%get3A_431, %get3A_432] {strides = array<i32>} : memref<64x1024xf32, #tpu.memory_space<vmem>>, vector<1x16xf32>,
      %get3A_434 = vector.shape_cast %get3A_433 : vector<1x16xf32> to vector<16xf32>
      %mul3A_435 = arith.mulf %get3A_434, %get3A_31 : vector<16xf32>
      %swap3A_436 = arith.index_cast %scan3A_28 : i32 to index
      %swap3A_437 = arith.constant 640 : index
      %swap3A_438 = tpu.vector_load %arg8[%swap3A_436, %swap3A_437] {strides = array<i32>} : memref<64x1024xf32, #tpu.memory_space<vmem>>, vector<1x16xf32>,
      %swap3A_439 = vector.shape_cast %swap3A_438 : vector<1x16xf32> to vector<16xf32>
      %swap3A_440 = vector.shape_cast %mul3A_435 : vector<16xf32> to vector<1x16xf32>
      tpu.vector_store %arg8[%swap3A_436, %swap3A_437], %swap3A_440 {strides = array<i32>} : memref<64x1024xf32, #tpu.memory_space<vmem>>, vector<1x16xf32>,
      %get3A_441 = arith.index_cast %scan3A_28 : i32 to index
      %get3A_442 = arith.constant 656 : index
      %get3A_443 = tpu.vector_load %arg8[%get3A_441, %get3A_442] {strides = array<i32>} : memref<64x1024xf32, #tpu.memory_space<vmem>>, vector<1x16xf32>,
      %get3A_444 = vector.shape_cast %get3A_443 : vector<1x16xf32> to vector<16xf32>
      %mul3A_445 = arith.mulf %get3A_444, %get3A_31 : vector<16xf32>
      %swap3A_446 = arith.index_cast %scan3A_28 : i32 to index
      %swap3A_447 = arith.constant 656 : index
      %swap3A_448 = tpu.vector_load %arg8[%swap3A_446, %swap3A_447] {strides = array<i32>} : memref<64x1024xf32, #tpu.memory_space<vmem>>, vector<1x16xf32>,
      %swap3A_449 = vector.shape_cast %swap3A_448 : vector<1x16xf32> to vector<16xf32>
      %swap3A_450 = vector.shape_cast %mul3A_445 : vector<16xf32> to vector<1x16xf32>
      tpu.vector_store %arg8[%swap3A_446, %swap3A_447], %swap3A_450 {strides = array<i32>} : memref<64x1024xf32, #tpu.memory_space<vmem>>, vector<1x16xf32>,
      %get3A_451 = arith.index_cast %scan3A_28 : i32 to index
      %get3A_452 = arith.constant 672 : index
      %get3A_453 = tpu.vector_load %arg8[%get3A_451, %get3A_452] {strides = array<i32>} : memref<64x1024xf32, #tpu.memory_space<vmem>>, vector<1x16xf32>,
      %get3A_454 = vector.shape_cast %get3A_453 : vector<1x16xf32> to vector<16xf32>
      %mul3A_455 = arith.mulf %get3A_454, %get3A_31 : vector<16xf32>
      %swap3A_456 = arith.index_cast %scan3A_28 : i32 to index
      %swap3A_457 = arith.constant 672 : index
      %swap3A_458 = tpu.vector_load %arg8[%swap3A_456, %swap3A_457] {strides = array<i32>} : memref<64x1024xf32, #tpu.memory_space<vmem>>, vector<1x16xf32>,
      %swap3A_459 = vector.shape_cast %swap3A_458 : vector<1x16xf32> to vector<16xf32>
      %swap3A_460 = vector.shape_cast %mul3A_455 : vector<16xf32> to vector<1x16xf32>
      tpu.vector_store %arg8[%swap3A_456, %swap3A_457], %swap3A_460 {strides = array<i32>} : memref<64x1024xf32, #tpu.memory_space<vmem>>, vector<1x16xf32>,
      %get3A_461 = arith.index_cast %scan3A_28 : i32 to index
      %get3A_462 = arith.constant 688 : index
      %get3A_463 = tpu.vector_load %arg8[%get3A_461, %get3A_462] {strides = array<i32>} : memref<64x1024xf32, #tpu.memory_space<vmem>>, vector<1x16xf32>,
      %get3A_464 = vector.shape_cast %get3A_463 : vector<1x16xf32> to vector<16xf32>
      %mul3A_465 = arith.mulf %get3A_464, %get3A_31 : vector<16xf32>
      %swap3A_466 = arith.index_cast %scan3A_28 : i32 to index
      %swap3A_467 = arith.constant 688 : index
      %swap3A_468 = tpu.vector_load %arg8[%swap3A_466, %swap3A_467] {strides = array<i32>} : memref<64x1024xf32, #tpu.memory_space<vmem>>, vector<1x16xf32>,
      %swap3A_469 = vector.shape_cast %swap3A_468 : vector<1x16xf32> to vector<16xf32>
      %swap3A_470 = vector.shape_cast %mul3A_465 : vector<16xf32> to vector<1x16xf32>
      tpu.vector_store %arg8[%swap3A_466, %swap3A_467], %swap3A_470 {strides = array<i32>} : memref<64x1024xf32, #tpu.memory_space<vmem>>, vector<1x16xf32>,
      %get3A_471 = arith.index_cast %scan3A_28 : i32 to index
      %get3A_472 = arith.constant 704 : index
      %get3A_473 = tpu.vector_load %arg8[%get3A_471, %get3A_472] {strides = array<i32>} : memref<64x1024xf32, #tpu.memory_space<vmem>>, vector<1x16xf32>,
      %get3A_474 = vector.shape_cast %get3A_473 : vector<1x16xf32> to vector<16xf32>
      %mul3A_475 = arith.mulf %get3A_474, %get3A_31 : vector<16xf32>
      %swap3A_476 = arith.index_cast %scan3A_28 : i32 to index
      %swap3A_477 = arith.constant 704 : index
      %swap3A_478 = tpu.vector_load %arg8[%swap3A_476, %swap3A_477] {strides = array<i32>} : memref<64x1024xf32, #tpu.memory_space<vmem>>, vector<1x16xf32>,
      %swap3A_479 = vector.shape_cast %swap3A_478 : vector<1x16xf32> to vector<16xf32>
      %swap3A_480 = vector.shape_cast %mul3A_475 : vector<16xf32> to vector<1x16xf32>
      tpu.vector_store %arg8[%swap3A_476, %swap3A_477], %swap3A_480 {strides = array<i32>} : memref<64x1024xf32, #tpu.memory_space<vmem>>, vector<1x16xf32>,
      %get3A_481 = arith.index_cast %scan3A_28 : i32 to index
      %get3A_482 = arith.constant 720 : index
      %get3A_483 = tpu.vector_load %arg8[%get3A_481, %get3A_482] {strides = array<i32>} : memref<64x1024xf32, #tpu.memory_space<vmem>>, vector<1x16xf32>,
      %get3A_484 = vector.shape_cast %get3A_483 : vector<1x16xf32> to vector<16xf32>
      %mul3A_485 = arith.mulf %get3A_484, %get3A_31 : vector<16xf32>
      %swap3A_486 = arith.index_cast %scan3A_28 : i32 to index
      %swap3A_487 = arith.constant 720 : index
      %swap3A_488 = tpu.vector_load %arg8[%swap3A_486, %swap3A_487] {strides = array<i32>} : memref<64x1024xf32, #tpu.memory_space<vmem>>, vector<1x16xf32>,
      %swap3A_489 = vector.shape_cast %swap3A_488 : vector<1x16xf32> to vector<16xf32>
      %swap3A_490 = vector.shape_cast %mul3A_485 : vector<16xf32> to vector<1x16xf32>
      tpu.vector_store %arg8[%swap3A_486, %swap3A_487], %swap3A_490 {strides = array<i32>} : memref<64x1024xf32, #tpu.memory_space<vmem>>, vector<1x16xf32>,
      %get3A_491 = arith.index_cast %scan3A_28 : i32 to index
      %get3A_492 = arith.constant 736 : index
      %get3A_493 = tpu.vector_load %arg8[%get3A_491, %get3A_492] {strides = array<i32>} : memref<64x1024xf32, #tpu.memory_space<vmem>>, vector<1x16xf32>,
      %get3A_494 = vector.shape_cast %get3A_493 : vector<1x16xf32> to vector<16xf32>
      %mul3A_495 = arith.mulf %get3A_494, %get3A_31 : vector<16xf32>
      %swap3A_496 = arith.index_cast %scan3A_28 : i32 to index
      %swap3A_497 = arith.constant 736 : index
      %swap3A_498 = tpu.vector_load %arg8[%swap3A_496, %swap3A_497] {strides = array<i32>} : memref<64x1024xf32, #tpu.memory_space<vmem>>, vector<1x16xf32>,
      %swap3A_499 = vector.shape_cast %swap3A_498 : vector<1x16xf32> to vector<16xf32>
      %swap3A_500 = vector.shape_cast %mul3A_495 : vector<16xf32> to vector<1x16xf32>
      tpu.vector_store %arg8[%swap3A_496, %swap3A_497], %swap3A_500 {strides = array<i32>} : memref<64x1024xf32, #tpu.memory_space<vmem>>, vector<1x16xf32>,
      %get3A_501 = arith.index_cast %scan3A_28 : i32 to index
      %get3A_502 = arith.constant 752 : index
      %get3A_503 = tpu.vector_load %arg8[%get3A_501, %get3A_502] {strides = array<i32>} : memref<64x1024xf32, #tpu.memory_space<vmem>>, vector<1x16xf32>,
      %get3A_504 = vector.shape_cast %get3A_503 : vector<1x16xf32> to vector<16xf32>
      %mul3A_505 = arith.mulf %get3A_504, %get3A_31 : vector<16xf32>
      %swap3A_506 = arith.index_cast %scan3A_28 : i32 to index
      %swap3A_507 = arith.constant 752 : index
      %swap3A_508 = tpu.vector_load %arg8[%swap3A_506, %swap3A_507] {strides = array<i32>} : memref<64x1024xf32, #tpu.memory_space<vmem>>, vector<1x16xf32>,
      %swap3A_509 = vector.shape_cast %swap3A_508 : vector<1x16xf32> to vector<16xf32>
      %swap3A_510 = vector.shape_cast %mul3A_505 : vector<16xf32> to vector<1x16xf32>
      tpu.vector_store %arg8[%swap3A_506, %swap3A_507], %swap3A_510 {strides = array<i32>} : memref<64x1024xf32, #tpu.memory_space<vmem>>, vector<1x16xf32>,
      %get3A_511 = arith.index_cast %scan3A_28 : i32 to index
      %get3A_512 = arith.constant 768 : index
      %get3A_513 = tpu.vector_load %arg8[%get3A_511, %get3A_512] {strides = array<i32>} : memref<64x1024xf32, #tpu.memory_space<vmem>>, vector<1x16xf32>,
      %get3A_514 = vector.shape_cast %get3A_513 : vector<1x16xf32> to vector<16xf32>
      %mul3A_515 = arith.mulf %get3A_514, %get3A_31 : vector<16xf32>
      %swap3A_516 = arith.index_cast %scan3A_28 : i32 to index
      %swap3A_517 = arith.constant 768 : index
      %swap3A_518 = tpu.vector_load %arg8[%swap3A_516, %swap3A_517] {strides = array<i32>} : memref<64x1024xf32, #tpu.memory_space<vmem>>, vector<1x16xf32>,
      %swap3A_519 = vector.shape_cast %swap3A_518 : vector<1x16xf32> to vector<16xf32>
      %swap3A_520 = vector.shape_cast %mul3A_515 : vector<16xf32> to vector<1x16xf32>
      tpu.vector_store %arg8[%swap3A_516, %swap3A_517], %swap3A_520 {strides = array<i32>} : memref<64x1024xf32, #tpu.memory_space<vmem>>, vector<1x16xf32>,
      %get3A_521 = arith.index_cast %scan3A_28 : i32 to index
      %get3A_522 = arith.constant 784 : index
      %get3A_523 = tpu.vector_load %arg8[%get3A_521, %get3A_522] {strides = array<i32>} : memref<64x1024xf32, #tpu.memory_space<vmem>>, vector<1x16xf32>,
      %get3A_524 = vector.shape_cast %get3A_523 : vector<1x16xf32> to vector<16xf32>
      %mul3A_525 = arith.mulf %get3A_524, %get3A_31 : vector<16xf32>
      %swap3A_526 = arith.index_cast %scan3A_28 : i32 to index
      %swap3A_527 = arith.constant 784 : index
      %swap3A_528 = tpu.vector_load %arg8[%swap3A_526, %swap3A_527] {strides = array<i32>} : memref<64x1024xf32, #tpu.memory_space<vmem>>, vector<1x16xf32>,
      %swap3A_529 = vector.shape_cast %swap3A_528 : vector<1x16xf32> to vector<16xf32>
      %swap3A_530 = vector.shape_cast %mul3A_525 : vector<16xf32> to vector<1x16xf32>
      tpu.vector_store %arg8[%swap3A_526, %swap3A_527], %swap3A_530 {strides = array<i32>} : memref<64x1024xf32, #tpu.memory_space<vmem>>, vector<1x16xf32>,
      %get3A_531 = arith.index_cast %scan3A_28 : i32 to index
      %get3A_532 = arith.constant 800 : index
      %get3A_533 = tpu.vector_load %arg8[%get3A_531, %get3A_532] {strides = array<i32>} : memref<64x1024xf32, #tpu.memory_space<vmem>>, vector<1x16xf32>,
      %get3A_534 = vector.shape_cast %get3A_533 : vector<1x16xf32> to vector<16xf32>
      %mul3A_535 = arith.mulf %get3A_534, %get3A_31 : vector<16xf32>
      %swap3A_536 = arith.index_cast %scan3A_28 : i32 to index
      %swap3A_537 = arith.constant 800 : index
      %swap3A_538 = tpu.vector_load %arg8[%swap3A_536, %swap3A_537] {strides = array<i32>} : memref<64x1024xf32, #tpu.memory_space<vmem>>, vector<1x16xf32>,
      %swap3A_539 = vector.shape_cast %swap3A_538 : vector<1x16xf32> to vector<16xf32>
      %swap3A_540 = vector.shape_cast %mul3A_535 : vector<16xf32> to vector<1x16xf32>
      tpu.vector_store %arg8[%swap3A_536, %swap3A_537], %swap3A_540 {strides = array<i32>} : memref<64x1024xf32, #tpu.memory_space<vmem>>, vector<1x16xf32>,
      %get3A_541 = arith.index_cast %scan3A_28 : i32 to index
      %get3A_542 = arith.constant 816 : index
      %get3A_543 = tpu.vector_load %arg8[%get3A_541, %get3A_542] {strides = array<i32>} : memref<64x1024xf32, #tpu.memory_space<vmem>>, vector<1x16xf32>,
      %get3A_544 = vector.shape_cast %get3A_543 : vector<1x16xf32> to vector<16xf32>
      %mul3A_545 = arith.mulf %get3A_544, %get3A_31 : vector<16xf32>
      %swap3A_546 = arith.index_cast %scan3A_28 : i32 to index
      %swap3A_547 = arith.constant 816 : index
      %swap3A_548 = tpu.vector_load %arg8[%swap3A_546, %swap3A_547] {strides = array<i32>} : memref<64x1024xf32, #tpu.memory_space<vmem>>, vector<1x16xf32>,
      %swap3A_549 = vector.shape_cast %swap3A_548 : vector<1x16xf32> to vector<16xf32>
      %swap3A_550 = vector.shape_cast %mul3A_545 : vector<16xf32> to vector<1x16xf32>
      tpu.vector_store %arg8[%swap3A_546, %swap3A_547], %swap3A_550 {strides = array<i32>} : memref<64x1024xf32, #tpu.memory_space<vmem>>, vector<1x16xf32>,
      %get3A_551 = arith.index_cast %scan3A_28 : i32 to index
      %get3A_552 = arith.constant 832 : index
      %get3A_553 = tpu.vector_load %arg8[%get3A_551, %get3A_552] {strides = array<i32>} : memref<64x1024xf32, #tpu.memory_space<vmem>>, vector<1x16xf32>,
      %get3A_554 = vector.shape_cast %get3A_553 : vector<1x16xf32> to vector<16xf32>
      %mul3A_555 = arith.mulf %get3A_554, %get3A_31 : vector<16xf32>
      %swap3A_556 = arith.index_cast %scan3A_28 : i32 to index
      %swap3A_557 = arith.constant 832 : index
      %swap3A_558 = tpu.vector_load %arg8[%swap3A_556, %swap3A_557] {strides = array<i32>} : memref<64x1024xf32, #tpu.memory_space<vmem>>, vector<1x16xf32>,
      %swap3A_559 = vector.shape_cast %swap3A_558 : vector<1x16xf32> to vector<16xf32>
      %swap3A_560 = vector.shape_cast %mul3A_555 : vector<16xf32> to vector<1x16xf32>
      tpu.vector_store %arg8[%swap3A_556, %swap3A_557], %swap3A_560 {strides = array<i32>} : memref<64x1024xf32, #tpu.memory_space<vmem>>, vector<1x16xf32>,
      %get3A_561 = arith.index_cast %scan3A_28 : i32 to index
      %get3A_562 = arith.constant 848 : index
      %get3A_563 = tpu.vector_load %arg8[%get3A_561, %get3A_562] {strides = array<i32>} : memref<64x1024xf32, #tpu.memory_space<vmem>>, vector<1x16xf32>,
      %get3A_564 = vector.shape_cast %get3A_563 : vector<1x16xf32> to vector<16xf32>
      %mul3A_565 = arith.mulf %get3A_564, %get3A_31 : vector<16xf32>
      %swap3A_566 = arith.index_cast %scan3A_28 : i32 to index
      %swap3A_567 = arith.constant 848 : index
      %swap3A_568 = tpu.vector_load %arg8[%swap3A_566, %swap3A_567] {strides = array<i32>} : memref<64x1024xf32, #tpu.memory_space<vmem>>, vector<1x16xf32>,
      %swap3A_569 = vector.shape_cast %swap3A_568 : vector<1x16xf32> to vector<16xf32>
      %swap3A_570 = vector.shape_cast %mul3A_565 : vector<16xf32> to vector<1x16xf32>
      tpu.vector_store %arg8[%swap3A_566, %swap3A_567], %swap3A_570 {strides = array<i32>} : memref<64x1024xf32, #tpu.memory_space<vmem>>, vector<1x16xf32>,
      %get3A_571 = arith.index_cast %scan3A_28 : i32 to index
      %get3A_572 = arith.constant 864 : index
      %get3A_573 = tpu.vector_load %arg8[%get3A_571, %get3A_572] {strides = array<i32>} : memref<64x1024xf32, #tpu.memory_space<vmem>>, vector<1x16xf32>,
      %get3A_574 = vector.shape_cast %get3A_573 : vector<1x16xf32> to vector<16xf32>
      %mul3A_575 = arith.mulf %get3A_574, %get3A_31 : vector<16xf32>
      %swap3A_576 = arith.index_cast %scan3A_28 : i32 to index
      %swap3A_577 = arith.constant 864 : index
      %swap3A_578 = tpu.vector_load %arg8[%swap3A_576, %swap3A_577] {strides = array<i32>} : memref<64x1024xf32, #tpu.memory_space<vmem>>, vector<1x16xf32>,
      %swap3A_579 = vector.shape_cast %swap3A_578 : vector<1x16xf32> to vector<16xf32>
      %swap3A_580 = vector.shape_cast %mul3A_575 : vector<16xf32> to vector<1x16xf32>
      tpu.vector_store %arg8[%swap3A_576, %swap3A_577], %swap3A_580 {strides = array<i32>} : memref<64x1024xf32, #tpu.memory_space<vmem>>, vector<1x16xf32>,
      %get3A_581 = arith.index_cast %scan3A_28 : i32 to index
      %get3A_582 = arith.constant 880 : index
      %get3A_583 = tpu.vector_load %arg8[%get3A_581, %get3A_582] {strides = array<i32>} : memref<64x1024xf32, #tpu.memory_space<vmem>>, vector<1x16xf32>,
      %get3A_584 = vector.shape_cast %get3A_583 : vector<1x16xf32> to vector<16xf32>
      %mul3A_585 = arith.mulf %get3A_584, %get3A_31 : vector<16xf32>
      %swap3A_586 = arith.index_cast %scan3A_28 : i32 to index
      %swap3A_587 = arith.constant 880 : index
      %swap3A_588 = tpu.vector_load %arg8[%swap3A_586, %swap3A_587] {strides = array<i32>} : memref<64x1024xf32, #tpu.memory_space<vmem>>, vector<1x16xf32>,
      %swap3A_589 = vector.shape_cast %swap3A_588 : vector<1x16xf32> to vector<16xf32>
      %swap3A_590 = vector.shape_cast %mul3A_585 : vector<16xf32> to vector<1x16xf32>
      tpu.vector_store %arg8[%swap3A_586, %swap3A_587], %swap3A_590 {strides = array<i32>} : memref<64x1024xf32, #tpu.memory_space<vmem>>, vector<1x16xf32>,
      %get3A_591 = arith.index_cast %scan3A_28 : i32 to index
      %get3A_592 = arith.constant 896 : index
      %get3A_593 = tpu.vector_load %arg8[%get3A_591, %get3A_592] {strides = array<i32>} : memref<64x1024xf32, #tpu.memory_space<vmem>>, vector<1x16xf32>,
      %get3A_594 = vector.shape_cast %get3A_593 : vector<1x16xf32> to vector<16xf32>
      %mul3A_595 = arith.mulf %get3A_594, %get3A_31 : vector<16xf32>
      %swap3A_596 = arith.index_cast %scan3A_28 : i32 to index
      %swap3A_597 = arith.constant 896 : index
      %swap3A_598 = tpu.vector_load %arg8[%swap3A_596, %swap3A_597] {strides = array<i32>} : memref<64x1024xf32, #tpu.memory_space<vmem>>, vector<1x16xf32>,
      %swap3A_599 = vector.shape_cast %swap3A_598 : vector<1x16xf32> to vector<16xf32>
      %swap3A_600 = vector.shape_cast %mul3A_595 : vector<16xf32> to vector<1x16xf32>
      tpu.vector_store %arg8[%swap3A_596, %swap3A_597], %swap3A_600 {strides = array<i32>} : memref<64x1024xf32, #tpu.memory_space<vmem>>, vector<1x16xf32>,
      %get3A_601 = arith.index_cast %scan3A_28 : i32 to index
      %get3A_602 = arith.constant 912 : index
      %get3A_603 = tpu.vector_load %arg8[%get3A_601, %get3A_602] {strides = array<i32>} : memref<64x1024xf32, #tpu.memory_space<vmem>>, vector<1x16xf32>,
      %get3A_604 = vector.shape_cast %get3A_603 : vector<1x16xf32> to vector<16xf32>
      %mul3A_605 = arith.mulf %get3A_604, %get3A_31 : vector<16xf32>
      %swap3A_606 = arith.index_cast %scan3A_28 : i32 to index
      %swap3A_607 = arith.constant 912 : index
      %swap3A_608 = tpu.vector_load %arg8[%swap3A_606, %swap3A_607] {strides = array<i32>} : memref<64x1024xf32, #tpu.memory_space<vmem>>, vector<1x16xf32>,
      %swap3A_609 = vector.shape_cast %swap3A_608 : vector<1x16xf32> to vector<16xf32>
      %swap3A_610 = vector.shape_cast %mul3A_605 : vector<16xf32> to vector<1x16xf32>
      tpu.vector_store %arg8[%swap3A_606, %swap3A_607], %swap3A_610 {strides = array<i32>} : memref<64x1024xf32, #tpu.memory_space<vmem>>, vector<1x16xf32>,
      %get3A_611 = arith.index_cast %scan3A_28 : i32 to index
      %get3A_612 = arith.constant 928 : index
      %get3A_613 = tpu.vector_load %arg8[%get3A_611, %get3A_612] {strides = array<i32>} : memref<64x1024xf32, #tpu.memory_space<vmem>>, vector<1x16xf32>,
      %get3A_614 = vector.shape_cast %get3A_613 : vector<1x16xf32> to vector<16xf32>
      %mul3A_615 = arith.mulf %get3A_614, %get3A_31 : vector<16xf32>
      %swap3A_616 = arith.index_cast %scan3A_28 : i32 to index
      %swap3A_617 = arith.constant 928 : index
      %swap3A_618 = tpu.vector_load %arg8[%swap3A_616, %swap3A_617] {strides = array<i32>} : memref<64x1024xf32, #tpu.memory_space<vmem>>, vector<1x16xf32>,
      %swap3A_619 = vector.shape_cast %swap3A_618 : vector<1x16xf32> to vector<16xf32>
      %swap3A_620 = vector.shape_cast %mul3A_615 : vector<16xf32> to vector<1x16xf32>
      tpu.vector_store %arg8[%swap3A_616, %swap3A_617], %swap3A_620 {strides = array<i32>} : memref<64x1024xf32, #tpu.memory_space<vmem>>, vector<1x16xf32>,
      %get3A_621 = arith.index_cast %scan3A_28 : i32 to index
      %get3A_622 = arith.constant 944 : index
      %get3A_623 = tpu.vector_load %arg8[%get3A_621, %get3A_622] {strides = array<i32>} : memref<64x1024xf32, #tpu.memory_space<vmem>>, vector<1x16xf32>,
      %get3A_624 = vector.shape_cast %get3A_623 : vector<1x16xf32> to vector<16xf32>
      %mul3A_625 = arith.mulf %get3A_624, %get3A_31 : vector<16xf32>
      %swap3A_626 = arith.index_cast %scan3A_28 : i32 to index
      %swap3A_627 = arith.constant 944 : index
      %swap3A_628 = tpu.vector_load %arg8[%swap3A_626, %swap3A_627] {strides = array<i32>} : memref<64x1024xf32, #tpu.memory_space<vmem>>, vector<1x16xf32>,
      %swap3A_629 = vector.shape_cast %swap3A_628 : vector<1x16xf32> to vector<16xf32>
      %swap3A_630 = vector.shape_cast %mul3A_625 : vector<16xf32> to vector<1x16xf32>
      tpu.vector_store %arg8[%swap3A_626, %swap3A_627], %swap3A_630 {strides = array<i32>} : memref<64x1024xf32, #tpu.memory_space<vmem>>, vector<1x16xf32>,
      %get3A_631 = arith.index_cast %scan3A_28 : i32 to index
      %get3A_632 = arith.constant 960 : index
      %get3A_633 = tpu.vector_load %arg8[%get3A_631, %get3A_632] {strides = array<i32>} : memref<64x1024xf32, #tpu.memory_space<vmem>>, vector<1x16xf32>,
      %get3A_634 = vector.shape_cast %get3A_633 : vector<1x16xf32> to vector<16xf32>
      %mul3A_635 = arith.mulf %get3A_634, %get3A_31 : vector<16xf32>
      %swap3A_636 = arith.index_cast %scan3A_28 : i32 to index
      %swap3A_637 = arith.constant 960 : index
      %swap3A_638 = tpu.vector_load %arg8[%swap3A_636, %swap3A_637] {strides = array<i32>} : memref<64x1024xf32, #tpu.memory_space<vmem>>, vector<1x16xf32>,
      %swap3A_639 = vector.shape_cast %swap3A_638 : vector<1x16xf32> to vector<16xf32>
      %swap3A_640 = vector.shape_cast %mul3A_635 : vector<16xf32> to vector<1x16xf32>
      tpu.vector_store %arg8[%swap3A_636, %swap3A_637], %swap3A_640 {strides = array<i32>} : memref<64x1024xf32, #tpu.memory_space<vmem>>, vector<1x16xf32>,
      %get3A_641 = arith.index_cast %scan3A_28 : i32 to index
      %get3A_642 = arith.constant 976 : index
      %get3A_643 = tpu.vector_load %arg8[%get3A_641, %get3A_642] {strides = array<i32>} : memref<64x1024xf32, #tpu.memory_space<vmem>>, vector<1x16xf32>,
      %get3A_644 = vector.shape_cast %get3A_643 : vector<1x16xf32> to vector<16xf32>
      %mul3A_645 = arith.mulf %get3A_644, %get3A_31 : vector<16xf32>
      %swap3A_646 = arith.index_cast %scan3A_28 : i32 to index
      %swap3A_647 = arith.constant 976 : index
      %swap3A_648 = tpu.vector_load %arg8[%swap3A_646, %swap3A_647] {strides = array<i32>} : memref<64x1024xf32, #tpu.memory_space<vmem>>, vector<1x16xf32>,
      %swap3A_649 = vector.shape_cast %swap3A_648 : vector<1x16xf32> to vector<16xf32>
      %swap3A_650 = vector.shape_cast %mul3A_645 : vector<16xf32> to vector<1x16xf32>
      tpu.vector_store %arg8[%swap3A_646, %swap3A_647], %swap3A_650 {strides = array<i32>} : memref<64x1024xf32, #tpu.memory_space<vmem>>, vector<1x16xf32>,
      %get3A_651 = arith.index_cast %scan3A_28 : i32 to index
      %get3A_652 = arith.constant 992 : index
      %get3A_653 = tpu.vector_load %arg8[%get3A_651, %get3A_652] {strides = array<i32>} : memref<64x1024xf32, #tpu.memory_space<vmem>>, vector<1x16xf32>,
      %get3A_654 = vector.shape_cast %get3A_653 : vector<1x16xf32> to vector<16xf32>
      %mul3A_655 = arith.mulf %get3A_654, %get3A_31 : vector<16xf32>
      %swap3A_656 = arith.index_cast %scan3A_28 : i32 to index
      %swap3A_657 = arith.constant 992 : index
      %swap3A_658 = tpu.vector_load %arg8[%swap3A_656, %swap3A_657] {strides = array<i32>} : memref<64x1024xf32, #tpu.memory_space<vmem>>, vector<1x16xf32>,
      %swap3A_659 = vector.shape_cast %swap3A_658 : vector<1x16xf32> to vector<16xf32>
      %swap3A_660 = vector.shape_cast %mul3A_655 : vector<16xf32> to vector<1x16xf32>
      tpu.vector_store %arg8[%swap3A_656, %swap3A_657], %swap3A_660 {strides = array<i32>} : memref<64x1024xf32, #tpu.memory_space<vmem>>, vector<1x16xf32>,
      %get3A_661 = arith.index_cast %scan3A_28 : i32 to index
      %get3A_662 = arith.constant 1008 : index
      %get3A_663 = tpu.vector_load %arg8[%get3A_661, %get3A_662] {strides = array<i32>} : memref<64x1024xf32, #tpu.memory_space<vmem>>, vector<1x16xf32>,
      %get3A_664 = vector.shape_cast %get3A_663 : vector<1x16xf32> to vector<16xf32>
      %mul3A_665 = arith.mulf %get3A_664, %get3A_31 : vector<16xf32>
      %swap3A_666 = arith.index_cast %scan3A_28 : i32 to index
      %swap3A_667 = arith.constant 1008 : index
      %swap3A_668 = tpu.vector_load %arg8[%swap3A_666, %swap3A_667] {strides = array<i32>} : memref<64x1024xf32, #tpu.memory_space<vmem>>, vector<1x16xf32>,
      %swap3A_669 = vector.shape_cast %swap3A_668 : vector<1x16xf32> to vector<16xf32>
      %swap3A_670 = vector.shape_cast %mul3A_665 : vector<16xf32> to vector<1x16xf32>
      tpu.vector_store %arg8[%swap3A_666, %swap3A_667], %swap3A_670 {strides = array<i32>} : memref<64x1024xf32, #tpu.memory_space<vmem>>, vector<1x16xf32>,
    }
    %scan3A_13 = arith.constant 64 : i32
    "tpu.region"() ({
      %run_scoped3A = tpu.sem_alloc : memref<!tpu.dma_semaphore, #tpu.memory_space<semaphore_mem>>
      %dma_start3A_28 = arith.constant 0 : i32
      %dma_start3A_29 = tpu.memref_slice %arg5[%add3A_4, %dma_start3A_28] : memref<4096x1024xf32, #tpu.memory_space<hbm>> -> memref<64x1024xf32, #tpu.memory_space<hbm>>
      %dma_start3A_30 = arith.constant 0 : i32
      %dma_start3A_31 = tpu.memref_slice %arg5[%add3A_4, %dma_start3A_30] : memref<4096x1024xf32, #tpu.memory_space<hbm>> -> memref<64x1024xf32, #tpu.memory_space<hbm>>
      tpu.enqueue_dma source(%arg8 : memref<64x1024xf32, #tpu.memory_space<vmem>>) target(%dma_start3A_31 : memref<64x1024xf32, #tpu.memory_space<hbm>>) target_semaphore(%run_scoped3A : memref<!tpu.dma_semaphore, #tpu.memory_space<semaphore_mem>>)
      %dma_wait3A_32 = arith.constant 0 : i32
      %dma_wait3A_33 = tpu.memref_slice %arg5[%add3A_4, %dma_wait3A_32] : memref<4096x1024xf32, #tpu.memory_space<hbm>> -> memref<64x1024xf32, #tpu.memory_space<hbm>>
      %dma_wait3A_34 = arith.constant 0 : i32
      %dma_wait3A_35 = tpu.memref_slice %arg5[%add3A_4, %dma_wait3A_34] : memref<4096x1024xf32, #tpu.memory_space<hbm>> -> memref<64x1024xf32, #tpu.memory_space<hbm>>
      tpu.wait_dma2 semaphore(%run_scoped3A : memref<!tpu.dma_semaphore, #tpu.memory_space<semaphore_mem>>) src(%arg8 : memref<64x1024xf32, #tpu.memory_space<vmem>>) dst(%dma_wait3A_35 : memref<64x1024xf32, #tpu.memory_space<hbm>>)
      tpu.yield
    }) : () -> ()
    %add3A_14 = arith.constant 64 : i32
    %add3A_15 = arith.addi %mul3A_2, %add3A_14 : i32
    "tpu.region"() ({
      %run_scoped3A = tpu.sem_alloc : memref<!tpu.dma_semaphore, #tpu.memory_space<semaphore_mem>>
      %dma_start3A_28 = tpu.memref_slice %arg3[%add3A_15] : memref<4096xi32, #tpu.memory_space<hbm>> -> memref<64xi32, #tpu.memory_space<hbm>>
      %dma_start3A_29 = tpu.memref_slice %arg3[%add3A_15] : memref<4096xi32, #tpu.memory_space<hbm>> -> memref<64xi32, #tpu.memory_space<hbm>>
      tpu.enqueue_dma source(%dma_start3A_29 : memref<64xi32, #tpu.memory_space<hbm>>) target(%arg6 : memref<64xi32, #tpu.memory_space<vmem>>) target_semaphore(%run_scoped3A : memref<!tpu.dma_semaphore, #tpu.memory_space<semaphore_mem>>)
      %dma_wait3A_30 = tpu.memref_slice %arg3[%add3A_15] : memref<4096xi32, #tpu.memory_space<hbm>> -> memref<64xi32, #tpu.memory_space<hbm>>
      %dma_wait3A_31 = tpu.memref_slice %arg3[%add3A_15] : memref<4096xi32, #tpu.memory_space<hbm>> -> memref<64xi32, #tpu.memory_space<hbm>>
      tpu.wait_dma2 semaphore(%run_scoped3A : memref<!tpu.dma_semaphore, #tpu.memory_space<semaphore_mem>>) src(%dma_wait3A_31 : memref<64xi32, #tpu.memory_space<hbm>>) dst(%arg6 : memref<64xi32, #tpu.memory_space<vmem>>)
      tpu.yield
    }) : () -> ()
    "tpu.region"() ({
      %run_scoped3A = tpu.sem_alloc : memref<!tpu.dma_semaphore, #tpu.memory_space<semaphore_mem>>
      %dma_start3A_28 = arith.constant 0 : i32
      %dma_start3A_29 = tpu.memref_slice %arg4[%add3A_15, %dma_start3A_28] : memref<4096x16xf32, #tpu.memory_space<hbm>> -> memref<64x16xf32, #tpu.memory_space<hbm>>
      %dma_start3A_30 = arith.constant 0 : i32
      %dma_start3A_31 = tpu.memref_slice %arg4[%add3A_15, %dma_start3A_30] : memref<4096x16xf32, #tpu.memory_space<hbm>> -> memref<64x16xf32, #tpu.memory_space<hbm>>
      tpu.enqueue_dma source(%dma_start3A_31 : memref<64x16xf32, #tpu.memory_space<hbm>>) target(%arg7 : memref<64x16xf32, #tpu.memory_space<vmem>>) target_semaphore(%run_scoped3A : memref<!tpu.dma_semaphore, #tpu.memory_space<semaphore_mem>>)
      %dma_wait3A_32 = arith.constant 0 : i32
      %dma_wait3A_33 = tpu.memref_slice %arg4[%add3A_15, %dma_wait3A_32] : memref<4096x16xf32, #tpu.memory_space<hbm>> -> memref<64x16xf32, #tpu.memory_space<hbm>>
      %dma_wait3A_34 = arith.constant 0 : i32
      %dma_wait3A_35 = tpu.memref_slice %arg4[%add3A_15, %dma_wait3A_34] : memref<4096x16xf32, #tpu.memory_space<hbm>> -> memref<64x16xf32, #tpu.memory_space<hbm>>
      tpu.wait_dma2 semaphore(%run_scoped3A : memref<!tpu.dma_semaphore, #tpu.memory_space<semaphore_mem>>) src(%dma_wait3A_35 : memref<64x16xf32, #tpu.memory_space<hbm>>) dst(%arg7 : memref<64x16xf32, #tpu.memory_space<vmem>>)
      tpu.yield
    }) : () -> ()
    %dma_start3A_16 = arith.constant 0 : i32
    %dma_start3A_17 = arith.constant 0 : i32
    %dma_start3A_18 = tpu.memref_slice %arg2[%dma_start3A_16, %dma_start3A_17] : memref<8192x1024xf32, #tpu.memory_space<hbm>> -> memref<8192x1024xf32, #tpu.memory_space<hbm>>
    tpu.enqueue_indirect_dma source(%dma_start3A_18 : memref<8192x1024xf32, #tpu.memory_space<hbm>>) target(%arg8 : memref<64x1024xf32, #tpu.memory_space<vmem>>) offsets(%arg6 : memref<64xi32, #tpu.memory_space<vmem>>) semaphore(%arg9 : memref<!tpu.dma_semaphore, #tpu.memory_space<semaphore_mem>>)
    %dma_wait3A_19 = arith.constant 0 : i32
    %dma_wait3A_20 = arith.constant 0 : i32
    %dma_wait3A_21 = tpu.memref_slice %arg2[%dma_wait3A_19, %dma_wait3A_20] : memref<8192x1024xf32, #tpu.memory_space<hbm>> -> memref<8192x1024xf32, #tpu.memory_space<hbm>>
    tpu.wait_indirect_dma semaphore(%arg9 : memref<!tpu.dma_semaphore, #tpu.memory_space<semaphore_mem>>) src(%dma_wait3A_21 : memref<8192x1024xf32, #tpu.memory_space<hbm>>) dst(%arg8 : memref<64x1024xf32, #tpu.memory_space<vmem>>)
    %scan3A_22 = arith.constant 0 : i32
    %scan3A_23 = arith.constant 0 : i32
    %scan3A_24 = arith.constant 64 : i32
    %scan3A_25 = arith.addi %scan3A_23, %scan3A_24 : i32
    %scan3A_26 = arith.constant 1 : i32
    scf.for %scan3A_28 = %scan3A_23 to %scan3A_25 step %scan3A_26  : i32 {
      %get3A = arith.index_cast %scan3A_28 : i32 to index
      %get3A_29 = arith.constant 0 : index
      %get3A_30 = tpu.vector_load %arg7[%get3A, %get3A_29] {strides = array<i32>} : memref<64x16xf32, #tpu.memory_space<vmem>>, vector<1x16xf32>,
      %get3A_31 = vector.shape_cast %get3A_30 : vector<1x16xf32> to vector<16xf32>
      %get3A_32 = arith.index_cast %scan3A_28 : i32 to index
      %get3A_33 = arith.constant 0 : index
      %get3A_34 = tpu.vector_load %arg8[%get3A_32, %get3A_33] {strides = array<i32>} : memref<64x1024xf32, #tpu.memory_space<vmem>>, vector<1x16xf32>,
      %get3A_35 = vector.shape_cast %get3A_34 : vector<1x16xf32> to vector<16xf32>
      %mul3A_36 = arith.mulf %get3A_35, %get3A_31 : vector<16xf32>
      %swap3A = arith.index_cast %scan3A_28 : i32 to index
      %swap3A_37 = arith.constant 0 : index
      %swap3A_38 = tpu.vector_load %arg8[%swap3A, %swap3A_37] {strides = array<i32>} : memref<64x1024xf32, #tpu.memory_space<vmem>>, vector<1x16xf32>,
      %swap3A_39 = vector.shape_cast %swap3A_38 : vector<1x16xf32> to vector<16xf32>
      %swap3A_40 = vector.shape_cast %mul3A_36 : vector<16xf32> to vector<1x16xf32>
      tpu.vector_store %arg8[%swap3A, %swap3A_37], %swap3A_40 {strides = array<i32>} : memref<64x1024xf32, #tpu.memory_space<vmem>>, vector<1x16xf32>,
      %get3A_41 = arith.index_cast %scan3A_28 : i32 to index
      %get3A_42 = arith.constant 16 : index
      %get3A_43 = tpu.vector_load %arg8[%get3A_41, %get3A_42] {strides = array<i32>} : memref<64x1024xf32, #tpu.memory_space<vmem>>, vector<1x16xf32>,
      %get3A_44 = vector.shape_cast %get3A_43 : vector<1x16xf32> to vector<16xf32>
      %mul3A_45 = arith.mulf %get3A_44, %get3A_31 : vector<16xf32>
      %swap3A_46 = arith.index_cast %scan3A_28 : i32 to index
      %swap3A_47 = arith.constant 16 : index
      %swap3A_48 = tpu.vector_load %arg8[%swap3A_46, %swap3A_47] {strides = array<i32>} : memref<64x1024xf32, #tpu.memory_space<vmem>>, vector<1x16xf32>,
      %swap3A_49 = vector.shape_cast %swap3A_48 : vector<1x16xf32> to vector<16xf32>
      %swap3A_50 = vector.shape_cast %mul3A_45 : vector<16xf32> to vector<1x16xf32>
      tpu.vector_store %arg8[%swap3A_46, %swap3A_47], %swap3A_50 {strides = array<i32>} : memref<64x1024xf32, #tpu.memory_space<vmem>>, vector<1x16xf32>,
      %get3A_51 = arith.index_cast %scan3A_28 : i32 to index
      %get3A_52 = arith.constant 32 : index
      %get3A_53 = tpu.vector_load %arg8[%get3A_51, %get3A_52] {strides = array<i32>} : memref<64x1024xf32, #tpu.memory_space<vmem>>, vector<1x16xf32>,
      %get3A_54 = vector.shape_cast %get3A_53 : vector<1x16xf32> to vector<16xf32>
      %mul3A_55 = arith.mulf %get3A_54, %get3A_31 : vector<16xf32>
      %swap3A_56 = arith.index_cast %scan3A_28 : i32 to index
      %swap3A_57 = arith.constant 32 : index
      %swap3A_58 = tpu.vector_load %arg8[%swap3A_56, %swap3A_57] {strides = array<i32>} : memref<64x1024xf32, #tpu.memory_space<vmem>>, vector<1x16xf32>,
      %swap3A_59 = vector.shape_cast %swap3A_58 : vector<1x16xf32> to vector<16xf32>
      %swap3A_60 = vector.shape_cast %mul3A_55 : vector<16xf32> to vector<1x16xf32>
      tpu.vector_store %arg8[%swap3A_56, %swap3A_57], %swap3A_60 {strides = array<i32>} : memref<64x1024xf32, #tpu.memory_space<vmem>>, vector<1x16xf32>,
      %get3A_61 = arith.index_cast %scan3A_28 : i32 to index
      %get3A_62 = arith.constant 48 : index
      %get3A_63 = tpu.vector_load %arg8[%get3A_61, %get3A_62] {strides = array<i32>} : memref<64x1024xf32, #tpu.memory_space<vmem>>, vector<1x16xf32>,
      %get3A_64 = vector.shape_cast %get3A_63 : vector<1x16xf32> to vector<16xf32>
      %mul3A_65 = arith.mulf %get3A_64, %get3A_31 : vector<16xf32>
      %swap3A_66 = arith.index_cast %scan3A_28 : i32 to index
      %swap3A_67 = arith.constant 48 : index
      %swap3A_68 = tpu.vector_load %arg8[%swap3A_66, %swap3A_67] {strides = array<i32>} : memref<64x1024xf32, #tpu.memory_space<vmem>>, vector<1x16xf32>,
      %swap3A_69 = vector.shape_cast %swap3A_68 : vector<1x16xf32> to vector<16xf32>
      %swap3A_70 = vector.shape_cast %mul3A_65 : vector<16xf32> to vector<1x16xf32>
      tpu.vector_store %arg8[%swap3A_66, %swap3A_67], %swap3A_70 {strides = array<i32>} : memref<64x1024xf32, #tpu.memory_space<vmem>>, vector<1x16xf32>,
      %get3A_71 = arith.index_cast %scan3A_28 : i32 to index
      %get3A_72 = arith.constant 64 : index
      %get3A_73 = tpu.vector_load %arg8[%get3A_71, %get3A_72] {strides = array<i32>} : memref<64x1024xf32, #tpu.memory_space<vmem>>, vector<1x16xf32>,
      %get3A_74 = vector.shape_cast %get3A_73 : vector<1x16xf32> to vector<16xf32>
      %mul3A_75 = arith.mulf %get3A_74, %get3A_31 : vector<16xf32>
      %swap3A_76 = arith.index_cast %scan3A_28 : i32 to index
      %swap3A_77 = arith.constant 64 : index
      %swap3A_78 = tpu.vector_load %arg8[%swap3A_76, %swap3A_77] {strides = array<i32>} : memref<64x1024xf32, #tpu.memory_space<vmem>>, vector<1x16xf32>,
      %swap3A_79 = vector.shape_cast %swap3A_78 : vector<1x16xf32> to vector<16xf32>
      %swap3A_80 = vector.shape_cast %mul3A_75 : vector<16xf32> to vector<1x16xf32>
      tpu.vector_store %arg8[%swap3A_76, %swap3A_77], %swap3A_80 {strides = array<i32>} : memref<64x1024xf32, #tpu.memory_space<vmem>>, vector<1x16xf32>,
      %get3A_81 = arith.index_cast %scan3A_28 : i32 to index
      %get3A_82 = arith.constant 80 : index
      %get3A_83 = tpu.vector_load %arg8[%get3A_81, %get3A_82] {strides = array<i32>} : memref<64x1024xf32, #tpu.memory_space<vmem>>, vector<1x16xf32>,
      %get3A_84 = vector.shape_cast %get3A_83 : vector<1x16xf32> to vector<16xf32>
      %mul3A_85 = arith.mulf %get3A_84, %get3A_31 : vector<16xf32>
      %swap3A_86 = arith.index_cast %scan3A_28 : i32 to index
      %swap3A_87 = arith.constant 80 : index
      %swap3A_88 = tpu.vector_load %arg8[%swap3A_86, %swap3A_87] {strides = array<i32>} : memref<64x1024xf32, #tpu.memory_space<vmem>>, vector<1x16xf32>,
      %swap3A_89 = vector.shape_cast %swap3A_88 : vector<1x16xf32> to vector<16xf32>
      %swap3A_90 = vector.shape_cast %mul3A_85 : vector<16xf32> to vector<1x16xf32>
      tpu.vector_store %arg8[%swap3A_86, %swap3A_87], %swap3A_90 {strides = array<i32>} : memref<64x1024xf32, #tpu.memory_space<vmem>>, vector<1x16xf32>,
      %get3A_91 = arith.index_cast %scan3A_28 : i32 to index
      %get3A_92 = arith.constant 96 : index
      %get3A_93 = tpu.vector_load %arg8[%get3A_91, %get3A_92] {strides = array<i32>} : memref<64x1024xf32, #tpu.memory_space<vmem>>, vector<1x16xf32>,
      %get3A_94 = vector.shape_cast %get3A_93 : vector<1x16xf32> to vector<16xf32>
      %mul3A_95 = arith.mulf %get3A_94, %get3A_31 : vector<16xf32>
      %swap3A_96 = arith.index_cast %scan3A_28 : i32 to index
      %swap3A_97 = arith.constant 96 : index
      %swap3A_98 = tpu.vector_load %arg8[%swap3A_96, %swap3A_97] {strides = array<i32>} : memref<64x1024xf32, #tpu.memory_space<vmem>>, vector<1x16xf32>,
      %swap3A_99 = vector.shape_cast %swap3A_98 : vector<1x16xf32> to vector<16xf32>
      %swap3A_100 = vector.shape_cast %mul3A_95 : vector<16xf32> to vector<1x16xf32>
      tpu.vector_store %arg8[%swap3A_96, %swap3A_97], %swap3A_100 {strides = array<i32>} : memref<64x1024xf32, #tpu.memory_space<vmem>>, vector<1x16xf32>,
      %get3A_101 = arith.index_cast %scan3A_28 : i32 to index
      %get3A_102 = arith.constant 112 : index
      %get3A_103 = tpu.vector_load %arg8[%get3A_101, %get3A_102] {strides = array<i32>} : memref<64x1024xf32, #tpu.memory_space<vmem>>, vector<1x16xf32>,
      %get3A_104 = vector.shape_cast %get3A_103 : vector<1x16xf32> to vector<16xf32>
      %mul3A_105 = arith.mulf %get3A_104, %get3A_31 : vector<16xf32>
      %swap3A_106 = arith.index_cast %scan3A_28 : i32 to index
      %swap3A_107 = arith.constant 112 : index
      %swap3A_108 = tpu.vector_load %arg8[%swap3A_106, %swap3A_107] {strides = array<i32>} : memref<64x1024xf32, #tpu.memory_space<vmem>>, vector<1x16xf32>,
      %swap3A_109 = vector.shape_cast %swap3A_108 : vector<1x16xf32> to vector<16xf32>
      %swap3A_110 = vector.shape_cast %mul3A_105 : vector<16xf32> to vector<1x16xf32>
      tpu.vector_store %arg8[%swap3A_106, %swap3A_107], %swap3A_110 {strides = array<i32>} : memref<64x1024xf32, #tpu.memory_space<vmem>>, vector<1x16xf32>,
      %get3A_111 = arith.index_cast %scan3A_28 : i32 to index
      %get3A_112 = arith.constant 128 : index
      %get3A_113 = tpu.vector_load %arg8[%get3A_111, %get3A_112] {strides = array<i32>} : memref<64x1024xf32, #tpu.memory_space<vmem>>, vector<1x16xf32>,
      %get3A_114 = vector.shape_cast %get3A_113 : vector<1x16xf32> to vector<16xf32>
      %mul3A_115 = arith.mulf %get3A_114, %get3A_31 : vector<16xf32>
      %swap3A_116 = arith.index_cast %scan3A_28 : i32 to index
      %swap3A_117 = arith.constant 128 : index
      %swap3A_118 = tpu.vector_load %arg8[%swap3A_116, %swap3A_117] {strides = array<i32>} : memref<64x1024xf32, #tpu.memory_space<vmem>>, vector<1x16xf32>,
      %swap3A_119 = vector.shape_cast %swap3A_118 : vector<1x16xf32> to vector<16xf32>
      %swap3A_120 = vector.shape_cast %mul3A_115 : vector<16xf32> to vector<1x16xf32>
      tpu.vector_store %arg8[%swap3A_116, %swap3A_117], %swap3A_120 {strides = array<i32>} : memref<64x1024xf32, #tpu.memory_space<vmem>>, vector<1x16xf32>,
      %get3A_121 = arith.index_cast %scan3A_28 : i32 to index
      %get3A_122 = arith.constant 144 : index
      %get3A_123 = tpu.vector_load %arg8[%get3A_121, %get3A_122] {strides = array<i32>} : memref<64x1024xf32, #tpu.memory_space<vmem>>, vector<1x16xf32>,
      %get3A_124 = vector.shape_cast %get3A_123 : vector<1x16xf32> to vector<16xf32>
      %mul3A_125 = arith.mulf %get3A_124, %get3A_31 : vector<16xf32>
      %swap3A_126 = arith.index_cast %scan3A_28 : i32 to index
      %swap3A_127 = arith.constant 144 : index
      %swap3A_128 = tpu.vector_load %arg8[%swap3A_126, %swap3A_127] {strides = array<i32>} : memref<64x1024xf32, #tpu.memory_space<vmem>>, vector<1x16xf32>,
      %swap3A_129 = vector.shape_cast %swap3A_128 : vector<1x16xf32> to vector<16xf32>
      %swap3A_130 = vector.shape_cast %mul3A_125 : vector<16xf32> to vector<1x16xf32>
      tpu.vector_store %arg8[%swap3A_126, %swap3A_127], %swap3A_130 {strides = array<i32>} : memref<64x1024xf32, #tpu.memory_space<vmem>>, vector<1x16xf32>,
      %get3A_131 = arith.index_cast %scan3A_28 : i32 to index
      %get3A_132 = arith.constant 160 : index
      %get3A_133 = tpu.vector_load %arg8[%get3A_131, %get3A_132] {strides = array<i32>} : memref<64x1024xf32, #tpu.memory_space<vmem>>, vector<1x16xf32>,
      %get3A_134 = vector.shape_cast %get3A_133 : vector<1x16xf32> to vector<16xf32>
      %mul3A_135 = arith.mulf %get3A_134, %get3A_31 : vector<16xf32>
      %swap3A_136 = arith.index_cast %scan3A_28 : i32 to index
      %swap3A_137 = arith.constant 160 : index
      %swap3A_138 = tpu.vector_load %arg8[%swap3A_136, %swap3A_137] {strides = array<i32>} : memref<64x1024xf32, #tpu.memory_space<vmem>>, vector<1x16xf32>,
      %swap3A_139 = vector.shape_cast %swap3A_138 : vector<1x16xf32> to vector<16xf32>
      %swap3A_140 = vector.shape_cast %mul3A_135 : vector<16xf32> to vector<1x16xf32>
      tpu.vector_store %arg8[%swap3A_136, %swap3A_137], %swap3A_140 {strides = array<i32>} : memref<64x1024xf32, #tpu.memory_space<vmem>>, vector<1x16xf32>,
      %get3A_141 = arith.index_cast %scan3A_28 : i32 to index
      %get3A_142 = arith.constant 176 : index
      %get3A_143 = tpu.vector_load %arg8[%get3A_141, %get3A_142] {strides = array<i32>} : memref<64x1024xf32, #tpu.memory_space<vmem>>, vector<1x16xf32>,
      %get3A_144 = vector.shape_cast %get3A_143 : vector<1x16xf32> to vector<16xf32>
      %mul3A_145 = arith.mulf %get3A_144, %get3A_31 : vector<16xf32>
      %swap3A_146 = arith.index_cast %scan3A_28 : i32 to index
      %swap3A_147 = arith.constant 176 : index
      %swap3A_148 = tpu.vector_load %arg8[%swap3A_146, %swap3A_147] {strides = array<i32>} : memref<64x1024xf32, #tpu.memory_space<vmem>>, vector<1x16xf32>,
      %swap3A_149 = vector.shape_cast %swap3A_148 : vector<1x16xf32> to vector<16xf32>
      %swap3A_150 = vector.shape_cast %mul3A_145 : vector<16xf32> to vector<1x16xf32>
      tpu.vector_store %arg8[%swap3A_146, %swap3A_147], %swap3A_150 {strides = array<i32>} : memref<64x1024xf32, #tpu.memory_space<vmem>>, vector<1x16xf32>,
      %get3A_151 = arith.index_cast %scan3A_28 : i32 to index
      %get3A_152 = arith.constant 192 : index
      %get3A_153 = tpu.vector_load %arg8[%get3A_151, %get3A_152] {strides = array<i32>} : memref<64x1024xf32, #tpu.memory_space<vmem>>, vector<1x16xf32>,
      %get3A_154 = vector.shape_cast %get3A_153 : vector<1x16xf32> to vector<16xf32>
      %mul3A_155 = arith.mulf %get3A_154, %get3A_31 : vector<16xf32>
      %swap3A_156 = arith.index_cast %scan3A_28 : i32 to index
      %swap3A_157 = arith.constant 192 : index
      %swap3A_158 = tpu.vector_load %arg8[%swap3A_156, %swap3A_157] {strides = array<i32>} : memref<64x1024xf32, #tpu.memory_space<vmem>>, vector<1x16xf32>,
      %swap3A_159 = vector.shape_cast %swap3A_158 : vector<1x16xf32> to vector<16xf32>
      %swap3A_160 = vector.shape_cast %mul3A_155 : vector<16xf32> to vector<1x16xf32>
      tpu.vector_store %arg8[%swap3A_156, %swap3A_157], %swap3A_160 {strides = array<i32>} : memref<64x1024xf32, #tpu.memory_space<vmem>>, vector<1x16xf32>,
      %get3A_161 = arith.index_cast %scan3A_28 : i32 to index
      %get3A_162 = arith.constant 208 : index
      %get3A_163 = tpu.vector_load %arg8[%get3A_161, %get3A_162] {strides = array<i32>} : memref<64x1024xf32, #tpu.memory_space<vmem>>, vector<1x16xf32>,
      %get3A_164 = vector.shape_cast %get3A_163 : vector<1x16xf32> to vector<16xf32>
      %mul3A_165 = arith.mulf %get3A_164, %get3A_31 : vector<16xf32>
      %swap3A_166 = arith.index_cast %scan3A_28 : i32 to index
      %swap3A_167 = arith.constant 208 : index
      %swap3A_168 = tpu.vector_load %arg8[%swap3A_166, %swap3A_167] {strides = array<i32>} : memref<64x1024xf32, #tpu.memory_space<vmem>>, vector<1x16xf32>,
      %swap3A_169 = vector.shape_cast %swap3A_168 : vector<1x16xf32> to vector<16xf32>
      %swap3A_170 = vector.shape_cast %mul3A_165 : vector<16xf32> to vector<1x16xf32>
      tpu.vector_store %arg8[%swap3A_166, %swap3A_167], %swap3A_170 {strides = array<i32>} : memref<64x1024xf32, #tpu.memory_space<vmem>>, vector<1x16xf32>,
      %get3A_171 = arith.index_cast %scan3A_28 : i32 to index
      %get3A_172 = arith.constant 224 : index
      %get3A_173 = tpu.vector_load %arg8[%get3A_171, %get3A_172] {strides = array<i32>} : memref<64x1024xf32, #tpu.memory_space<vmem>>, vector<1x16xf32>,
      %get3A_174 = vector.shape_cast %get3A_173 : vector<1x16xf32> to vector<16xf32>
      %mul3A_175 = arith.mulf %get3A_174, %get3A_31 : vector<16xf32>
      %swap3A_176 = arith.index_cast %scan3A_28 : i32 to index
      %swap3A_177 = arith.constant 224 : index
      %swap3A_178 = tpu.vector_load %arg8[%swap3A_176, %swap3A_177] {strides = array<i32>} : memref<64x1024xf32, #tpu.memory_space<vmem>>, vector<1x16xf32>,
      %swap3A_179 = vector.shape_cast %swap3A_178 : vector<1x16xf32> to vector<16xf32>
      %swap3A_180 = vector.shape_cast %mul3A_175 : vector<16xf32> to vector<1x16xf32>
      tpu.vector_store %arg8[%swap3A_176, %swap3A_177], %swap3A_180 {strides = array<i32>} : memref<64x1024xf32, #tpu.memory_space<vmem>>, vector<1x16xf32>,
      %get3A_181 = arith.index_cast %scan3A_28 : i32 to index
      %get3A_182 = arith.constant 240 : index
      %get3A_183 = tpu.vector_load %arg8[%get3A_181, %get3A_182] {strides = array<i32>} : memref<64x1024xf32, #tpu.memory_space<vmem>>, vector<1x16xf32>,
      %get3A_184 = vector.shape_cast %get3A_183 : vector<1x16xf32> to vector<16xf32>
      %mul3A_185 = arith.mulf %get3A_184, %get3A_31 : vector<16xf32>
      %swap3A_186 = arith.index_cast %scan3A_28 : i32 to index
      %swap3A_187 = arith.constant 240 : index
      %swap3A_188 = tpu.vector_load %arg8[%swap3A_186, %swap3A_187] {strides = array<i32>} : memref<64x1024xf32, #tpu.memory_space<vmem>>, vector<1x16xf32>,
      %swap3A_189 = vector.shape_cast %swap3A_188 : vector<1x16xf32> to vector<16xf32>
      %swap3A_190 = vector.shape_cast %mul3A_185 : vector<16xf32> to vector<1x16xf32>
      tpu.vector_store %arg8[%swap3A_186, %swap3A_187], %swap3A_190 {strides = array<i32>} : memref<64x1024xf32, #tpu.memory_space<vmem>>, vector<1x16xf32>,
      %get3A_191 = arith.index_cast %scan3A_28 : i32 to index
      %get3A_192 = arith.constant 256 : index
      %get3A_193 = tpu.vector_load %arg8[%get3A_191, %get3A_192] {strides = array<i32>} : memref<64x1024xf32, #tpu.memory_space<vmem>>, vector<1x16xf32>,
      %get3A_194 = vector.shape_cast %get3A_193 : vector<1x16xf32> to vector<16xf32>
      %mul3A_195 = arith.mulf %get3A_194, %get3A_31 : vector<16xf32>
      %swap3A_196 = arith.index_cast %scan3A_28 : i32 to index
      %swap3A_197 = arith.constant 256 : index
      %swap3A_198 = tpu.vector_load %arg8[%swap3A_196, %swap3A_197] {strides = array<i32>} : memref<64x1024xf32, #tpu.memory_space<vmem>>, vector<1x16xf32>,
      %swap3A_199 = vector.shape_cast %swap3A_198 : vector<1x16xf32> to vector<16xf32>
      %swap3A_200 = vector.shape_cast %mul3A_195 : vector<16xf32> to vector<1x16xf32>
      tpu.vector_store %arg8[%swap3A_196, %swap3A_197], %swap3A_200 {strides = array<i32>} : memref<64x1024xf32, #tpu.memory_space<vmem>>, vector<1x16xf32>,
      %get3A_201 = arith.index_cast %scan3A_28 : i32 to index
      %get3A_202 = arith.constant 272 : index
      %get3A_203 = tpu.vector_load %arg8[%get3A_201, %get3A_202] {strides = array<i32>} : memref<64x1024xf32, #tpu.memory_space<vmem>>, vector<1x16xf32>,
      %get3A_204 = vector.shape_cast %get3A_203 : vector<1x16xf32> to vector<16xf32>
      %mul3A_205 = arith.mulf %get3A_204, %get3A_31 : vector<16xf32>
      %swap3A_206 = arith.index_cast %scan3A_28 : i32 to index
      %swap3A_207 = arith.constant 272 : index
      %swap3A_208 = tpu.vector_load %arg8[%swap3A_206, %swap3A_207] {strides = array<i32>} : memref<64x1024xf32, #tpu.memory_space<vmem>>, vector<1x16xf32>,
      %swap3A_209 = vector.shape_cast %swap3A_208 : vector<1x16xf32> to vector<16xf32>
      %swap3A_210 = vector.shape_cast %mul3A_205 : vector<16xf32> to vector<1x16xf32>
      tpu.vector_store %arg8[%swap3A_206, %swap3A_207], %swap3A_210 {strides = array<i32>} : memref<64x1024xf32, #tpu.memory_space<vmem>>, vector<1x16xf32>,
      %get3A_211 = arith.index_cast %scan3A_28 : i32 to index
      %get3A_212 = arith.constant 288 : index
      %get3A_213 = tpu.vector_load %arg8[%get3A_211, %get3A_212] {strides = array<i32>} : memref<64x1024xf32, #tpu.memory_space<vmem>>, vector<1x16xf32>,
      %get3A_214 = vector.shape_cast %get3A_213 : vector<1x16xf32> to vector<16xf32>
      %mul3A_215 = arith.mulf %get3A_214, %get3A_31 : vector<16xf32>
      %swap3A_216 = arith.index_cast %scan3A_28 : i32 to index
      %swap3A_217 = arith.constant 288 : index
      %swap3A_218 = tpu.vector_load %arg8[%swap3A_216, %swap3A_217] {strides = array<i32>} : memref<64x1024xf32, #tpu.memory_space<vmem>>, vector<1x16xf32>,
      %swap3A_219 = vector.shape_cast %swap3A_218 : vector<1x16xf32> to vector<16xf32>
      %swap3A_220 = vector.shape_cast %mul3A_215 : vector<16xf32> to vector<1x16xf32>
      tpu.vector_store %arg8[%swap3A_216, %swap3A_217], %swap3A_220 {strides = array<i32>} : memref<64x1024xf32, #tpu.memory_space<vmem>>, vector<1x16xf32>,
      %get3A_221 = arith.index_cast %scan3A_28 : i32 to index
      %get3A_222 = arith.constant 304 : index
      %get3A_223 = tpu.vector_load %arg8[%get3A_221, %get3A_222] {strides = array<i32>} : memref<64x1024xf32, #tpu.memory_space<vmem>>, vector<1x16xf32>,
      %get3A_224 = vector.shape_cast %get3A_223 : vector<1x16xf32> to vector<16xf32>
      %mul3A_225 = arith.mulf %get3A_224, %get3A_31 : vector<16xf32>
      %swap3A_226 = arith.index_cast %scan3A_28 : i32 to index
      %swap3A_227 = arith.constant 304 : index
      %swap3A_228 = tpu.vector_load %arg8[%swap3A_226, %swap3A_227] {strides = array<i32>} : memref<64x1024xf32, #tpu.memory_space<vmem>>, vector<1x16xf32>,
      %swap3A_229 = vector.shape_cast %swap3A_228 : vector<1x16xf32> to vector<16xf32>
      %swap3A_230 = vector.shape_cast %mul3A_225 : vector<16xf32> to vector<1x16xf32>
      tpu.vector_store %arg8[%swap3A_226, %swap3A_227], %swap3A_230 {strides = array<i32>} : memref<64x1024xf32, #tpu.memory_space<vmem>>, vector<1x16xf32>,
      %get3A_231 = arith.index_cast %scan3A_28 : i32 to index
      %get3A_232 = arith.constant 320 : index
      %get3A_233 = tpu.vector_load %arg8[%get3A_231, %get3A_232] {strides = array<i32>} : memref<64x1024xf32, #tpu.memory_space<vmem>>, vector<1x16xf32>,
      %get3A_234 = vector.shape_cast %get3A_233 : vector<1x16xf32> to vector<16xf32>
      %mul3A_235 = arith.mulf %get3A_234, %get3A_31 : vector<16xf32>
      %swap3A_236 = arith.index_cast %scan3A_28 : i32 to index
      %swap3A_237 = arith.constant 320 : index
      %swap3A_238 = tpu.vector_load %arg8[%swap3A_236, %swap3A_237] {strides = array<i32>} : memref<64x1024xf32, #tpu.memory_space<vmem>>, vector<1x16xf32>,
      %swap3A_239 = vector.shape_cast %swap3A_238 : vector<1x16xf32> to vector<16xf32>
      %swap3A_240 = vector.shape_cast %mul3A_235 : vector<16xf32> to vector<1x16xf32>
      tpu.vector_store %arg8[%swap3A_236, %swap3A_237], %swap3A_240 {strides = array<i32>} : memref<64x1024xf32, #tpu.memory_space<vmem>>, vector<1x16xf32>,
      %get3A_241 = arith.index_cast %scan3A_28 : i32 to index
      %get3A_242 = arith.constant 336 : index
      %get3A_243 = tpu.vector_load %arg8[%get3A_241, %get3A_242] {strides = array<i32>} : memref<64x1024xf32, #tpu.memory_space<vmem>>, vector<1x16xf32>,
      %get3A_244 = vector.shape_cast %get3A_243 : vector<1x16xf32> to vector<16xf32>
      %mul3A_245 = arith.mulf %get3A_244, %get3A_31 : vector<16xf32>
      %swap3A_246 = arith.index_cast %scan3A_28 : i32 to index
      %swap3A_247 = arith.constant 336 : index
      %swap3A_248 = tpu.vector_load %arg8[%swap3A_246, %swap3A_247] {strides = array<i32>} : memref<64x1024xf32, #tpu.memory_space<vmem>>, vector<1x16xf32>,
      %swap3A_249 = vector.shape_cast %swap3A_248 : vector<1x16xf32> to vector<16xf32>
      %swap3A_250 = vector.shape_cast %mul3A_245 : vector<16xf32> to vector<1x16xf32>
      tpu.vector_store %arg8[%swap3A_246, %swap3A_247], %swap3A_250 {strides = array<i32>} : memref<64x1024xf32, #tpu.memory_space<vmem>>, vector<1x16xf32>,
      %get3A_251 = arith.index_cast %scan3A_28 : i32 to index
      %get3A_252 = arith.constant 352 : index
      %get3A_253 = tpu.vector_load %arg8[%get3A_251, %get3A_252] {strides = array<i32>} : memref<64x1024xf32, #tpu.memory_space<vmem>>, vector<1x16xf32>,
      %get3A_254 = vector.shape_cast %get3A_253 : vector<1x16xf32> to vector<16xf32>
      %mul3A_255 = arith.mulf %get3A_254, %get3A_31 : vector<16xf32>
      %swap3A_256 = arith.index_cast %scan3A_28 : i32 to index
      %swap3A_257 = arith.constant 352 : index
      %swap3A_258 = tpu.vector_load %arg8[%swap3A_256, %swap3A_257] {strides = array<i32>} : memref<64x1024xf32, #tpu.memory_space<vmem>>, vector<1x16xf32>,
      %swap3A_259 = vector.shape_cast %swap3A_258 : vector<1x16xf32> to vector<16xf32>
      %swap3A_260 = vector.shape_cast %mul3A_255 : vector<16xf32> to vector<1x16xf32>
      tpu.vector_store %arg8[%swap3A_256, %swap3A_257], %swap3A_260 {strides = array<i32>} : memref<64x1024xf32, #tpu.memory_space<vmem>>, vector<1x16xf32>,
      %get3A_261 = arith.index_cast %scan3A_28 : i32 to index
      %get3A_262 = arith.constant 368 : index
      %get3A_263 = tpu.vector_load %arg8[%get3A_261, %get3A_262] {strides = array<i32>} : memref<64x1024xf32, #tpu.memory_space<vmem>>, vector<1x16xf32>,
      %get3A_264 = vector.shape_cast %get3A_263 : vector<1x16xf32> to vector<16xf32>
      %mul3A_265 = arith.mulf %get3A_264, %get3A_31 : vector<16xf32>
      %swap3A_266 = arith.index_cast %scan3A_28 : i32 to index
      %swap3A_267 = arith.constant 368 : index
      %swap3A_268 = tpu.vector_load %arg8[%swap3A_266, %swap3A_267] {strides = array<i32>} : memref<64x1024xf32, #tpu.memory_space<vmem>>, vector<1x16xf32>,
      %swap3A_269 = vector.shape_cast %swap3A_268 : vector<1x16xf32> to vector<16xf32>
      %swap3A_270 = vector.shape_cast %mul3A_265 : vector<16xf32> to vector<1x16xf32>
      tpu.vector_store %arg8[%swap3A_266, %swap3A_267], %swap3A_270 {strides = array<i32>} : memref<64x1024xf32, #tpu.memory_space<vmem>>, vector<1x16xf32>,
      %get3A_271 = arith.index_cast %scan3A_28 : i32 to index
      %get3A_272 = arith.constant 384 : index
      %get3A_273 = tpu.vector_load %arg8[%get3A_271, %get3A_272] {strides = array<i32>} : memref<64x1024xf32, #tpu.memory_space<vmem>>, vector<1x16xf32>,
      %get3A_274 = vector.shape_cast %get3A_273 : vector<1x16xf32> to vector<16xf32>
      %mul3A_275 = arith.mulf %get3A_274, %get3A_31 : vector<16xf32>
      %swap3A_276 = arith.index_cast %scan3A_28 : i32 to index
      %swap3A_277 = arith.constant 384 : index
      %swap3A_278 = tpu.vector_load %arg8[%swap3A_276, %swap3A_277] {strides = array<i32>} : memref<64x1024xf32, #tpu.memory_space<vmem>>, vector<1x16xf32>,
      %swap3A_279 = vector.shape_cast %swap3A_278 : vector<1x16xf32> to vector<16xf32>
      %swap3A_280 = vector.shape_cast %mul3A_275 : vector<16xf32> to vector<1x16xf32>
      tpu.vector_store %arg8[%swap3A_276, %swap3A_277], %swap3A_280 {strides = array<i32>} : memref<64x1024xf32, #tpu.memory_space<vmem>>, vector<1x16xf32>,
      %get3A_281 = arith.index_cast %scan3A_28 : i32 to index
      %get3A_282 = arith.constant 400 : index
      %get3A_283 = tpu.vector_load %arg8[%get3A_281, %get3A_282] {strides = array<i32>} : memref<64x1024xf32, #tpu.memory_space<vmem>>, vector<1x16xf32>,
      %get3A_284 = vector.shape_cast %get3A_283 : vector<1x16xf32> to vector<16xf32>
      %mul3A_285 = arith.mulf %get3A_284, %get3A_31 : vector<16xf32>
      %swap3A_286 = arith.index_cast %scan3A_28 : i32 to index
      %swap3A_287 = arith.constant 400 : index
      %swap3A_288 = tpu.vector_load %arg8[%swap3A_286, %swap3A_287] {strides = array<i32>} : memref<64x1024xf32, #tpu.memory_space<vmem>>, vector<1x16xf32>,
      %swap3A_289 = vector.shape_cast %swap3A_288 : vector<1x16xf32> to vector<16xf32>
      %swap3A_290 = vector.shape_cast %mul3A_285 : vector<16xf32> to vector<1x16xf32>
      tpu.vector_store %arg8[%swap3A_286, %swap3A_287], %swap3A_290 {strides = array<i32>} : memref<64x1024xf32, #tpu.memory_space<vmem>>, vector<1x16xf32>,
      %get3A_291 = arith.index_cast %scan3A_28 : i32 to index
      %get3A_292 = arith.constant 416 : index
      %get3A_293 = tpu.vector_load %arg8[%get3A_291, %get3A_292] {strides = array<i32>} : memref<64x1024xf32, #tpu.memory_space<vmem>>, vector<1x16xf32>,
      %get3A_294 = vector.shape_cast %get3A_293 : vector<1x16xf32> to vector<16xf32>
      %mul3A_295 = arith.mulf %get3A_294, %get3A_31 : vector<16xf32>
      %swap3A_296 = arith.index_cast %scan3A_28 : i32 to index
      %swap3A_297 = arith.constant 416 : index
      %swap3A_298 = tpu.vector_load %arg8[%swap3A_296, %swap3A_297] {strides = array<i32>} : memref<64x1024xf32, #tpu.memory_space<vmem>>, vector<1x16xf32>,
      %swap3A_299 = vector.shape_cast %swap3A_298 : vector<1x16xf32> to vector<16xf32>
      %swap3A_300 = vector.shape_cast %mul3A_295 : vector<16xf32> to vector<1x16xf32>
      tpu.vector_store %arg8[%swap3A_296, %swap3A_297], %swap3A_300 {strides = array<i32>} : memref<64x1024xf32, #tpu.memory_space<vmem>>, vector<1x16xf32>,
      %get3A_301 = arith.index_cast %scan3A_28 : i32 to index
      %get3A_302 = arith.constant 432 : index
      %get3A_303 = tpu.vector_load %arg8[%get3A_301, %get3A_302] {strides = array<i32>} : memref<64x1024xf32, #tpu.memory_space<vmem>>, vector<1x16xf32>,
      %get3A_304 = vector.shape_cast %get3A_303 : vector<1x16xf32> to vector<16xf32>
      %mul3A_305 = arith.mulf %get3A_304, %get3A_31 : vector<16xf32>
      %swap3A_306 = arith.index_cast %scan3A_28 : i32 to index
      %swap3A_307 = arith.constant 432 : index
      %swap3A_308 = tpu.vector_load %arg8[%swap3A_306, %swap3A_307] {strides = array<i32>} : memref<64x1024xf32, #tpu.memory_space<vmem>>, vector<1x16xf32>,
      %swap3A_309 = vector.shape_cast %swap3A_308 : vector<1x16xf32> to vector<16xf32>
      %swap3A_310 = vector.shape_cast %mul3A_305 : vector<16xf32> to vector<1x16xf32>
      tpu.vector_store %arg8[%swap3A_306, %swap3A_307], %swap3A_310 {strides = array<i32>} : memref<64x1024xf32, #tpu.memory_space<vmem>>, vector<1x16xf32>,
      %get3A_311 = arith.index_cast %scan3A_28 : i32 to index
      %get3A_312 = arith.constant 448 : index
      %get3A_313 = tpu.vector_load %arg8[%get3A_311, %get3A_312] {strides = array<i32>} : memref<64x1024xf32, #tpu.memory_space<vmem>>, vector<1x16xf32>,
      %get3A_314 = vector.shape_cast %get3A_313 : vector<1x16xf32> to vector<16xf32>
      %mul3A_315 = arith.mulf %get3A_314, %get3A_31 : vector<16xf32>
      %swap3A_316 = arith.index_cast %scan3A_28 : i32 to index
      %swap3A_317 = arith.constant 448 : index
      %swap3A_318 = tpu.vector_load %arg8[%swap3A_316, %swap3A_317] {strides = array<i32>} : memref<64x1024xf32, #tpu.memory_space<vmem>>, vector<1x16xf32>,
      %swap3A_319 = vector.shape_cast %swap3A_318 : vector<1x16xf32> to vector<16xf32>
      %swap3A_320 = vector.shape_cast %mul3A_315 : vector<16xf32> to vector<1x16xf32>
      tpu.vector_store %arg8[%swap3A_316, %swap3A_317], %swap3A_320 {strides = array<i32>} : memref<64x1024xf32, #tpu.memory_space<vmem>>, vector<1x16xf32>,
      %get3A_321 = arith.index_cast %scan3A_28 : i32 to index
      %get3A_322 = arith.constant 464 : index
      %get3A_323 = tpu.vector_load %arg8[%get3A_321, %get3A_322] {strides = array<i32>} : memref<64x1024xf32, #tpu.memory_space<vmem>>, vector<1x16xf32>,
      %get3A_324 = vector.shape_cast %get3A_323 : vector<1x16xf32> to vector<16xf32>
      %mul3A_325 = arith.mulf %get3A_324, %get3A_31 : vector<16xf32>
      %swap3A_326 = arith.index_cast %scan3A_28 : i32 to index
      %swap3A_327 = arith.constant 464 : index
      %swap3A_328 = tpu.vector_load %arg8[%swap3A_326, %swap3A_327] {strides = array<i32>} : memref<64x1024xf32, #tpu.memory_space<vmem>>, vector<1x16xf32>,
      %swap3A_329 = vector.shape_cast %swap3A_328 : vector<1x16xf32> to vector<16xf32>
      %swap3A_330 = vector.shape_cast %mul3A_325 : vector<16xf32> to vector<1x16xf32>
      tpu.vector_store %arg8[%swap3A_326, %swap3A_327], %swap3A_330 {strides = array<i32>} : memref<64x1024xf32, #tpu.memory_space<vmem>>, vector<1x16xf32>,
      %get3A_331 = arith.index_cast %scan3A_28 : i32 to index
      %get3A_332 = arith.constant 480 : index
      %get3A_333 = tpu.vector_load %arg8[%get3A_331, %get3A_332] {strides = array<i32>} : memref<64x1024xf32, #tpu.memory_space<vmem>>, vector<1x16xf32>,
      %get3A_334 = vector.shape_cast %get3A_333 : vector<1x16xf32> to vector<16xf32>
      %mul3A_335 = arith.mulf %get3A_334, %get3A_31 : vector<16xf32>
      %swap3A_336 = arith.index_cast %scan3A_28 : i32 to index
      %swap3A_337 = arith.constant 480 : index
      %swap3A_338 = tpu.vector_load %arg8[%swap3A_336, %swap3A_337] {strides = array<i32>} : memref<64x1024xf32, #tpu.memory_space<vmem>>, vector<1x16xf32>,
      %swap3A_339 = vector.shape_cast %swap3A_338 : vector<1x16xf32> to vector<16xf32>
      %swap3A_340 = vector.shape_cast %mul3A_335 : vector<16xf32> to vector<1x16xf32>
      tpu.vector_store %arg8[%swap3A_336, %swap3A_337], %swap3A_340 {strides = array<i32>} : memref<64x1024xf32, #tpu.memory_space<vmem>>, vector<1x16xf32>,
      %get3A_341 = arith.index_cast %scan3A_28 : i32 to index
      %get3A_342 = arith.constant 496 : index
      %get3A_343 = tpu.vector_load %arg8[%get3A_341, %get3A_342] {strides = array<i32>} : memref<64x1024xf32, #tpu.memory_space<vmem>>, vector<1x16xf32>,
      %get3A_344 = vector.shape_cast %get3A_343 : vector<1x16xf32> to vector<16xf32>
      %mul3A_345 = arith.mulf %get3A_344, %get3A_31 : vector<16xf32>
      %swap3A_346 = arith.index_cast %scan3A_28 : i32 to index
      %swap3A_347 = arith.constant 496 : index
      %swap3A_348 = tpu.vector_load %arg8[%swap3A_346, %swap3A_347] {strides = array<i32>} : memref<64x1024xf32, #tpu.memory_space<vmem>>, vector<1x16xf32>,
      %swap3A_349 = vector.shape_cast %swap3A_348 : vector<1x16xf32> to vector<16xf32>
      %swap3A_350 = vector.shape_cast %mul3A_345 : vector<16xf32> to vector<1x16xf32>
      tpu.vector_store %arg8[%swap3A_346, %swap3A_347], %swap3A_350 {strides = array<i32>} : memref<64x1024xf32, #tpu.memory_space<vmem>>, vector<1x16xf32>,
      %get3A_351 = arith.index_cast %scan3A_28 : i32 to index
      %get3A_352 = arith.constant 512 : index
      %get3A_353 = tpu.vector_load %arg8[%get3A_351, %get3A_352] {strides = array<i32>} : memref<64x1024xf32, #tpu.memory_space<vmem>>, vector<1x16xf32>,
      %get3A_354 = vector.shape_cast %get3A_353 : vector<1x16xf32> to vector<16xf32>
      %mul3A_355 = arith.mulf %get3A_354, %get3A_31 : vector<16xf32>
      %swap3A_356 = arith.index_cast %scan3A_28 : i32 to index
      %swap3A_357 = arith.constant 512 : index
      %swap3A_358 = tpu.vector_load %arg8[%swap3A_356, %swap3A_357] {strides = array<i32>} : memref<64x1024xf32, #tpu.memory_space<vmem>>, vector<1x16xf32>,
      %swap3A_359 = vector.shape_cast %swap3A_358 : vector<1x16xf32> to vector<16xf32>
      %swap3A_360 = vector.shape_cast %mul3A_355 : vector<16xf32> to vector<1x16xf32>
      tpu.vector_store %arg8[%swap3A_356, %swap3A_357], %swap3A_360 {strides = array<i32>} : memref<64x1024xf32, #tpu.memory_space<vmem>>, vector<1x16xf32>,
      %get3A_361 = arith.index_cast %scan3A_28 : i32 to index
      %get3A_362 = arith.constant 528 : index
      %get3A_363 = tpu.vector_load %arg8[%get3A_361, %get3A_362] {strides = array<i32>} : memref<64x1024xf32, #tpu.memory_space<vmem>>, vector<1x16xf32>,
      %get3A_364 = vector.shape_cast %get3A_363 : vector<1x16xf32> to vector<16xf32>
      %mul3A_365 = arith.mulf %get3A_364, %get3A_31 : vector<16xf32>
      %swap3A_366 = arith.index_cast %scan3A_28 : i32 to index
      %swap3A_367 = arith.constant 528 : index
      %swap3A_368 = tpu.vector_load %arg8[%swap3A_366, %swap3A_367] {strides = array<i32>} : memref<64x1024xf32, #tpu.memory_space<vmem>>, vector<1x16xf32>,
      %swap3A_369 = vector.shape_cast %swap3A_368 : vector<1x16xf32> to vector<16xf32>
      %swap3A_370 = vector.shape_cast %mul3A_365 : vector<16xf32> to vector<1x16xf32>
      tpu.vector_store %arg8[%swap3A_366, %swap3A_367], %swap3A_370 {strides = array<i32>} : memref<64x1024xf32, #tpu.memory_space<vmem>>, vector<1x16xf32>,
      %get3A_371 = arith.index_cast %scan3A_28 : i32 to index
      %get3A_372 = arith.constant 544 : index
      %get3A_373 = tpu.vector_load %arg8[%get3A_371, %get3A_372] {strides = array<i32>} : memref<64x1024xf32, #tpu.memory_space<vmem>>, vector<1x16xf32>,
      %get3A_374 = vector.shape_cast %get3A_373 : vector<1x16xf32> to vector<16xf32>
      %mul3A_375 = arith.mulf %get3A_374, %get3A_31 : vector<16xf32>
      %swap3A_376 = arith.index_cast %scan3A_28 : i32 to index
      %swap3A_377 = arith.constant 544 : index
      %swap3A_378 = tpu.vector_load %arg8[%swap3A_376, %swap3A_377] {strides = array<i32>} : memref<64x1024xf32, #tpu.memory_space<vmem>>, vector<1x16xf32>,
      %swap3A_379 = vector.shape_cast %swap3A_378 : vector<1x16xf32> to vector<16xf32>
      %swap3A_380 = vector.shape_cast %mul3A_375 : vector<16xf32> to vector<1x16xf32>
      tpu.vector_store %arg8[%swap3A_376, %swap3A_377], %swap3A_380 {strides = array<i32>} : memref<64x1024xf32, #tpu.memory_space<vmem>>, vector<1x16xf32>,
      %get3A_381 = arith.index_cast %scan3A_28 : i32 to index
      %get3A_382 = arith.constant 560 : index
      %get3A_383 = tpu.vector_load %arg8[%get3A_381, %get3A_382] {strides = array<i32>} : memref<64x1024xf32, #tpu.memory_space<vmem>>, vector<1x16xf32>,
      %get3A_384 = vector.shape_cast %get3A_383 : vector<1x16xf32> to vector<16xf32>
      %mul3A_385 = arith.mulf %get3A_384, %get3A_31 : vector<16xf32>
      %swap3A_386 = arith.index_cast %scan3A_28 : i32 to index
      %swap3A_387 = arith.constant 560 : index
      %swap3A_388 = tpu.vector_load %arg8[%swap3A_386, %swap3A_387] {strides = array<i32>} : memref<64x1024xf32, #tpu.memory_space<vmem>>, vector<1x16xf32>,
      %swap3A_389 = vector.shape_cast %swap3A_388 : vector<1x16xf32> to vector<16xf32>
      %swap3A_390 = vector.shape_cast %mul3A_385 : vector<16xf32> to vector<1x16xf32>
      tpu.vector_store %arg8[%swap3A_386, %swap3A_387], %swap3A_390 {strides = array<i32>} : memref<64x1024xf32, #tpu.memory_space<vmem>>, vector<1x16xf32>,
      %get3A_391 = arith.index_cast %scan3A_28 : i32 to index
      %get3A_392 = arith.constant 576 : index
      %get3A_393 = tpu.vector_load %arg8[%get3A_391, %get3A_392] {strides = array<i32>} : memref<64x1024xf32, #tpu.memory_space<vmem>>, vector<1x16xf32>,
      %get3A_394 = vector.shape_cast %get3A_393 : vector<1x16xf32> to vector<16xf32>
      %mul3A_395 = arith.mulf %get3A_394, %get3A_31 : vector<16xf32>
      %swap3A_396 = arith.index_cast %scan3A_28 : i32 to index
      %swap3A_397 = arith.constant 576 : index
      %swap3A_398 = tpu.vector_load %arg8[%swap3A_396, %swap3A_397] {strides = array<i32>} : memref<64x1024xf32, #tpu.memory_space<vmem>>, vector<1x16xf32>,
      %swap3A_399 = vector.shape_cast %swap3A_398 : vector<1x16xf32> to vector<16xf32>
      %swap3A_400 = vector.shape_cast %mul3A_395 : vector<16xf32> to vector<1x16xf32>
      tpu.vector_store %arg8[%swap3A_396, %swap3A_397], %swap3A_400 {strides = array<i32>} : memref<64x1024xf32, #tpu.memory_space<vmem>>, vector<1x16xf32>,
      %get3A_401 = arith.index_cast %scan3A_28 : i32 to index
      %get3A_402 = arith.constant 592 : index
      %get3A_403 = tpu.vector_load %arg8[%get3A_401, %get3A_402] {strides = array<i32>} : memref<64x1024xf32, #tpu.memory_space<vmem>>, vector<1x16xf32>,
      %get3A_404 = vector.shape_cast %get3A_403 : vector<1x16xf32> to vector<16xf32>
      %mul3A_405 = arith.mulf %get3A_404, %get3A_31 : vector<16xf32>
      %swap3A_406 = arith.index_cast %scan3A_28 : i32 to index
      %swap3A_407 = arith.constant 592 : index
      %swap3A_408 = tpu.vector_load %arg8[%swap3A_406, %swap3A_407] {strides = array<i32>} : memref<64x1024xf32, #tpu.memory_space<vmem>>, vector<1x16xf32>,
      %swap3A_409 = vector.shape_cast %swap3A_408 : vector<1x16xf32> to vector<16xf32>
      %swap3A_410 = vector.shape_cast %mul3A_405 : vector<16xf32> to vector<1x16xf32>
      tpu.vector_store %arg8[%swap3A_406, %swap3A_407], %swap3A_410 {strides = array<i32>} : memref<64x1024xf32, #tpu.memory_space<vmem>>, vector<1x16xf32>,
      %get3A_411 = arith.index_cast %scan3A_28 : i32 to index
      %get3A_412 = arith.constant 608 : index
      %get3A_413 = tpu.vector_load %arg8[%get3A_411, %get3A_412] {strides = array<i32>} : memref<64x1024xf32, #tpu.memory_space<vmem>>, vector<1x16xf32>,
      %get3A_414 = vector.shape_cast %get3A_413 : vector<1x16xf32> to vector<16xf32>
      %mul3A_415 = arith.mulf %get3A_414, %get3A_31 : vector<16xf32>
      %swap3A_416 = arith.index_cast %scan3A_28 : i32 to index
      %swap3A_417 = arith.constant 608 : index
      %swap3A_418 = tpu.vector_load %arg8[%swap3A_416, %swap3A_417] {strides = array<i32>} : memref<64x1024xf32, #tpu.memory_space<vmem>>, vector<1x16xf32>,
      %swap3A_419 = vector.shape_cast %swap3A_418 : vector<1x16xf32> to vector<16xf32>
      %swap3A_420 = vector.shape_cast %mul3A_415 : vector<16xf32> to vector<1x16xf32>
      tpu.vector_store %arg8[%swap3A_416, %swap3A_417], %swap3A_420 {strides = array<i32>} : memref<64x1024xf32, #tpu.memory_space<vmem>>, vector<1x16xf32>,
      %get3A_421 = arith.index_cast %scan3A_28 : i32 to index
      %get3A_422 = arith.constant 624 : index
      %get3A_423 = tpu.vector_load %arg8[%get3A_421, %get3A_422] {strides = array<i32>} : memref<64x1024xf32, #tpu.memory_space<vmem>>, vector<1x16xf32>,
      %get3A_424 = vector.shape_cast %get3A_423 : vector<1x16xf32> to vector<16xf32>
      %mul3A_425 = arith.mulf %get3A_424, %get3A_31 : vector<16xf32>
      %swap3A_426 = arith.index_cast %scan3A_28 : i32 to index
      %swap3A_427 = arith.constant 624 : index
      %swap3A_428 = tpu.vector_load %arg8[%swap3A_426, %swap3A_427] {strides = array<i32>} : memref<64x1024xf32, #tpu.memory_space<vmem>>, vector<1x16xf32>,
      %swap3A_429 = vector.shape_cast %swap3A_428 : vector<1x16xf32> to vector<16xf32>
      %swap3A_430 = vector.shape_cast %mul3A_425 : vector<16xf32> to vector<1x16xf32>
      tpu.vector_store %arg8[%swap3A_426, %swap3A_427], %swap3A_430 {strides = array<i32>} : memref<64x1024xf32, #tpu.memory_space<vmem>>, vector<1x16xf32>,
      %get3A_431 = arith.index_cast %scan3A_28 : i32 to index
      %get3A_432 = arith.constant 640 : index
      %get3A_433 = tpu.vector_load %arg8[%get3A_431, %get3A_432] {strides = array<i32>} : memref<64x1024xf32, #tpu.memory_space<vmem>>, vector<1x16xf32>,
      %get3A_434 = vector.shape_cast %get3A_433 : vector<1x16xf32> to vector<16xf32>
      %mul3A_435 = arith.mulf %get3A_434, %get3A_31 : vector<16xf32>
      %swap3A_436 = arith.index_cast %scan3A_28 : i32 to index
      %swap3A_437 = arith.constant 640 : index
      %swap3A_438 = tpu.vector_load %arg8[%swap3A_436, %swap3A_437] {strides = array<i32>} : memref<64x1024xf32, #tpu.memory_space<vmem>>, vector<1x16xf32>,
      %swap3A_439 = vector.shape_cast %swap3A_438 : vector<1x16xf32> to vector<16xf32>
      %swap3A_440 = vector.shape_cast %mul3A_435 : vector<16xf32> to vector<1x16xf32>
      tpu.vector_store %arg8[%swap3A_436, %swap3A_437], %swap3A_440 {strides = array<i32>} : memref<64x1024xf32, #tpu.memory_space<vmem>>, vector<1x16xf32>,
      %get3A_441 = arith.index_cast %scan3A_28 : i32 to index
      %get3A_442 = arith.constant 656 : index
      %get3A_443 = tpu.vector_load %arg8[%get3A_441, %get3A_442] {strides = array<i32>} : memref<64x1024xf32, #tpu.memory_space<vmem>>, vector<1x16xf32>,
      %get3A_444 = vector.shape_cast %get3A_443 : vector<1x16xf32> to vector<16xf32>
      %mul3A_445 = arith.mulf %get3A_444, %get3A_31 : vector<16xf32>
      %swap3A_446 = arith.index_cast %scan3A_28 : i32 to index
      %swap3A_447 = arith.constant 656 : index
      %swap3A_448 = tpu.vector_load %arg8[%swap3A_446, %swap3A_447] {strides = array<i32>} : memref<64x1024xf32, #tpu.memory_space<vmem>>, vector<1x16xf32>,
      %swap3A_449 = vector.shape_cast %swap3A_448 : vector<1x16xf32> to vector<16xf32>
      %swap3A_450 = vector.shape_cast %mul3A_445 : vector<16xf32> to vector<1x16xf32>
      tpu.vector_store %arg8[%swap3A_446, %swap3A_447], %swap3A_450 {strides = array<i32>} : memref<64x1024xf32, #tpu.memory_space<vmem>>, vector<1x16xf32>,
      %get3A_451 = arith.index_cast %scan3A_28 : i32 to index
      %get3A_452 = arith.constant 672 : index
      %get3A_453 = tpu.vector_load %arg8[%get3A_451, %get3A_452] {strides = array<i32>} : memref<64x1024xf32, #tpu.memory_space<vmem>>, vector<1x16xf32>,
      %get3A_454 = vector.shape_cast %get3A_453 : vector<1x16xf32> to vector<16xf32>
      %mul3A_455 = arith.mulf %get3A_454, %get3A_31 : vector<16xf32>
      %swap3A_456 = arith.index_cast %scan3A_28 : i32 to index
      %swap3A_457 = arith.constant 672 : index
      %swap3A_458 = tpu.vector_load %arg8[%swap3A_456, %swap3A_457] {strides = array<i32>} : memref<64x1024xf32, #tpu.memory_space<vmem>>, vector<1x16xf32>,
      %swap3A_459 = vector.shape_cast %swap3A_458 : vector<1x16xf32> to vector<16xf32>
      %swap3A_460 = vector.shape_cast %mul3A_455 : vector<16xf32> to vector<1x16xf32>
      tpu.vector_store %arg8[%swap3A_456, %swap3A_457], %swap3A_460 {strides = array<i32>} : memref<64x1024xf32, #tpu.memory_space<vmem>>, vector<1x16xf32>,
      %get3A_461 = arith.index_cast %scan3A_28 : i32 to index
      %get3A_462 = arith.constant 688 : index
      %get3A_463 = tpu.vector_load %arg8[%get3A_461, %get3A_462] {strides = array<i32>} : memref<64x1024xf32, #tpu.memory_space<vmem>>, vector<1x16xf32>,
      %get3A_464 = vector.shape_cast %get3A_463 : vector<1x16xf32> to vector<16xf32>
      %mul3A_465 = arith.mulf %get3A_464, %get3A_31 : vector<16xf32>
      %swap3A_466 = arith.index_cast %scan3A_28 : i32 to index
      %swap3A_467 = arith.constant 688 : index
      %swap3A_468 = tpu.vector_load %arg8[%swap3A_466, %swap3A_467] {strides = array<i32>} : memref<64x1024xf32, #tpu.memory_space<vmem>>, vector<1x16xf32>,
      %swap3A_469 = vector.shape_cast %swap3A_468 : vector<1x16xf32> to vector<16xf32>
      %swap3A_470 = vector.shape_cast %mul3A_465 : vector<16xf32> to vector<1x16xf32>
      tpu.vector_store %arg8[%swap3A_466, %swap3A_467], %swap3A_470 {strides = array<i32>} : memref<64x1024xf32, #tpu.memory_space<vmem>>, vector<1x16xf32>,
      %get3A_471 = arith.index_cast %scan3A_28 : i32 to index
      %get3A_472 = arith.constant 704 : index
      %get3A_473 = tpu.vector_load %arg8[%get3A_471, %get3A_472] {strides = array<i32>} : memref<64x1024xf32, #tpu.memory_space<vmem>>, vector<1x16xf32>,
      %get3A_474 = vector.shape_cast %get3A_473 : vector<1x16xf32> to vector<16xf32>
      %mul3A_475 = arith.mulf %get3A_474, %get3A_31 : vector<16xf32>
      %swap3A_476 = arith.index_cast %scan3A_28 : i32 to index
      %swap3A_477 = arith.constant 704 : index
      %swap3A_478 = tpu.vector_load %arg8[%swap3A_476, %swap3A_477] {strides = array<i32>} : memref<64x1024xf32, #tpu.memory_space<vmem>>, vector<1x16xf32>,
      %swap3A_479 = vector.shape_cast %swap3A_478 : vector<1x16xf32> to vector<16xf32>
      %swap3A_480 = vector.shape_cast %mul3A_475 : vector<16xf32> to vector<1x16xf32>
      tpu.vector_store %arg8[%swap3A_476, %swap3A_477], %swap3A_480 {strides = array<i32>} : memref<64x1024xf32, #tpu.memory_space<vmem>>, vector<1x16xf32>,
      %get3A_481 = arith.index_cast %scan3A_28 : i32 to index
      %get3A_482 = arith.constant 720 : index
      %get3A_483 = tpu.vector_load %arg8[%get3A_481, %get3A_482] {strides = array<i32>} : memref<64x1024xf32, #tpu.memory_space<vmem>>, vector<1x16xf32>,
      %get3A_484 = vector.shape_cast %get3A_483 : vector<1x16xf32> to vector<16xf32>
      %mul3A_485 = arith.mulf %get3A_484, %get3A_31 : vector<16xf32>
      %swap3A_486 = arith.index_cast %scan3A_28 : i32 to index
      %swap3A_487 = arith.constant 720 : index
      %swap3A_488 = tpu.vector_load %arg8[%swap3A_486, %swap3A_487] {strides = array<i32>} : memref<64x1024xf32, #tpu.memory_space<vmem>>, vector<1x16xf32>,
      %swap3A_489 = vector.shape_cast %swap3A_488 : vector<1x16xf32> to vector<16xf32>
      %swap3A_490 = vector.shape_cast %mul3A_485 : vector<16xf32> to vector<1x16xf32>
      tpu.vector_store %arg8[%swap3A_486, %swap3A_487], %swap3A_490 {strides = array<i32>} : memref<64x1024xf32, #tpu.memory_space<vmem>>, vector<1x16xf32>,
      %get3A_491 = arith.index_cast %scan3A_28 : i32 to index
      %get3A_492 = arith.constant 736 : index
      %get3A_493 = tpu.vector_load %arg8[%get3A_491, %get3A_492] {strides = array<i32>} : memref<64x1024xf32, #tpu.memory_space<vmem>>, vector<1x16xf32>,
      %get3A_494 = vector.shape_cast %get3A_493 : vector<1x16xf32> to vector<16xf32>
      %mul3A_495 = arith.mulf %get3A_494, %get3A_31 : vector<16xf32>
      %swap3A_496 = arith.index_cast %scan3A_28 : i32 to index
      %swap3A_497 = arith.constant 736 : index
      %swap3A_498 = tpu.vector_load %arg8[%swap3A_496, %swap3A_497] {strides = array<i32>} : memref<64x1024xf32, #tpu.memory_space<vmem>>, vector<1x16xf32>,
      %swap3A_499 = vector.shape_cast %swap3A_498 : vector<1x16xf32> to vector<16xf32>
      %swap3A_500 = vector.shape_cast %mul3A_495 : vector<16xf32> to vector<1x16xf32>
      tpu.vector_store %arg8[%swap3A_496, %swap3A_497], %swap3A_500 {strides = array<i32>} : memref<64x1024xf32, #tpu.memory_space<vmem>>, vector<1x16xf32>,
      %get3A_501 = arith.index_cast %scan3A_28 : i32 to index
      %get3A_502 = arith.constant 752 : index
      %get3A_503 = tpu.vector_load %arg8[%get3A_501, %get3A_502] {strides = array<i32>} : memref<64x1024xf32, #tpu.memory_space<vmem>>, vector<1x16xf32>,
      %get3A_504 = vector.shape_cast %get3A_503 : vector<1x16xf32> to vector<16xf32>
      %mul3A_505 = arith.mulf %get3A_504, %get3A_31 : vector<16xf32>
      %swap3A_506 = arith.index_cast %scan3A_28 : i32 to index
      %swap3A_507 = arith.constant 752 : index
      %swap3A_508 = tpu.vector_load %arg8[%swap3A_506, %swap3A_507] {strides = array<i32>} : memref<64x1024xf32, #tpu.memory_space<vmem>>, vector<1x16xf32>,
      %swap3A_509 = vector.shape_cast %swap3A_508 : vector<1x16xf32> to vector<16xf32>
      %swap3A_510 = vector.shape_cast %mul3A_505 : vector<16xf32> to vector<1x16xf32>
      tpu.vector_store %arg8[%swap3A_506, %swap3A_507], %swap3A_510 {strides = array<i32>} : memref<64x1024xf32, #tpu.memory_space<vmem>>, vector<1x16xf32>,
      %get3A_511 = arith.index_cast %scan3A_28 : i32 to index
      %get3A_512 = arith.constant 768 : index
      %get3A_513 = tpu.vector_load %arg8[%get3A_511, %get3A_512] {strides = array<i32>} : memref<64x1024xf32, #tpu.memory_space<vmem>>, vector<1x16xf32>,
      %get3A_514 = vector.shape_cast %get3A_513 : vector<1x16xf32> to vector<16xf32>
      %mul3A_515 = arith.mulf %get3A_514, %get3A_31 : vector<16xf32>
      %swap3A_516 = arith.index_cast %scan3A_28 : i32 to index
      %swap3A_517 = arith.constant 768 : index
      %swap3A_518 = tpu.vector_load %arg8[%swap3A_516, %swap3A_517] {strides = array<i32>} : memref<64x1024xf32, #tpu.memory_space<vmem>>, vector<1x16xf32>,
      %swap3A_519 = vector.shape_cast %swap3A_518 : vector<1x16xf32> to vector<16xf32>
      %swap3A_520 = vector.shape_cast %mul3A_515 : vector<16xf32> to vector<1x16xf32>
      tpu.vector_store %arg8[%swap3A_516, %swap3A_517], %swap3A_520 {strides = array<i32>} : memref<64x1024xf32, #tpu.memory_space<vmem>>, vector<1x16xf32>,
      %get3A_521 = arith.index_cast %scan3A_28 : i32 to index
      %get3A_522 = arith.constant 784 : index
      %get3A_523 = tpu.vector_load %arg8[%get3A_521, %get3A_522] {strides = array<i32>} : memref<64x1024xf32, #tpu.memory_space<vmem>>, vector<1x16xf32>,
      %get3A_524 = vector.shape_cast %get3A_523 : vector<1x16xf32> to vector<16xf32>
      %mul3A_525 = arith.mulf %get3A_524, %get3A_31 : vector<16xf32>
      %swap3A_526 = arith.index_cast %scan3A_28 : i32 to index
      %swap3A_527 = arith.constant 784 : index
      %swap3A_528 = tpu.vector_load %arg8[%swap3A_526, %swap3A_527] {strides = array<i32>} : memref<64x1024xf32, #tpu.memory_space<vmem>>, vector<1x16xf32>,
      %swap3A_529 = vector.shape_cast %swap3A_528 : vector<1x16xf32> to vector<16xf32>
      %swap3A_530 = vector.shape_cast %mul3A_525 : vector<16xf32> to vector<1x16xf32>
      tpu.vector_store %arg8[%swap3A_526, %swap3A_527], %swap3A_530 {strides = array<i32>} : memref<64x1024xf32, #tpu.memory_space<vmem>>, vector<1x16xf32>,
      %get3A_531 = arith.index_cast %scan3A_28 : i32 to index
      %get3A_532 = arith.constant 800 : index
      %get3A_533 = tpu.vector_load %arg8[%get3A_531, %get3A_532] {strides = array<i32>} : memref<64x1024xf32, #tpu.memory_space<vmem>>, vector<1x16xf32>,
      %get3A_534 = vector.shape_cast %get3A_533 : vector<1x16xf32> to vector<16xf32>
      %mul3A_535 = arith.mulf %get3A_534, %get3A_31 : vector<16xf32>
      %swap3A_536 = arith.index_cast %scan3A_28 : i32 to index
      %swap3A_537 = arith.constant 800 : index
      %swap3A_538 = tpu.vector_load %arg8[%swap3A_536, %swap3A_537] {strides = array<i32>} : memref<64x1024xf32, #tpu.memory_space<vmem>>, vector<1x16xf32>,
      %swap3A_539 = vector.shape_cast %swap3A_538 : vector<1x16xf32> to vector<16xf32>
      %swap3A_540 = vector.shape_cast %mul3A_535 : vector<16xf32> to vector<1x16xf32>
      tpu.vector_store %arg8[%swap3A_536, %swap3A_537], %swap3A_540 {strides = array<i32>} : memref<64x1024xf32, #tpu.memory_space<vmem>>, vector<1x16xf32>,
      %get3A_541 = arith.index_cast %scan3A_28 : i32 to index
      %get3A_542 = arith.constant 816 : index
      %get3A_543 = tpu.vector_load %arg8[%get3A_541, %get3A_542] {strides = array<i32>} : memref<64x1024xf32, #tpu.memory_space<vmem>>, vector<1x16xf32>,
      %get3A_544 = vector.shape_cast %get3A_543 : vector<1x16xf32> to vector<16xf32>
      %mul3A_545 = arith.mulf %get3A_544, %get3A_31 : vector<16xf32>
      %swap3A_546 = arith.index_cast %scan3A_28 : i32 to index
      %swap3A_547 = arith.constant 816 : index
      %swap3A_548 = tpu.vector_load %arg8[%swap3A_546, %swap3A_547] {strides = array<i32>} : memref<64x1024xf32, #tpu.memory_space<vmem>>, vector<1x16xf32>,
      %swap3A_549 = vector.shape_cast %swap3A_548 : vector<1x16xf32> to vector<16xf32>
      %swap3A_550 = vector.shape_cast %mul3A_545 : vector<16xf32> to vector<1x16xf32>
      tpu.vector_store %arg8[%swap3A_546, %swap3A_547], %swap3A_550 {strides = array<i32>} : memref<64x1024xf32, #tpu.memory_space<vmem>>, vector<1x16xf32>,
      %get3A_551 = arith.index_cast %scan3A_28 : i32 to index
      %get3A_552 = arith.constant 832 : index
      %get3A_553 = tpu.vector_load %arg8[%get3A_551, %get3A_552] {strides = array<i32>} : memref<64x1024xf32, #tpu.memory_space<vmem>>, vector<1x16xf32>,
      %get3A_554 = vector.shape_cast %get3A_553 : vector<1x16xf32> to vector<16xf32>
      %mul3A_555 = arith.mulf %get3A_554, %get3A_31 : vector<16xf32>
      %swap3A_556 = arith.index_cast %scan3A_28 : i32 to index
      %swap3A_557 = arith.constant 832 : index
      %swap3A_558 = tpu.vector_load %arg8[%swap3A_556, %swap3A_557] {strides = array<i32>} : memref<64x1024xf32, #tpu.memory_space<vmem>>, vector<1x16xf32>,
      %swap3A_559 = vector.shape_cast %swap3A_558 : vector<1x16xf32> to vector<16xf32>
      %swap3A_560 = vector.shape_cast %mul3A_555 : vector<16xf32> to vector<1x16xf32>
      tpu.vector_store %arg8[%swap3A_556, %swap3A_557], %swap3A_560 {strides = array<i32>} : memref<64x1024xf32, #tpu.memory_space<vmem>>, vector<1x16xf32>,
      %get3A_561 = arith.index_cast %scan3A_28 : i32 to index
      %get3A_562 = arith.constant 848 : index
      %get3A_563 = tpu.vector_load %arg8[%get3A_561, %get3A_562] {strides = array<i32>} : memref<64x1024xf32, #tpu.memory_space<vmem>>, vector<1x16xf32>,
      %get3A_564 = vector.shape_cast %get3A_563 : vector<1x16xf32> to vector<16xf32>
      %mul3A_565 = arith.mulf %get3A_564, %get3A_31 : vector<16xf32>
      %swap3A_566 = arith.index_cast %scan3A_28 : i32 to index
      %swap3A_567 = arith.constant 848 : index
      %swap3A_568 = tpu.vector_load %arg8[%swap3A_566, %swap3A_567] {strides = array<i32>} : memref<64x1024xf32, #tpu.memory_space<vmem>>, vector<1x16xf32>,
      %swap3A_569 = vector.shape_cast %swap3A_568 : vector<1x16xf32> to vector<16xf32>
      %swap3A_570 = vector.shape_cast %mul3A_565 : vector<16xf32> to vector<1x16xf32>
      tpu.vector_store %arg8[%swap3A_566, %swap3A_567], %swap3A_570 {strides = array<i32>} : memref<64x1024xf32, #tpu.memory_space<vmem>>, vector<1x16xf32>,
      %get3A_571 = arith.index_cast %scan3A_28 : i32 to index
      %get3A_572 = arith.constant 864 : index
      %get3A_573 = tpu.vector_load %arg8[%get3A_571, %get3A_572] {strides = array<i32>} : memref<64x1024xf32, #tpu.memory_space<vmem>>, vector<1x16xf32>,
      %get3A_574 = vector.shape_cast %get3A_573 : vector<1x16xf32> to vector<16xf32>
      %mul3A_575 = arith.mulf %get3A_574, %get3A_31 : vector<16xf32>
      %swap3A_576 = arith.index_cast %scan3A_28 : i32 to index
      %swap3A_577 = arith.constant 864 : index
      %swap3A_578 = tpu.vector_load %arg8[%swap3A_576, %swap3A_577] {strides = array<i32>} : memref<64x1024xf32, #tpu.memory_space<vmem>>, vector<1x16xf32>,
      %swap3A_579 = vector.shape_cast %swap3A_578 : vector<1x16xf32> to vector<16xf32>
      %swap3A_580 = vector.shape_cast %mul3A_575 : vector<16xf32> to vector<1x16xf32>
      tpu.vector_store %arg8[%swap3A_576, %swap3A_577], %swap3A_580 {strides = array<i32>} : memref<64x1024xf32, #tpu.memory_space<vmem>>, vector<1x16xf32>,
      %get3A_581 = arith.index_cast %scan3A_28 : i32 to index
      %get3A_582 = arith.constant 880 : index
      %get3A_583 = tpu.vector_load %arg8[%get3A_581, %get3A_582] {strides = array<i32>} : memref<64x1024xf32, #tpu.memory_space<vmem>>, vector<1x16xf32>,
      %get3A_584 = vector.shape_cast %get3A_583 : vector<1x16xf32> to vector<16xf32>
      %mul3A_585 = arith.mulf %get3A_584, %get3A_31 : vector<16xf32>
      %swap3A_586 = arith.index_cast %scan3A_28 : i32 to index
      %swap3A_587 = arith.constant 880 : index
      %swap3A_588 = tpu.vector_load %arg8[%swap3A_586, %swap3A_587] {strides = array<i32>} : memref<64x1024xf32, #tpu.memory_space<vmem>>, vector<1x16xf32>,
      %swap3A_589 = vector.shape_cast %swap3A_588 : vector<1x16xf32> to vector<16xf32>
      %swap3A_590 = vector.shape_cast %mul3A_585 : vector<16xf32> to vector<1x16xf32>
      tpu.vector_store %arg8[%swap3A_586, %swap3A_587], %swap3A_590 {strides = array<i32>} : memref<64x1024xf32, #tpu.memory_space<vmem>>, vector<1x16xf32>,
      %get3A_591 = arith.index_cast %scan3A_28 : i32 to index
      %get3A_592 = arith.constant 896 : index
      %get3A_593 = tpu.vector_load %arg8[%get3A_591, %get3A_592] {strides = array<i32>} : memref<64x1024xf32, #tpu.memory_space<vmem>>, vector<1x16xf32>,
      %get3A_594 = vector.shape_cast %get3A_593 : vector<1x16xf32> to vector<16xf32>
      %mul3A_595 = arith.mulf %get3A_594, %get3A_31 : vector<16xf32>
      %swap3A_596 = arith.index_cast %scan3A_28 : i32 to index
      %swap3A_597 = arith.constant 896 : index
      %swap3A_598 = tpu.vector_load %arg8[%swap3A_596, %swap3A_597] {strides = array<i32>} : memref<64x1024xf32, #tpu.memory_space<vmem>>, vector<1x16xf32>,
      %swap3A_599 = vector.shape_cast %swap3A_598 : vector<1x16xf32> to vector<16xf32>
      %swap3A_600 = vector.shape_cast %mul3A_595 : vector<16xf32> to vector<1x16xf32>
      tpu.vector_store %arg8[%swap3A_596, %swap3A_597], %swap3A_600 {strides = array<i32>} : memref<64x1024xf32, #tpu.memory_space<vmem>>, vector<1x16xf32>,
      %get3A_601 = arith.index_cast %scan3A_28 : i32 to index
      %get3A_602 = arith.constant 912 : index
      %get3A_603 = tpu.vector_load %arg8[%get3A_601, %get3A_602] {strides = array<i32>} : memref<64x1024xf32, #tpu.memory_space<vmem>>, vector<1x16xf32>,
      %get3A_604 = vector.shape_cast %get3A_603 : vector<1x16xf32> to vector<16xf32>
      %mul3A_605 = arith.mulf %get3A_604, %get3A_31 : vector<16xf32>
      %swap3A_606 = arith.index_cast %scan3A_28 : i32 to index
      %swap3A_607 = arith.constant 912 : index
      %swap3A_608 = tpu.vector_load %arg8[%swap3A_606, %swap3A_607] {strides = array<i32>} : memref<64x1024xf32, #tpu.memory_space<vmem>>, vector<1x16xf32>,
      %swap3A_609 = vector.shape_cast %swap3A_608 : vector<1x16xf32> to vector<16xf32>
      %swap3A_610 = vector.shape_cast %mul3A_605 : vector<16xf32> to vector<1x16xf32>
      tpu.vector_store %arg8[%swap3A_606, %swap3A_607], %swap3A_610 {strides = array<i32>} : memref<64x1024xf32, #tpu.memory_space<vmem>>, vector<1x16xf32>,
      %get3A_611 = arith.index_cast %scan3A_28 : i32 to index
      %get3A_612 = arith.constant 928 : index
      %get3A_613 = tpu.vector_load %arg8[%get3A_611, %get3A_612] {strides = array<i32>} : memref<64x1024xf32, #tpu.memory_space<vmem>>, vector<1x16xf32>,
      %get3A_614 = vector.shape_cast %get3A_613 : vector<1x16xf32> to vector<16xf32>
      %mul3A_615 = arith.mulf %get3A_614, %get3A_31 : vector<16xf32>
      %swap3A_616 = arith.index_cast %scan3A_28 : i32 to index
      %swap3A_617 = arith.constant 928 : index
      %swap3A_618 = tpu.vector_load %arg8[%swap3A_616, %swap3A_617] {strides = array<i32>} : memref<64x1024xf32, #tpu.memory_space<vmem>>, vector<1x16xf32>,
      %swap3A_619 = vector.shape_cast %swap3A_618 : vector<1x16xf32> to vector<16xf32>
      %swap3A_620 = vector.shape_cast %mul3A_615 : vector<16xf32> to vector<1x16xf32>
      tpu.vector_store %arg8[%swap3A_616, %swap3A_617], %swap3A_620 {strides = array<i32>} : memref<64x1024xf32, #tpu.memory_space<vmem>>, vector<1x16xf32>,
      %get3A_621 = arith.index_cast %scan3A_28 : i32 to index
      %get3A_622 = arith.constant 944 : index
      %get3A_623 = tpu.vector_load %arg8[%get3A_621, %get3A_622] {strides = array<i32>} : memref<64x1024xf32, #tpu.memory_space<vmem>>, vector<1x16xf32>,
      %get3A_624 = vector.shape_cast %get3A_623 : vector<1x16xf32> to vector<16xf32>
      %mul3A_625 = arith.mulf %get3A_624, %get3A_31 : vector<16xf32>
      %swap3A_626 = arith.index_cast %scan3A_28 : i32 to index
      %swap3A_627 = arith.constant 944 : index
      %swap3A_628 = tpu.vector_load %arg8[%swap3A_626, %swap3A_627] {strides = array<i32>} : memref<64x1024xf32, #tpu.memory_space<vmem>>, vector<1x16xf32>,
      %swap3A_629 = vector.shape_cast %swap3A_628 : vector<1x16xf32> to vector<16xf32>
      %swap3A_630 = vector.shape_cast %mul3A_625 : vector<16xf32> to vector<1x16xf32>
      tpu.vector_store %arg8[%swap3A_626, %swap3A_627], %swap3A_630 {strides = array<i32>} : memref<64x1024xf32, #tpu.memory_space<vmem>>, vector<1x16xf32>,
      %get3A_631 = arith.index_cast %scan3A_28 : i32 to index
      %get3A_632 = arith.constant 960 : index
      %get3A_633 = tpu.vector_load %arg8[%get3A_631, %get3A_632] {strides = array<i32>} : memref<64x1024xf32, #tpu.memory_space<vmem>>, vector<1x16xf32>,
      %get3A_634 = vector.shape_cast %get3A_633 : vector<1x16xf32> to vector<16xf32>
      %mul3A_635 = arith.mulf %get3A_634, %get3A_31 : vector<16xf32>
      %swap3A_636 = arith.index_cast %scan3A_28 : i32 to index
      %swap3A_637 = arith.constant 960 : index
      %swap3A_638 = tpu.vector_load %arg8[%swap3A_636, %swap3A_637] {strides = array<i32>} : memref<64x1024xf32, #tpu.memory_space<vmem>>, vector<1x16xf32>,
      %swap3A_639 = vector.shape_cast %swap3A_638 : vector<1x16xf32> to vector<16xf32>
      %swap3A_640 = vector.shape_cast %mul3A_635 : vector<16xf32> to vector<1x16xf32>
      tpu.vector_store %arg8[%swap3A_636, %swap3A_637], %swap3A_640 {strides = array<i32>} : memref<64x1024xf32, #tpu.memory_space<vmem>>, vector<1x16xf32>,
      %get3A_641 = arith.index_cast %scan3A_28 : i32 to index
      %get3A_642 = arith.constant 976 : index
      %get3A_643 = tpu.vector_load %arg8[%get3A_641, %get3A_642] {strides = array<i32>} : memref<64x1024xf32, #tpu.memory_space<vmem>>, vector<1x16xf32>,
      %get3A_644 = vector.shape_cast %get3A_643 : vector<1x16xf32> to vector<16xf32>
      %mul3A_645 = arith.mulf %get3A_644, %get3A_31 : vector<16xf32>
      %swap3A_646 = arith.index_cast %scan3A_28 : i32 to index
      %swap3A_647 = arith.constant 976 : index
      %swap3A_648 = tpu.vector_load %arg8[%swap3A_646, %swap3A_647] {strides = array<i32>} : memref<64x1024xf32, #tpu.memory_space<vmem>>, vector<1x16xf32>,
      %swap3A_649 = vector.shape_cast %swap3A_648 : vector<1x16xf32> to vector<16xf32>
      %swap3A_650 = vector.shape_cast %mul3A_645 : vector<16xf32> to vector<1x16xf32>
      tpu.vector_store %arg8[%swap3A_646, %swap3A_647], %swap3A_650 {strides = array<i32>} : memref<64x1024xf32, #tpu.memory_space<vmem>>, vector<1x16xf32>,
      %get3A_651 = arith.index_cast %scan3A_28 : i32 to index
      %get3A_652 = arith.constant 992 : index
      %get3A_653 = tpu.vector_load %arg8[%get3A_651, %get3A_652] {strides = array<i32>} : memref<64x1024xf32, #tpu.memory_space<vmem>>, vector<1x16xf32>,
      %get3A_654 = vector.shape_cast %get3A_653 : vector<1x16xf32> to vector<16xf32>
      %mul3A_655 = arith.mulf %get3A_654, %get3A_31 : vector<16xf32>
      %swap3A_656 = arith.index_cast %scan3A_28 : i32 to index
      %swap3A_657 = arith.constant 992 : index
      %swap3A_658 = tpu.vector_load %arg8[%swap3A_656, %swap3A_657] {strides = array<i32>} : memref<64x1024xf32, #tpu.memory_space<vmem>>, vector<1x16xf32>,
      %swap3A_659 = vector.shape_cast %swap3A_658 : vector<1x16xf32> to vector<16xf32>
      %swap3A_660 = vector.shape_cast %mul3A_655 : vector<16xf32> to vector<1x16xf32>
      tpu.vector_store %arg8[%swap3A_656, %swap3A_657], %swap3A_660 {strides = array<i32>} : memref<64x1024xf32, #tpu.memory_space<vmem>>, vector<1x16xf32>,
      %get3A_661 = arith.index_cast %scan3A_28 : i32 to index
      %get3A_662 = arith.constant 1008 : index
      %get3A_663 = tpu.vector_load %arg8[%get3A_661, %get3A_662] {strides = array<i32>} : memref<64x1024xf32, #tpu.memory_space<vmem>>, vector<1x16xf32>,
      %get3A_664 = vector.shape_cast %get3A_663 : vector<1x16xf32> to vector<16xf32>
      %mul3A_665 = arith.mulf %get3A_664, %get3A_31 : vector<16xf32>
      %swap3A_666 = arith.index_cast %scan3A_28 : i32 to index
      %swap3A_667 = arith.constant 1008 : index
      %swap3A_668 = tpu.vector_load %arg8[%swap3A_666, %swap3A_667] {strides = array<i32>} : memref<64x1024xf32, #tpu.memory_space<vmem>>, vector<1x16xf32>,
      %swap3A_669 = vector.shape_cast %swap3A_668 : vector<1x16xf32> to vector<16xf32>
      %swap3A_670 = vector.shape_cast %mul3A_665 : vector<16xf32> to vector<1x16xf32>
      tpu.vector_store %arg8[%swap3A_666, %swap3A_667], %swap3A_670 {strides = array<i32>} : memref<64x1024xf32, #tpu.memory_space<vmem>>, vector<1x16xf32>,
    }
    %scan3A_27 = arith.constant 64 : i32
    "tpu.region"() ({
      %run_scoped3A = tpu.sem_alloc : memref<!tpu.dma_semaphore, #tpu.memory_space<semaphore_mem>>
      %dma_start3A_28 = arith.constant 0 : i32
      %dma_start3A_29 = tpu.memref_slice %arg5[%add3A_15, %dma_start3A_28] : memref<4096x1024xf32, #tpu.memory_space<hbm>> -> memref<64x1024xf32, #tpu.memory_space<hbm>>
      %dma_start3A_30 = arith.constant 0 : i32
      %dma_start3A_31 = tpu.memref_slice %arg5[%add3A_15, %dma_start3A_30] : memref<4096x1024xf32, #tpu.memory_space<hbm>> -> memref<64x1024xf32, #tpu.memory_space<hbm>>
      tpu.enqueue_dma source(%arg8 : memref<64x1024xf32, #tpu.memory_space<vmem>>) target(%dma_start3A_31 : memref<64x1024xf32, #tpu.memory_space<hbm>>) target_semaphore(%run_scoped3A : memref<!tpu.dma_semaphore, #tpu.memory_space<semaphore_mem>>)
      %dma_wait3A_32 = arith.constant 0 : i32
      %dma_wait3A_33 = tpu.memref_slice %arg5[%add3A_15, %dma_wait3A_32] : memref<4096x1024xf32, #tpu.memory_space<hbm>> -> memref<64x1024xf32, #tpu.memory_space<hbm>>
      %dma_wait3A_34 = arith.constant 0 : i32
      %dma_wait3A_35 = tpu.memref_slice %arg5[%add3A_15, %dma_wait3A_34] : memref<4096x1024xf32, #tpu.memory_space<hbm>> -> memref<64x1024xf32, #tpu.memory_space<hbm>>
      tpu.wait_dma2 semaphore(%run_scoped3A : memref<!tpu.dma_semaphore, #tpu.memory_space<semaphore_mem>>) src(%arg8 : memref<64x1024xf32, #tpu.memory_space<vmem>>) dst(%dma_wait3A_35 : memref<64x1024xf32, #tpu.memory_space<hbm>>)
      tpu.yield
    }) : () -> ()
    return
  }
}

#map = affine_map<(d0, d1) -> (0, 0)>
#map1 = affine_map<(d0, d1) -> (0)>
module attributes {stable_mosaic.version = 14 : i64} {
  func.func @_dispatch(%arg0: i32, %arg1: i32, %arg2: memref<4096x1024xf32, #tpu.memory_space<hbm>>, %arg3: memref<4096xi32, #tpu.memory_space<hbm>>, %arg4: memref<9216x1024xf32, #tpu.memory_space<hbm>>, %arg5: memref<64xi32, #tpu.memory_space<vmem>>, %arg6: memref<64x1024xf32, #tpu.memory_space<vmem>>, %arg7: memref<!tpu.dma_semaphore, #tpu.memory_space<semaphore_mem>>) attributes {dimension_semantics = [#tpu.dimension_semantics<core_parallel>, #tpu.dimension_semantics<subcore_parallel>], iteration_bounds = array<i64: 2, 16>, scalar_prefetch = 0 : i64, scratch_operands = 3 : i64, tpu.core_type = #tpu.core_type<sc_vector_subcore>, window_params = [{transform_indices = #map}, {transform_indices = #map1}, {transform_indices = #map}]} {
    %mul3A = arith.constant 2 : i32
    %mul3A_0 = arith.muli %arg1, %mul3A : i32
    %add3A = arith.addi %mul3A_0, %arg0 : i32
    %mul3A_1 = arith.constant 128 : i32
    %mul3A_2 = arith.muli %add3A, %mul3A_1 : i32
    %add3A_3 = arith.constant 0 : i32
    %add3A_4 = arith.addi %mul3A_2, %add3A_3 : i32
    "tpu.region"() ({
      %run_scoped3A = tpu.sem_alloc : memref<!tpu.dma_semaphore, #tpu.memory_space<semaphore_mem>>
      %dma_start3A_17 = tpu.memref_slice %arg3[%add3A_4] : memref<4096xi32, #tpu.memory_space<hbm>> -> memref<64xi32, #tpu.memory_space<hbm>>
      %dma_start3A_18 = tpu.memref_slice %arg3[%add3A_4] : memref<4096xi32, #tpu.memory_space<hbm>> -> memref<64xi32, #tpu.memory_space<hbm>>
      tpu.enqueue_dma source(%dma_start3A_18 : memref<64xi32, #tpu.memory_space<hbm>>) target(%arg5 : memref<64xi32, #tpu.memory_space<vmem>>) target_semaphore(%run_scoped3A : memref<!tpu.dma_semaphore, #tpu.memory_space<semaphore_mem>>)
      %dma_wait3A_19 = tpu.memref_slice %arg3[%add3A_4] : memref<4096xi32, #tpu.memory_space<hbm>> -> memref<64xi32, #tpu.memory_space<hbm>>
      %dma_wait3A_20 = tpu.memref_slice %arg3[%add3A_4] : memref<4096xi32, #tpu.memory_space<hbm>> -> memref<64xi32, #tpu.memory_space<hbm>>
      tpu.wait_dma2 semaphore(%run_scoped3A : memref<!tpu.dma_semaphore, #tpu.memory_space<semaphore_mem>>) src(%dma_wait3A_20 : memref<64xi32, #tpu.memory_space<hbm>>) dst(%arg5 : memref<64xi32, #tpu.memory_space<vmem>>)
      tpu.yield
    }) : () -> ()
    "tpu.region"() ({
      %run_scoped3A = tpu.sem_alloc : memref<!tpu.dma_semaphore, #tpu.memory_space<semaphore_mem>>
      %dma_start3A_17 = arith.constant 0 : i32
      %dma_start3A_18 = tpu.memref_slice %arg2[%add3A_4, %dma_start3A_17] : memref<4096x1024xf32, #tpu.memory_space<hbm>> -> memref<64x1024xf32, #tpu.memory_space<hbm>>
      %dma_start3A_19 = arith.constant 0 : i32
      %dma_start3A_20 = tpu.memref_slice %arg2[%add3A_4, %dma_start3A_19] : memref<4096x1024xf32, #tpu.memory_space<hbm>> -> memref<64x1024xf32, #tpu.memory_space<hbm>>
      tpu.enqueue_dma source(%dma_start3A_20 : memref<64x1024xf32, #tpu.memory_space<hbm>>) target(%arg6 : memref<64x1024xf32, #tpu.memory_space<vmem>>) target_semaphore(%run_scoped3A : memref<!tpu.dma_semaphore, #tpu.memory_space<semaphore_mem>>)
      %dma_wait3A_21 = arith.constant 0 : i32
      %dma_wait3A_22 = tpu.memref_slice %arg2[%add3A_4, %dma_wait3A_21] : memref<4096x1024xf32, #tpu.memory_space<hbm>> -> memref<64x1024xf32, #tpu.memory_space<hbm>>
      %dma_wait3A_23 = arith.constant 0 : i32
      %dma_wait3A_24 = tpu.memref_slice %arg2[%add3A_4, %dma_wait3A_23] : memref<4096x1024xf32, #tpu.memory_space<hbm>> -> memref<64x1024xf32, #tpu.memory_space<hbm>>
      tpu.wait_dma2 semaphore(%run_scoped3A : memref<!tpu.dma_semaphore, #tpu.memory_space<semaphore_mem>>) src(%dma_wait3A_24 : memref<64x1024xf32, #tpu.memory_space<hbm>>) dst(%arg6 : memref<64x1024xf32, #tpu.memory_space<vmem>>)
      tpu.yield
    }) : () -> ()
    %dma_start3A = arith.constant 0 : i32
    %dma_start3A_5 = arith.constant 0 : i32
    %dma_start3A_6 = tpu.memref_slice %arg4[%dma_start3A, %dma_start3A_5] : memref<9216x1024xf32, #tpu.memory_space<hbm>> -> memref<9216x1024xf32, #tpu.memory_space<hbm>>
    tpu.enqueue_indirect_dma source(%arg6 : memref<64x1024xf32, #tpu.memory_space<vmem>>) target(%dma_start3A_6 : memref<9216x1024xf32, #tpu.memory_space<hbm>>) offsets(%arg5 : memref<64xi32, #tpu.memory_space<vmem>>) semaphore(%arg7 : memref<!tpu.dma_semaphore, #tpu.memory_space<semaphore_mem>>)
    %dma_wait3A = arith.constant 0 : i32
    %dma_wait3A_7 = arith.constant 0 : i32
    %dma_wait3A_8 = tpu.memref_slice %arg4[%dma_wait3A, %dma_wait3A_7] : memref<9216x1024xf32, #tpu.memory_space<hbm>> -> memref<9216x1024xf32, #tpu.memory_space<hbm>>
    tpu.wait_indirect_dma semaphore(%arg7 : memref<!tpu.dma_semaphore, #tpu.memory_space<semaphore_mem>>) src(%arg6 : memref<64x1024xf32, #tpu.memory_space<vmem>>) dst(%dma_wait3A_8 : memref<9216x1024xf32, #tpu.memory_space<hbm>>)
    %add3A_9 = arith.constant 64 : i32
    %add3A_10 = arith.addi %mul3A_2, %add3A_9 : i32
    "tpu.region"() ({
      %run_scoped3A = tpu.sem_alloc : memref<!tpu.dma_semaphore, #tpu.memory_space<semaphore_mem>>
      %dma_start3A_17 = tpu.memref_slice %arg3[%add3A_10] : memref<4096xi32, #tpu.memory_space<hbm>> -> memref<64xi32, #tpu.memory_space<hbm>>
      %dma_start3A_18 = tpu.memref_slice %arg3[%add3A_10] : memref<4096xi32, #tpu.memory_space<hbm>> -> memref<64xi32, #tpu.memory_space<hbm>>
      tpu.enqueue_dma source(%dma_start3A_18 : memref<64xi32, #tpu.memory_space<hbm>>) target(%arg5 : memref<64xi32, #tpu.memory_space<vmem>>) target_semaphore(%run_scoped3A : memref<!tpu.dma_semaphore, #tpu.memory_space<semaphore_mem>>)
      %dma_wait3A_19 = tpu.memref_slice %arg3[%add3A_10] : memref<4096xi32, #tpu.memory_space<hbm>> -> memref<64xi32, #tpu.memory_space<hbm>>
      %dma_wait3A_20 = tpu.memref_slice %arg3[%add3A_10] : memref<4096xi32, #tpu.memory_space<hbm>> -> memref<64xi32, #tpu.memory_space<hbm>>
      tpu.wait_dma2 semaphore(%run_scoped3A : memref<!tpu.dma_semaphore, #tpu.memory_space<semaphore_mem>>) src(%dma_wait3A_20 : memref<64xi32, #tpu.memory_space<hbm>>) dst(%arg5 : memref<64xi32, #tpu.memory_space<vmem>>)
      tpu.yield
    }) : () -> ()
    "tpu.region"() ({
      %run_scoped3A = tpu.sem_alloc : memref<!tpu.dma_semaphore, #tpu.memory_space<semaphore_mem>>
      %dma_start3A_17 = arith.constant 0 : i32
      %dma_start3A_18 = tpu.memref_slice %arg2[%add3A_10, %dma_start3A_17] : memref<4096x1024xf32, #tpu.memory_space<hbm>> -> memref<64x1024xf32, #tpu.memory_space<hbm>>
      %dma_start3A_19 = arith.constant 0 : i32
      %dma_start3A_20 = tpu.memref_slice %arg2[%add3A_10, %dma_start3A_19] : memref<4096x1024xf32, #tpu.memory_space<hbm>> -> memref<64x1024xf32, #tpu.memory_space<hbm>>
      tpu.enqueue_dma source(%dma_start3A_20 : memref<64x1024xf32, #tpu.memory_space<hbm>>) target(%arg6 : memref<64x1024xf32, #tpu.memory_space<vmem>>) target_semaphore(%run_scoped3A : memref<!tpu.dma_semaphore, #tpu.memory_space<semaphore_mem>>)
      %dma_wait3A_21 = arith.constant 0 : i32
      %dma_wait3A_22 = tpu.memref_slice %arg2[%add3A_10, %dma_wait3A_21] : memref<4096x1024xf32, #tpu.memory_space<hbm>> -> memref<64x1024xf32, #tpu.memory_space<hbm>>
      %dma_wait3A_23 = arith.constant 0 : i32
      %dma_wait3A_24 = tpu.memref_slice %arg2[%add3A_10, %dma_wait3A_23] : memref<4096x1024xf32, #tpu.memory_space<hbm>> -> memref<64x1024xf32, #tpu.memory_space<hbm>>
      tpu.wait_dma2 semaphore(%run_scoped3A : memref<!tpu.dma_semaphore, #tpu.memory_space<semaphore_mem>>) src(%dma_wait3A_24 : memref<64x1024xf32, #tpu.memory_space<hbm>>) dst(%arg6 : memref<64x1024xf32, #tpu.memory_space<vmem>>)
      tpu.yield
    }) : () -> ()
    %dma_start3A_11 = arith.constant 0 : i32
    %dma_start3A_12 = arith.constant 0 : i32
    %dma_start3A_13 = tpu.memref_slice %arg4[%dma_start3A_11, %dma_start3A_12] : memref<9216x1024xf32, #tpu.memory_space<hbm>> -> memref<9216x1024xf32, #tpu.memory_space<hbm>>
    tpu.enqueue_indirect_dma source(%arg6 : memref<64x1024xf32, #tpu.memory_space<vmem>>) target(%dma_start3A_13 : memref<9216x1024xf32, #tpu.memory_space<hbm>>) offsets(%arg5 : memref<64xi32, #tpu.memory_space<vmem>>) semaphore(%arg7 : memref<!tpu.dma_semaphore, #tpu.memory_space<semaphore_mem>>)
    %dma_wait3A_14 = arith.constant 0 : i32
    %dma_wait3A_15 = arith.constant 0 : i32
    %dma_wait3A_16 = tpu.memref_slice %arg4[%dma_wait3A_14, %dma_wait3A_15] : memref<9216x1024xf32, #tpu.memory_space<hbm>> -> memref<9216x1024xf32, #tpu.memory_space<hbm>>
    tpu.wait_indirect_dma semaphore(%arg7 : memref<!tpu.dma_semaphore, #tpu.memory_space<semaphore_mem>>) src(%arg6 : memref<64x1024xf32, #tpu.memory_space<vmem>>) dst(%dma_wait3A_16 : memref<9216x1024xf32, #tpu.memory_space<hbm>>)
    return
  }
}

module attributes {stable_mosaic.version = 14 : i64} {
  func.func @_ffn_body(%arg0: i32, %arg1: i32, %arg2: memref<8xi32, #tpu.memory_space<smem>>, %arg3: memref<1024x1024xf32, #tpu.memory_space<vmem>>, %arg4: memref<1x1024x512xf32, #tpu.memory_space<vmem>>, %arg5: memref<1x1x512xf32, #tpu.memory_space<vmem>>, %arg6: memref<1x512x1024xf32, #tpu.memory_space<vmem>>, %arg7: memref<1x1x1024xf32, #tpu.memory_space<vmem>>, %arg8: memref<1024x1024xf32, #tpu.memory_space<vmem>>) attributes {dimension_semantics = [#tpu.dimension_semantics<arbitrary>, #tpu.dimension_semantics<arbitrary>], iteration_bounds = array<i64: 8, 8>, scalar_prefetch = 1 : i64, scratch_operands = 0 : i64, tpu.core_type = #tpu.core_type<tc>, window_params = [{transform_indices = @transform_0, window_bounds = array<i64: 1024, 1024>}, {transform_indices = @transform_1, window_bounds = array<i64: 1, 1024, 512>}, {transform_indices = @transform_2, window_bounds = array<i64: 1, 1, 512>}, {transform_indices = @transform_3, window_bounds = array<i64: 1, 512, 1024>}, {transform_indices = @transform_4, window_bounds = array<i64: 1, 1, 1024>}, {transform_indices = @transform_5, window_bounds = array<i64: 1024, 1024>}]} {
    %get3A = arith.index_cast %arg0 : i32 to index
    %get3A_0 = memref.load %arg2[%get3A] : memref<8xi32, #tpu.memory_space<smem>>
    %gt3A = arith.constant 0 : i32
    %gt3A_1 = arith.cmpi sgt, %get3A_0, %gt3A : i32
    %eq3A = arith.constant 0 : i32
    %eq3A_2 = arith.cmpi eq, %arg1, %eq3A : i32
    %not3A = arith.constant true
    %not3A_3 = arith.xori %gt3A_1, %not3A : i1
    %and3A = arith.andi %eq3A_2, %not3A_3 : i1
    %convert_element_type3A = arith.extui %and3A : i1 to i32
    %cond3A = arith.constant 0 : i32
    %cond3A_4 = arith.cmpi ne, %convert_element_type3A, %cond3A : i32
    scf.if %cond3A_4 {
      %broadcast_in_dim3A = arith.constant 0.000000e+00 : f32
      %broadcast_in_dim3A_47 = vector.broadcast %broadcast_in_dim3A : f32 to vector<256x1024xf32>
      %swap3A = arith.constant 0 : index
      %swap3A_48 = arith.constant 0 : index
      %swap3A_49 = vector.load %arg8[%swap3A, %swap3A_48] : memref<1024x1024xf32, #tpu.memory_space<vmem>>, vector<256x1024xf32>
      tpu.vector_store %arg8[%swap3A, %swap3A_48], %broadcast_in_dim3A_47 {strides = array<i32>} : memref<1024x1024xf32, #tpu.memory_space<vmem>>, vector<256x1024xf32>,
    } else {
    }
    %convert_element_type3A_5 = arith.extui %gt3A_1 : i1 to i32
    %cond3A_6 = arith.constant 0 : i32
    %cond3A_7 = arith.cmpi ne, %convert_element_type3A_5, %cond3A_6 : i32
    scf.if %cond3A_7 {
      %get3A_47 = arith.constant 0 : index
      %get3A_48 = arith.constant 0 : index
      %get3A_49 = vector.load %arg3[%get3A_47, %get3A_48] : memref<1024x1024xf32, #tpu.memory_space<vmem>>, vector<256x1024xf32>
      %convert_element_type3A_50 = arith.truncf %get3A_49 : vector<256x1024xf32> to vector<256x1024xbf16>
      %get3A_51 = arith.constant 0 : index
      %get3A_52 = arith.constant 0 : index
      %get3A_53 = arith.constant 0 : index
      %get3A_54 = vector.load %arg4[%get3A_51, %get3A_52, %get3A_53] : memref<1x1024x512xf32, #tpu.memory_space<vmem>>, vector<1x1024x512xf32>
      %get3A_55 = vector.shape_cast %get3A_54 : vector<1x1024x512xf32> to vector<1024x512xf32>
      %convert_element_type3A_56 = arith.truncf %get3A_55 : vector<1024x512xf32> to vector<1024x512xbf16>
      %dot_general3A = arith.constant dense<0.000000e+00> : vector<256x512xf32>
      %dot_general3A_57 = tpu.matmul %convert_element_type3A_50, %convert_element_type3A_56, %dot_general3A {dimension_numbers = #tpu.dot_dimension_numbers<[1], [0], [0], [1], [0, 0, 1, 1], [], []>, transpose_lhs_hint = false} : vector<256x1024xbf16>, vector<1024x512xbf16>, vector<256x512xf32> -> vector<256x512xf32>
      %get3A_58 = arith.constant 0 : index
      %get3A_59 = arith.constant 0 : index
      %get3A_60 = arith.constant 0 : index
      %get3A_61 = vector.load %arg5[%get3A_58, %get3A_59, %get3A_60] : memref<1x1x512xf32, #tpu.memory_space<vmem>>, vector<1x1x512xf32>
      %get3A_62 = vector.shape_cast %get3A_61 : vector<1x1x512xf32> to vector<512xf32>
      %broadcast_in_dim3A = vector.shape_cast %get3A_62 : vector<512xf32> to vector<1x512xf32>
      %add3A = vector.broadcast %broadcast_in_dim3A : vector<1x512xf32> to vector<256x512xf32>
      %add3A_63 = arith.addf %dot_general3A_57, %add3A : vector<256x512xf32>
      %max3A = arith.constant 0.000000e+00 : f32
      %max3A_64 = vector.broadcast %max3A : f32 to vector<256x512xf32>
      %max3A_65 = arith.maximumf %add3A_63, %max3A_64 : vector<256x512xf32>
      %mul3A = arith.mulf %max3A_65, %max3A_65 : vector<256x512xf32>
      %convert_element_type3A_66 = arith.truncf %mul3A : vector<256x512xf32> to vector<256x512xbf16>
      %get3A_67 = arith.constant 0 : index
      %get3A_68 = arith.constant 0 : index
      %get3A_69 = arith.constant 0 : index
      %get3A_70 = vector.load %arg6[%get3A_67, %get3A_68, %get3A_69] : memref<1x512x1024xf32, #tpu.memory_space<vmem>>, vector<1x512x1024xf32>
      %get3A_71 = vector.shape_cast %get3A_70 : vector<1x512x1024xf32> to vector<512x1024xf32>
      %convert_element_type3A_72 = arith.truncf %get3A_71 : vector<512x1024xf32> to vector<512x1024xbf16>
      %dot_general3A_73 = arith.constant dense<0.000000e+00> : vector<256x1024xf32>
      %dot_general3A_74 = tpu.matmul %convert_element_type3A_66, %convert_element_type3A_72, %dot_general3A_73 {dimension_numbers = #tpu.dot_dimension_numbers<[1], [0], [0], [1], [0, 0, 1, 1], [], []>, transpose_lhs_hint = false} : vector<256x512xbf16>, vector<512x1024xbf16>, vector<256x1024xf32> -> vector<256x1024xf32>
      %eq3A_75 = arith.constant 0 : i32
      %eq3A_76 = arith.cmpi eq, %arg1, %eq3A_75 : i32
      %convert_element_type3A_77 = arith.extui %eq3A_76 : i1 to i32
      %cond3A_78 = arith.constant 0 : i32
      %cond3A_79 = arith.cmpi ne, %convert_element_type3A_77, %cond3A_78 : i32
      scf.if %cond3A_79 {
        %get3A_84 = arith.constant 0 : index
        %get3A_85 = arith.constant 0 : index
        %get3A_86 = arith.constant 0 : index
        %get3A_87 = vector.load %arg7[%get3A_84, %get3A_85, %get3A_86] : memref<1x1x1024xf32, #tpu.memory_space<vmem>>, vector<1x1x1024xf32>
        %get3A_88 = vector.shape_cast %get3A_87 : vector<1x1x1024xf32> to vector<1024xf32>
        %broadcast_in_dim3A_89 = vector.shape_cast %get3A_88 : vector<1024xf32> to vector<1x1024xf32>
        %add3A_90 = vector.broadcast %broadcast_in_dim3A_89 : vector<1x1024xf32> to vector<256x1024xf32>
        %add3A_91 = arith.addf %dot_general3A_74, %add3A_90 : vector<256x1024xf32>
        %swap3A = arith.constant 0 : index
        %swap3A_92 = arith.constant 0 : index
        %swap3A_93 = vector.load %arg8[%swap3A, %swap3A_92] : memref<1024x1024xf32, #tpu.memory_space<vmem>>, vector<256x1024xf32>
        tpu.vector_store %arg8[%swap3A, %swap3A_92], %add3A_91 {strides = array<i32>} : memref<1024x1024xf32, #tpu.memory_space<vmem>>, vector<256x1024xf32>,
      } else {
      }
      %ne3A = arith.constant 0 : i32
      %ne3A_80 = arith.cmpi ne, %arg1, %ne3A : i32
      %convert_element_type3A_81 = arith.extui %ne3A_80 : i1 to i32
      %cond3A_82 = arith.constant 0 : i32
      %cond3A_83 = arith.cmpi ne, %convert_element_type3A_81, %cond3A_82 : i32
      scf.if %cond3A_83 {
        %get3A_84 = arith.constant 0 : index
        %get3A_85 = arith.constant 0 : index
        %get3A_86 = vector.load %arg8[%get3A_84, %get3A_85] : memref<1024x1024xf32, #tpu.memory_space<vmem>>, vector<256x1024xf32>
        %add3A_87 = arith.addf %get3A_86, %dot_general3A_74 : vector<256x1024xf32>
        %swap3A = arith.constant 0 : index
        %swap3A_88 = arith.constant 0 : index
        %swap3A_89 = vector.load %arg8[%swap3A, %swap3A_88] : memref<1024x1024xf32, #tpu.memory_space<vmem>>, vector<256x1024xf32>
        tpu.vector_store %arg8[%swap3A, %swap3A_88], %add3A_87 {strides = array<i32>} : memref<1024x1024xf32, #tpu.memory_space<vmem>>, vector<256x1024xf32>,
      } else {
      }
    } else {
    }
    %gt3A_8 = arith.constant 256 : i32
    %gt3A_9 = arith.cmpi sgt, %get3A_0, %gt3A_8 : i32
    %eq3A_10 = arith.constant 0 : i32
    %eq3A_11 = arith.cmpi eq, %arg1, %eq3A_10 : i32
    %not3A_12 = arith.constant true
    %not3A_13 = arith.xori %gt3A_9, %not3A_12 : i1
    %and3A_14 = arith.andi %eq3A_11, %not3A_13 : i1
    %convert_element_type3A_15 = arith.extui %and3A_14 : i1 to i32
    %cond3A_16 = arith.constant 0 : i32
    %cond3A_17 = arith.cmpi ne, %convert_element_type3A_15, %cond3A_16 : i32
    scf.if %cond3A_17 {
      %broadcast_in_dim3A = arith.constant 0.000000e+00 : f32
      %broadcast_in_dim3A_47 = vector.broadcast %broadcast_in_dim3A : f32 to vector<256x1024xf32>
      %swap3A = arith.constant 256 : index
      %swap3A_48 = arith.constant 0 : index
      %swap3A_49 = vector.load %arg8[%swap3A, %swap3A_48] : memref<1024x1024xf32, #tpu.memory_space<vmem>>, vector<256x1024xf32>
      tpu.vector_store %arg8[%swap3A, %swap3A_48], %broadcast_in_dim3A_47 {strides = array<i32>} : memref<1024x1024xf32, #tpu.memory_space<vmem>>, vector<256x1024xf32>,
    } else {
    }
    %convert_element_type3A_18 = arith.extui %gt3A_9 : i1 to i32
    %cond3A_19 = arith.constant 0 : i32
    %cond3A_20 = arith.cmpi ne, %convert_element_type3A_18, %cond3A_19 : i32
    scf.if %cond3A_20 {
      %get3A_47 = arith.constant 256 : index
      %get3A_48 = arith.constant 0 : index
      %get3A_49 = vector.load %arg3[%get3A_47, %get3A_48] : memref<1024x1024xf32, #tpu.memory_space<vmem>>, vector<256x1024xf32>
      %convert_element_type3A_50 = arith.truncf %get3A_49 : vector<256x1024xf32> to vector<256x1024xbf16>
      %get3A_51 = arith.constant 0 : index
      %get3A_52 = arith.constant 0 : index
      %get3A_53 = arith.constant 0 : index
      %get3A_54 = vector.load %arg4[%get3A_51, %get3A_52, %get3A_53] : memref<1x1024x512xf32, #tpu.memory_space<vmem>>, vector<1x1024x512xf32>
      %get3A_55 = vector.shape_cast %get3A_54 : vector<1x1024x512xf32> to vector<1024x512xf32>
      %convert_element_type3A_56 = arith.truncf %get3A_55 : vector<1024x512xf32> to vector<1024x512xbf16>
      %dot_general3A = arith.constant dense<0.000000e+00> : vector<256x512xf32>
      %dot_general3A_57 = tpu.matmul %convert_element_type3A_50, %convert_element_type3A_56, %dot_general3A {dimension_numbers = #tpu.dot_dimension_numbers<[1], [0], [0], [1], [0, 0, 1, 1], [], []>, transpose_lhs_hint = false} : vector<256x1024xbf16>, vector<1024x512xbf16>, vector<256x512xf32> -> vector<256x512xf32>
      %get3A_58 = arith.constant 0 : index
      %get3A_59 = arith.constant 0 : index
      %get3A_60 = arith.constant 0 : index
      %get3A_61 = vector.load %arg5[%get3A_58, %get3A_59, %get3A_60] : memref<1x1x512xf32, #tpu.memory_space<vmem>>, vector<1x1x512xf32>
      %get3A_62 = vector.shape_cast %get3A_61 : vector<1x1x512xf32> to vector<512xf32>
      %broadcast_in_dim3A = vector.shape_cast %get3A_62 : vector<512xf32> to vector<1x512xf32>
      %add3A = vector.broadcast %broadcast_in_dim3A : vector<1x512xf32> to vector<256x512xf32>
      %add3A_63 = arith.addf %dot_general3A_57, %add3A : vector<256x512xf32>
      %max3A = arith.constant 0.000000e+00 : f32
      %max3A_64 = vector.broadcast %max3A : f32 to vector<256x512xf32>
      %max3A_65 = arith.maximumf %add3A_63, %max3A_64 : vector<256x512xf32>
      %mul3A = arith.mulf %max3A_65, %max3A_65 : vector<256x512xf32>
      %convert_element_type3A_66 = arith.truncf %mul3A : vector<256x512xf32> to vector<256x512xbf16>
      %get3A_67 = arith.constant 0 : index
      %get3A_68 = arith.constant 0 : index
      %get3A_69 = arith.constant 0 : index
      %get3A_70 = vector.load %arg6[%get3A_67, %get3A_68, %get3A_69] : memref<1x512x1024xf32, #tpu.memory_space<vmem>>, vector<1x512x1024xf32>
      %get3A_71 = vector.shape_cast %get3A_70 : vector<1x512x1024xf32> to vector<512x1024xf32>
      %convert_element_type3A_72 = arith.truncf %get3A_71 : vector<512x1024xf32> to vector<512x1024xbf16>
      %dot_general3A_73 = arith.constant dense<0.000000e+00> : vector<256x1024xf32>
      %dot_general3A_74 = tpu.matmul %convert_element_type3A_66, %convert_element_type3A_72, %dot_general3A_73 {dimension_numbers = #tpu.dot_dimension_numbers<[1], [0], [0], [1], [0, 0, 1, 1], [], []>, transpose_lhs_hint = false} : vector<256x512xbf16>, vector<512x1024xbf16>, vector<256x1024xf32> -> vector<256x1024xf32>
      %eq3A_75 = arith.constant 0 : i32
      %eq3A_76 = arith.cmpi eq, %arg1, %eq3A_75 : i32
      %convert_element_type3A_77 = arith.extui %eq3A_76 : i1 to i32
      %cond3A_78 = arith.constant 0 : i32
      %cond3A_79 = arith.cmpi ne, %convert_element_type3A_77, %cond3A_78 : i32
      scf.if %cond3A_79 {
        %get3A_84 = arith.constant 0 : index
        %get3A_85 = arith.constant 0 : index
        %get3A_86 = arith.constant 0 : index
        %get3A_87 = vector.load %arg7[%get3A_84, %get3A_85, %get3A_86] : memref<1x1x1024xf32, #tpu.memory_space<vmem>>, vector<1x1x1024xf32>
        %get3A_88 = vector.shape_cast %get3A_87 : vector<1x1x1024xf32> to vector<1024xf32>
        %broadcast_in_dim3A_89 = vector.shape_cast %get3A_88 : vector<1024xf32> to vector<1x1024xf32>
        %add3A_90 = vector.broadcast %broadcast_in_dim3A_89 : vector<1x1024xf32> to vector<256x1024xf32>
        %add3A_91 = arith.addf %dot_general3A_74, %add3A_90 : vector<256x1024xf32>
        %swap3A = arith.constant 256 : index
        %swap3A_92 = arith.constant 0 : index
        %swap3A_93 = vector.load %arg8[%swap3A, %swap3A_92] : memref<1024x1024xf32, #tpu.memory_space<vmem>>, vector<256x1024xf32>
        tpu.vector_store %arg8[%swap3A, %swap3A_92], %add3A_91 {strides = array<i32>} : memref<1024x1024xf32, #tpu.memory_space<vmem>>, vector<256x1024xf32>,
      } else {
      }
      %ne3A = arith.constant 0 : i32
      %ne3A_80 = arith.cmpi ne, %arg1, %ne3A : i32
      %convert_element_type3A_81 = arith.extui %ne3A_80 : i1 to i32
      %cond3A_82 = arith.constant 0 : i32
      %cond3A_83 = arith.cmpi ne, %convert_element_type3A_81, %cond3A_82 : i32
      scf.if %cond3A_83 {
        %get3A_84 = arith.constant 256 : index
        %get3A_85 = arith.constant 0 : index
        %get3A_86 = vector.load %arg8[%get3A_84, %get3A_85] : memref<1024x1024xf32, #tpu.memory_space<vmem>>, vector<256x1024xf32>
        %add3A_87 = arith.addf %get3A_86, %dot_general3A_74 : vector<256x1024xf32>
        %swap3A = arith.constant 256 : index
        %swap3A_88 = arith.constant 0 : index
        %swap3A_89 = vector.load %arg8[%swap3A, %swap3A_88] : memref<1024x1024xf32, #tpu.memory_space<vmem>>, vector<256x1024xf32>
        tpu.vector_store %arg8[%swap3A, %swap3A_88], %add3A_87 {strides = array<i32>} : memref<1024x1024xf32, #tpu.memory_space<vmem>>, vector<256x1024xf32>,
      } else {
      }
    } else {
    }
    %gt3A_21 = arith.constant 512 : i32
    %gt3A_22 = arith.cmpi sgt, %get3A_0, %gt3A_21 : i32
    %eq3A_23 = arith.constant 0 : i32
    %eq3A_24 = arith.cmpi eq, %arg1, %eq3A_23 : i32
    %not3A_25 = arith.constant true
    %not3A_26 = arith.xori %gt3A_22, %not3A_25 : i1
    %and3A_27 = arith.andi %eq3A_24, %not3A_26 : i1
    %convert_element_type3A_28 = arith.extui %and3A_27 : i1 to i32
    %cond3A_29 = arith.constant 0 : i32
    %cond3A_30 = arith.cmpi ne, %convert_element_type3A_28, %cond3A_29 : i32
    scf.if %cond3A_30 {
      %broadcast_in_dim3A = arith.constant 0.000000e+00 : f32
      %broadcast_in_dim3A_47 = vector.broadcast %broadcast_in_dim3A : f32 to vector<256x1024xf32>
      %swap3A = arith.constant 512 : index
      %swap3A_48 = arith.constant 0 : index
      %swap3A_49 = vector.load %arg8[%swap3A, %swap3A_48] : memref<1024x1024xf32, #tpu.memory_space<vmem>>, vector<256x1024xf32>
      tpu.vector_store %arg8[%swap3A, %swap3A_48], %broadcast_in_dim3A_47 {strides = array<i32>} : memref<1024x1024xf32, #tpu.memory_space<vmem>>, vector<256x1024xf32>,
    } else {
    }
    %convert_element_type3A_31 = arith.extui %gt3A_22 : i1 to i32
    %cond3A_32 = arith.constant 0 : i32
    %cond3A_33 = arith.cmpi ne, %convert_element_type3A_31, %cond3A_32 : i32
    scf.if %cond3A_33 {
      %get3A_47 = arith.constant 512 : index
      %get3A_48 = arith.constant 0 : index
      %get3A_49 = vector.load %arg3[%get3A_47, %get3A_48] : memref<1024x1024xf32, #tpu.memory_space<vmem>>, vector<256x1024xf32>
      %convert_element_type3A_50 = arith.truncf %get3A_49 : vector<256x1024xf32> to vector<256x1024xbf16>
      %get3A_51 = arith.constant 0 : index
      %get3A_52 = arith.constant 0 : index
      %get3A_53 = arith.constant 0 : index
      %get3A_54 = vector.load %arg4[%get3A_51, %get3A_52, %get3A_53] : memref<1x1024x512xf32, #tpu.memory_space<vmem>>, vector<1x1024x512xf32>
      %get3A_55 = vector.shape_cast %get3A_54 : vector<1x1024x512xf32> to vector<1024x512xf32>
      %convert_element_type3A_56 = arith.truncf %get3A_55 : vector<1024x512xf32> to vector<1024x512xbf16>
      %dot_general3A = arith.constant dense<0.000000e+00> : vector<256x512xf32>
      %dot_general3A_57 = tpu.matmul %convert_element_type3A_50, %convert_element_type3A_56, %dot_general3A {dimension_numbers = #tpu.dot_dimension_numbers<[1], [0], [0], [1], [0, 0, 1, 1], [], []>, transpose_lhs_hint = false} : vector<256x1024xbf16>, vector<1024x512xbf16>, vector<256x512xf32> -> vector<256x512xf32>
      %get3A_58 = arith.constant 0 : index
      %get3A_59 = arith.constant 0 : index
      %get3A_60 = arith.constant 0 : index
      %get3A_61 = vector.load %arg5[%get3A_58, %get3A_59, %get3A_60] : memref<1x1x512xf32, #tpu.memory_space<vmem>>, vector<1x1x512xf32>
      %get3A_62 = vector.shape_cast %get3A_61 : vector<1x1x512xf32> to vector<512xf32>
      %broadcast_in_dim3A = vector.shape_cast %get3A_62 : vector<512xf32> to vector<1x512xf32>
      %add3A = vector.broadcast %broadcast_in_dim3A : vector<1x512xf32> to vector<256x512xf32>
      %add3A_63 = arith.addf %dot_general3A_57, %add3A : vector<256x512xf32>
      %max3A = arith.constant 0.000000e+00 : f32
      %max3A_64 = vector.broadcast %max3A : f32 to vector<256x512xf32>
      %max3A_65 = arith.maximumf %add3A_63, %max3A_64 : vector<256x512xf32>
      %mul3A = arith.mulf %max3A_65, %max3A_65 : vector<256x512xf32>
      %convert_element_type3A_66 = arith.truncf %mul3A : vector<256x512xf32> to vector<256x512xbf16>
      %get3A_67 = arith.constant 0 : index
      %get3A_68 = arith.constant 0 : index
      %get3A_69 = arith.constant 0 : index
      %get3A_70 = vector.load %arg6[%get3A_67, %get3A_68, %get3A_69] : memref<1x512x1024xf32, #tpu.memory_space<vmem>>, vector<1x512x1024xf32>
      %get3A_71 = vector.shape_cast %get3A_70 : vector<1x512x1024xf32> to vector<512x1024xf32>
      %convert_element_type3A_72 = arith.truncf %get3A_71 : vector<512x1024xf32> to vector<512x1024xbf16>
      %dot_general3A_73 = arith.constant dense<0.000000e+00> : vector<256x1024xf32>
      %dot_general3A_74 = tpu.matmul %convert_element_type3A_66, %convert_element_type3A_72, %dot_general3A_73 {dimension_numbers = #tpu.dot_dimension_numbers<[1], [0], [0], [1], [0, 0, 1, 1], [], []>, transpose_lhs_hint = false} : vector<256x512xbf16>, vector<512x1024xbf16>, vector<256x1024xf32> -> vector<256x1024xf32>
      %eq3A_75 = arith.constant 0 : i32
      %eq3A_76 = arith.cmpi eq, %arg1, %eq3A_75 : i32
      %convert_element_type3A_77 = arith.extui %eq3A_76 : i1 to i32
      %cond3A_78 = arith.constant 0 : i32
      %cond3A_79 = arith.cmpi ne, %convert_element_type3A_77, %cond3A_78 : i32
      scf.if %cond3A_79 {
        %get3A_84 = arith.constant 0 : index
        %get3A_85 = arith.constant 0 : index
        %get3A_86 = arith.constant 0 : index
        %get3A_87 = vector.load %arg7[%get3A_84, %get3A_85, %get3A_86] : memref<1x1x1024xf32, #tpu.memory_space<vmem>>, vector<1x1x1024xf32>
        %get3A_88 = vector.shape_cast %get3A_87 : vector<1x1x1024xf32> to vector<1024xf32>
        %broadcast_in_dim3A_89 = vector.shape_cast %get3A_88 : vector<1024xf32> to vector<1x1024xf32>
        %add3A_90 = vector.broadcast %broadcast_in_dim3A_89 : vector<1x1024xf32> to vector<256x1024xf32>
        %add3A_91 = arith.addf %dot_general3A_74, %add3A_90 : vector<256x1024xf32>
        %swap3A = arith.constant 512 : index
        %swap3A_92 = arith.constant 0 : index
        %swap3A_93 = vector.load %arg8[%swap3A, %swap3A_92] : memref<1024x1024xf32, #tpu.memory_space<vmem>>, vector<256x1024xf32>
        tpu.vector_store %arg8[%swap3A, %swap3A_92], %add3A_91 {strides = array<i32>} : memref<1024x1024xf32, #tpu.memory_space<vmem>>, vector<256x1024xf32>,
      } else {
      }
      %ne3A = arith.constant 0 : i32
      %ne3A_80 = arith.cmpi ne, %arg1, %ne3A : i32
      %convert_element_type3A_81 = arith.extui %ne3A_80 : i1 to i32
      %cond3A_82 = arith.constant 0 : i32
      %cond3A_83 = arith.cmpi ne, %convert_element_type3A_81, %cond3A_82 : i32
      scf.if %cond3A_83 {
        %get3A_84 = arith.constant 512 : index
        %get3A_85 = arith.constant 0 : index
        %get3A_86 = vector.load %arg8[%get3A_84, %get3A_85] : memref<1024x1024xf32, #tpu.memory_space<vmem>>, vector<256x1024xf32>
        %add3A_87 = arith.addf %get3A_86, %dot_general3A_74 : vector<256x1024xf32>
        %swap3A = arith.constant 512 : index
        %swap3A_88 = arith.constant 0 : index
        %swap3A_89 = vector.load %arg8[%swap3A, %swap3A_88] : memref<1024x1024xf32, #tpu.memory_space<vmem>>, vector<256x1024xf32>
        tpu.vector_store %arg8[%swap3A, %swap3A_88], %add3A_87 {strides = array<i32>} : memref<1024x1024xf32, #tpu.memory_space<vmem>>, vector<256x1024xf32>,
      } else {
      }
    } else {
    }
    %gt3A_34 = arith.constant 768 : i32
    %gt3A_35 = arith.cmpi sgt, %get3A_0, %gt3A_34 : i32
    %eq3A_36 = arith.constant 0 : i32
    %eq3A_37 = arith.cmpi eq, %arg1, %eq3A_36 : i32
    %not3A_38 = arith.constant true
    %not3A_39 = arith.xori %gt3A_35, %not3A_38 : i1
    %and3A_40 = arith.andi %eq3A_37, %not3A_39 : i1
    %convert_element_type3A_41 = arith.extui %and3A_40 : i1 to i32
    %cond3A_42 = arith.constant 0 : i32
    %cond3A_43 = arith.cmpi ne, %convert_element_type3A_41, %cond3A_42 : i32
    scf.if %cond3A_43 {
      %broadcast_in_dim3A = arith.constant 0.000000e+00 : f32
      %broadcast_in_dim3A_47 = vector.broadcast %broadcast_in_dim3A : f32 to vector<256x1024xf32>
      %swap3A = arith.constant 768 : index
      %swap3A_48 = arith.constant 0 : index
      %swap3A_49 = vector.load %arg8[%swap3A, %swap3A_48] : memref<1024x1024xf32, #tpu.memory_space<vmem>>, vector<256x1024xf32>
      tpu.vector_store %arg8[%swap3A, %swap3A_48], %broadcast_in_dim3A_47 {strides = array<i32>} : memref<1024x1024xf32, #tpu.memory_space<vmem>>, vector<256x1024xf32>,
    } else {
    }
    %convert_element_type3A_44 = arith.extui %gt3A_35 : i1 to i32
    %cond3A_45 = arith.constant 0 : i32
    %cond3A_46 = arith.cmpi ne, %convert_element_type3A_44, %cond3A_45 : i32
    scf.if %cond3A_46 {
      %get3A_47 = arith.constant 768 : index
      %get3A_48 = arith.constant 0 : index
      %get3A_49 = vector.load %arg3[%get3A_47, %get3A_48] : memref<1024x1024xf32, #tpu.memory_space<vmem>>, vector<256x1024xf32>
      %convert_element_type3A_50 = arith.truncf %get3A_49 : vector<256x1024xf32> to vector<256x1024xbf16>
      %get3A_51 = arith.constant 0 : index
      %get3A_52 = arith.constant 0 : index
      %get3A_53 = arith.constant 0 : index
      %get3A_54 = vector.load %arg4[%get3A_51, %get3A_52, %get3A_53] : memref<1x1024x512xf32, #tpu.memory_space<vmem>>, vector<1x1024x512xf32>
      %get3A_55 = vector.shape_cast %get3A_54 : vector<1x1024x512xf32> to vector<1024x512xf32>
      %convert_element_type3A_56 = arith.truncf %get3A_55 : vector<1024x512xf32> to vector<1024x512xbf16>
      %dot_general3A = arith.constant dense<0.000000e+00> : vector<256x512xf32>
      %dot_general3A_57 = tpu.matmul %convert_element_type3A_50, %convert_element_type3A_56, %dot_general3A {dimension_numbers = #tpu.dot_dimension_numbers<[1], [0], [0], [1], [0, 0, 1, 1], [], []>, transpose_lhs_hint = false} : vector<256x1024xbf16>, vector<1024x512xbf16>, vector<256x512xf32> -> vector<256x512xf32>
      %get3A_58 = arith.constant 0 : index
      %get3A_59 = arith.constant 0 : index
      %get3A_60 = arith.constant 0 : index
      %get3A_61 = vector.load %arg5[%get3A_58, %get3A_59, %get3A_60] : memref<1x1x512xf32, #tpu.memory_space<vmem>>, vector<1x1x512xf32>
      %get3A_62 = vector.shape_cast %get3A_61 : vector<1x1x512xf32> to vector<512xf32>
      %broadcast_in_dim3A = vector.shape_cast %get3A_62 : vector<512xf32> to vector<1x512xf32>
      %add3A = vector.broadcast %broadcast_in_dim3A : vector<1x512xf32> to vector<256x512xf32>
      %add3A_63 = arith.addf %dot_general3A_57, %add3A : vector<256x512xf32>
      %max3A = arith.constant 0.000000e+00 : f32
      %max3A_64 = vector.broadcast %max3A : f32 to vector<256x512xf32>
      %max3A_65 = arith.maximumf %add3A_63, %max3A_64 : vector<256x512xf32>
      %mul3A = arith.mulf %max3A_65, %max3A_65 : vector<256x512xf32>
      %convert_element_type3A_66 = arith.truncf %mul3A : vector<256x512xf32> to vector<256x512xbf16>
      %get3A_67 = arith.constant 0 : index
      %get3A_68 = arith.constant 0 : index
      %get3A_69 = arith.constant 0 : index
      %get3A_70 = vector.load %arg6[%get3A_67, %get3A_68, %get3A_69] : memref<1x512x1024xf32, #tpu.memory_space<vmem>>, vector<1x512x1024xf32>
      %get3A_71 = vector.shape_cast %get3A_70 : vector<1x512x1024xf32> to vector<512x1024xf32>
      %convert_element_type3A_72 = arith.truncf %get3A_71 : vector<512x1024xf32> to vector<512x1024xbf16>
      %dot_general3A_73 = arith.constant dense<0.000000e+00> : vector<256x1024xf32>
      %dot_general3A_74 = tpu.matmul %convert_element_type3A_66, %convert_element_type3A_72, %dot_general3A_73 {dimension_numbers = #tpu.dot_dimension_numbers<[1], [0], [0], [1], [0, 0, 1, 1], [], []>, transpose_lhs_hint = false} : vector<256x512xbf16>, vector<512x1024xbf16>, vector<256x1024xf32> -> vector<256x1024xf32>
      %eq3A_75 = arith.constant 0 : i32
      %eq3A_76 = arith.cmpi eq, %arg1, %eq3A_75 : i32
      %convert_element_type3A_77 = arith.extui %eq3A_76 : i1 to i32
      %cond3A_78 = arith.constant 0 : i32
      %cond3A_79 = arith.cmpi ne, %convert_element_type3A_77, %cond3A_78 : i32
      scf.if %cond3A_79 {
        %get3A_84 = arith.constant 0 : index
        %get3A_85 = arith.constant 0 : index
        %get3A_86 = arith.constant 0 : index
        %get3A_87 = vector.load %arg7[%get3A_84, %get3A_85, %get3A_86] : memref<1x1x1024xf32, #tpu.memory_space<vmem>>, vector<1x1x1024xf32>
        %get3A_88 = vector.shape_cast %get3A_87 : vector<1x1x1024xf32> to vector<1024xf32>
        %broadcast_in_dim3A_89 = vector.shape_cast %get3A_88 : vector<1024xf32> to vector<1x1024xf32>
        %add3A_90 = vector.broadcast %broadcast_in_dim3A_89 : vector<1x1024xf32> to vector<256x1024xf32>
        %add3A_91 = arith.addf %dot_general3A_74, %add3A_90 : vector<256x1024xf32>
        %swap3A = arith.constant 768 : index
        %swap3A_92 = arith.constant 0 : index
        %swap3A_93 = vector.load %arg8[%swap3A, %swap3A_92] : memref<1024x1024xf32, #tpu.memory_space<vmem>>, vector<256x1024xf32>
        tpu.vector_store %arg8[%swap3A, %swap3A_92], %add3A_91 {strides = array<i32>} : memref<1024x1024xf32, #tpu.memory_space<vmem>>, vector<256x1024xf32>,
      } else {
      }
      %ne3A = arith.constant 0 : i32
      %ne3A_80 = arith.cmpi ne, %arg1, %ne3A : i32
      %convert_element_type3A_81 = arith.extui %ne3A_80 : i1 to i32
      %cond3A_82 = arith.constant 0 : i32
      %cond3A_83 = arith.cmpi ne, %convert_element_type3A_81, %cond3A_82 : i32
      scf.if %cond3A_83 {
        %get3A_84 = arith.constant 768 : index
        %get3A_85 = arith.constant 0 : index
        %get3A_86 = vector.load %arg8[%get3A_84, %get3A_85] : memref<1024x1024xf32, #tpu.memory_space<vmem>>, vector<256x1024xf32>
        %add3A_87 = arith.addf %get3A_86, %dot_general3A_74 : vector<256x1024xf32>
        %swap3A = arith.constant 768 : index
        %swap3A_88 = arith.constant 0 : index
        %swap3A_89 = vector.load %arg8[%swap3A, %swap3A_88] : memref<1024x1024xf32, #tpu.memory_space<vmem>>, vector<256x1024xf32>
        tpu.vector_store %arg8[%swap3A, %swap3A_88], %add3A_87 {strides = array<i32>} : memref<1024x1024xf32, #tpu.memory_space<vmem>>, vector<256x1024xf32>,
      } else {
      }
    } else {
    }
    return
  }
  func.func @transform_0(%arg0: i32, %arg1: i32, %arg2: memref<8xi32, #tpu.memory_space<smem>>) -> (i32, i32) {
    %c0_i32 = arith.constant 0 : i32
    %c0_i32_0 = arith.constant 0 : i32
    return %arg0, %c0_i32 : i32, i32
  }
  func.func @transform_1(%arg0: i32, %arg1: i32, %arg2: memref<8xi32, #tpu.memory_space<smem>>) -> (i32, i32, i32) {
    %c0_i32 = arith.constant 0 : i32
    %c0_i32_0 = arith.constant 0 : i32
    return %arg0, %c0_i32, %arg1 : i32, i32, i32
  }
  func.func @transform_2(%arg0: i32, %arg1: i32, %arg2: memref<8xi32, #tpu.memory_space<smem>>) -> (i32, i32, i32) {
    %c0_i32 = arith.constant 0 : i32
    %c0_i32_0 = arith.constant 0 : i32
    return %arg0, %c0_i32, %arg1 : i32, i32, i32
  }
  func.func @transform_3(%arg0: i32, %arg1: i32, %arg2: memref<8xi32, #tpu.memory_space<smem>>) -> (i32, i32, i32) {
    %c0_i32 = arith.constant 0 : i32
    %c0_i32_0 = arith.constant 0 : i32
    return %arg0, %arg1, %c0_i32 : i32, i32, i32
  }
  func.func @transform_4(%arg0: i32, %arg1: i32, %arg2: memref<8xi32, #tpu.memory_space<smem>>) -> (i32, i32, i32) {
    %c0_i32 = arith.constant 0 : i32
    %c0_i32_0 = arith.constant 0 : i32
    %c0_i32_1 = arith.constant 0 : i32
    return %arg0, %c0_i32, %c0_i32_0 : i32, i32, i32
  }
  func.func @transform_5(%arg0: i32, %arg1: i32, %arg2: memref<8xi32, #tpu.memory_space<smem>>) -> (i32, i32) {
    %c0_i32 = arith.constant 0 : i32
    %c0_i32_0 = arith.constant 0 : i32
    return %arg0, %c0_i32 : i32, i32
  }
}

</mosaic_0001>

<sc_bundles>
// kernel: gather_offload_async_start.1
scs
__scs_entry_jumppad:
0x0: {  	(pc) =	sbr.rel $0x88, $3  }
0x1: {  	(tag) =	ssettag $0x0;
	lr =	simm.s32 $0x1  }
0x2: {  	[smem:$0x3F98] =	sst lr;
	_ =	strace $0xD0000000  }
0x3: {  	_ = 	snop  }
0x4: {  	_ = 	snop  }
0x5: {  	_ = 	snop  }
0x6: {  	_ = 	snop  }
0x7: {  	_ = 	snop  }
__scs_overlays_trampoline_lowered:
0x8: {  	[smem:$0x3FA7] =	sst s0  }
0x9: {  	[smem:$0x3FA8] =	sst s1  }
0xa: {  	[smem:$0x3FA9] =	sst s2  }
0xb: {  	[smem:$0x3FAA] =	sst s3  }
0xc: {  	[smem:$0x3FAB] =	sst s4  }
0xd: {  	[smem:$0x3FAC] =	sst s5  }
0xe: {  	[smem:$0x3FAD] =	sst s6  }
0xf: {  	[smem:$0x3FAE] =	sst s7  }
0x10: {  	[smem:$0x3FAF] =	sst s8  }
0x11: {  	[smem:$0x3FB0] =	sst s9;
	s0 =	simm.s32 @!p0 $0x0  }
0x12: {  	s1 =	sld [smem:$0x3F96];
	s0 =	simm.s32 @p0 $0x1  }
0x13: {  	[smem:$0x3FB1] =	sst s0;
	s0 =	simm.s32 @!p1 $0x0  }
0x14: {  	s2 =	sld [smem:$0x3F95];
	s0 =	simm.s32 @p1 $0x1  }
0x15: {  	[smem:$0x3FB2] =	sst s0;
	s0 =	simm.s32 @!p2 $0x0  }
0x16: {  	s3 =	sld [smem:$0x3FDB];
	s0 =	simm.s32 @p2 $0x1  }
0x17: {  	s4 =	simm.s32 $0x1BF5;
	[smem:$0x3FB4] =	sst s0  }
0x18: {  	s0 =	sld [smem:$0x3F97];
	_ =	swait.ge [sflag:s4], $0x0  }
0x19: {  	s7 =	sld [smem:$0x3F98]  }
0x1a: {  	s8 =	sadd.s32 $0xFFFFE003, lr  }
0x1b: {  	s9 =	sadd.s32 $0xFFFFFEF7, lr;
	s5 =	simm.s32 $0xFFFFFFFF;
	p2 =	slt.u32 s8, $0xFFFFF086  }
0x1c: {  	p1 =	slt.u32 s9, $0xF7A;
	s5 =	simm.s32 @!p2 $0x0  }
0x1d: {  	s5 =	simm.s32 @p1 $0x1;
	p0 =	seq.s32 s7, s2  }
0x1e: {  	s7 =	smul.u32 @!p0 $0xF7A, s2;
	p2 =	seq.s32 @!p0 s5, $0x0  }
0x1f: {  	s9 =	smul.u32 $0xF7A, s1;
	s8 =	simm.s32 @!p0 $0x1BF5;
	p2 =	por !p2, p0  }
0x20: {  	[sflag:s8] =	ssyncset.s32 @!p0 $0xFFFFF086;
	s6 =	sadd.s32 @!p0 s3, s7;
	s7 =	simm.s32 @!p0 $0x108  }
0x21: {  	s3 =	sadd.s32 s3, s9;
	s6 =	sadd.s32 @!p0 $0x88, s6;
	s7 =	simm.s32 @p2 $0x1082  }
0x22: {  	[simem:s7], [sflag:s8] =	dma.local @!p0 [hbm:s6], $0xF7A  }
0x23: {  	s9 =	sor.u32 $0xD0000000, s2;
	s6 =	simm.s32 $0x108;
	_ =	swait.ge @!p0 [sflag:s8], $0x0  }
0x24: {  	s3 =	sadd.s32 $0x88, s3;
	s6 =	simm.s32 @!p1 $0x1082;
	[sflag:s4] =	ssyncset.s32 $0xFFFFF086  }
0x25: {  	[simem:s6], [sflag:s4] =	dma.local [hbm:s3], $0xF7A  }
0x26: {  	[smem:$0x3F98] =	sst s1;
	(tag) =	ssettag s2;
	_ =	strace s9  }
0x27: {  	s1 =	sld [smem:$0x3FA8]  }
0x28: {  	s2 =	sld [smem:$0x3FA9]  }
0x29: {  	s4 =	sld [smem:$0x3FAB]  }
0x2a: {  	p0 =	seq.s32 s5, $0x0;
	s5 =	sld [smem:$0x3FAC]  }
0x2b: {  	s6 =	sld [smem:$0x3FAD]  }
0x2c: {  	s7 =	sld [smem:$0x3FAE]  }
0x2d: {  	s3 =	simm.s32 $0x108;
	s8 =	sld [smem:$0x3FAF]  }
0x2e: {  	s3 =	simm.s32 @!p0 $0x1082;
	s9 =	sld [smem:$0x3FB0]  }
0x2f: {  	lr =	sadd.s32 s0, s3;
	s0 =	sld [smem:$0x3FA7]  }
0x30: {  	s3 =	sld [smem:$0x3FAA]  }
0x31: {  	[smem:$0x3FB3] =	sst s10  }
0x32: {  	s10 =	sld [smem:$0x3FB1];
	_ =	sdelay $0x3  }
0x33: {  	p0 =	seq.s32 s10, $0x1;
	s10 =	sld [smem:$0x3FB3];
	_ =	sdelay $0x3  }
0x34: {  	[smem:$0x3FB3] =	sst s10  }
0x35: {  	s10 =	sld [smem:$0x3FB2];
	_ =	sdelay $0x3  }
0x36: {  	p1 =	seq.s32 s10, $0x1;
	s10 =	sld [smem:$0x3FB3];
	_ =	sdelay $0x3  }
0x37: {  	[smem:$0x3FB3] =	sst s10  }
0x38: {  	s10 =	sld [smem:$0x3FB4]  }
0x39: {  	_ = 	snop;
	(pc) =	sbr.ind lr, $3  }
0x3a: {  	_ = 	snop  }
0x3b: {  	_ = 	snop  }
0x3c: {  	p2 =	seq.s32 s10, $0x1;
	s10 =	sld [smem:$0x3FB3]  }
0x3d: {  	_ =	shalt  }
0x3e: {  	_ =	shalt  }
0x3f: {  	_ =	shalt  }
0x40: {  	_ =	shalt  }
0x41: {  	_ =	shalt  }
0x42: {  	_ =	shalt  }
0x43: {  	_ =	shalt  }
0x44: {  	_ =	shalt  }
0x45: {  	_ =	shalt  }
0x46: {  	_ =	shalt  }
0x47: {  	_ =	shalt  }
0x48: {  	_ =	shalt  }
0x49: {  	_ =	shalt  }
0x4a: {  	_ =	shalt  }
0x4b: {  	_ =	shalt  }
0x4c: {  	_ =	shalt  }
0x4d: {  	_ =	shalt  }
0x4e: {  	_ =	shalt  }
0x4f: {  	_ =	shalt  }
0x50: {  	_ =	shalt  }
0x51: {  	_ =	shalt  }
0x52: {  	_ =	shalt  }
0x53: {  	_ =	shalt  }
0x54: {  	_ =	shalt  }
0x55: {  	_ =	shalt  }
0x56: {  	_ =	shalt  }
0x57: {  	_ =	shalt  }
0x58: {  	_ =	shalt  }
0x59: {  	_ =	shalt  }
0x5a: {  	_ =	shalt  }
0x5b: {  	_ =	shalt  }
0x5c: {  	_ =	shalt  }
0x5d: {  	_ =	shalt  }
0x5e: {  	_ =	shalt  }
0x5f: {  	_ =	shalt  }
0x60: {  	_ =	shalt  }
0x61: {  	_ =	shalt  }
0x62: {  	_ =	shalt  }
0x63: {  	_ =	shalt  }
0x64: {  	_ =	shalt  }
0x65: {  	_ =	shalt  }
0x66: {  	_ =	shalt  }
0x67: {  	_ =	shalt  }
0x68: {  	_ =	shalt  }
0x69: {  	_ =	shalt  }
0x6a: {  	_ =	shalt  }
0x6b: {  	_ =	shalt  }
0x6c: {  	_ =	shalt  }
0x6d: {  	_ =	shalt  }
0x6e: {  	_ =	shalt  }
0x6f: {  	_ =	shalt  }
0x70: {  	_ =	shalt  }
0x71: {  	_ =	shalt  }
0x72: {  	_ =	shalt  }
0x73: {  	_ =	shalt  }
0x74: {  	_ =	shalt  }
0x75: {  	_ =	shalt  }
0x76: {  	_ =	shalt  }
0x77: {  	_ =	shalt  }
0x78: {  	_ =	shalt  }
0x79: {  	_ =	shalt  }
0x7a: {  	_ =	shalt  }
0x7b: {  	_ =	shalt  }
0x7c: {  	_ =	shalt  }
0x7d: {  	_ =	shalt  }
0x7e: {  	_ =	shalt  }
0x7f: {  	_ =	shalt  }
0x80: {  	_ =	shalt  }
0x81: {  	_ =	shalt  }
0x82: {  	_ =	shalt  }
0x83: {  	_ =	shalt  }
0x84: {  	_ =	shalt  }
0x85: {  	_ =	shalt  }
0x86: {  	_ =	shalt  }
0x87: {  	_ =	shalt  }
.Lfunc_end0:
.L_simem_size_0:
called_computation.1_lowered:
.L_overlay_start_0:
0x88: {  	s2 =	sld [smem:$0x3FD9]  }
0x89: {  	s3 =	sld [smem:$0x3FFE];
	_ =	sdelay $0x1  }
0x8a: {  	s1 =	srdreg.scid  }
0x8b: {  	s0 =	sand.u32 $0x1, s1  }
0x8c: {  	s16 =	sshll.u32 s0, $0xA;
	s2 =	sadd.s32 s3, s2  }
0x8d: {  	s2 =	sadd.s32 s2, s16  }
0x8e: {  	[smem:$0x3FBF] =	sst s2  }
0x8f: {  	_ = 	snop  }
0x90: {  	(tm) =	ssettm $0x1  }
0x91: {  	s17 =	sld [smem:$0x3FFB];
	_ =	sdelay $0x3  }
0x92: {  	_ =	strace s17  }
0x93: {  	s2 =	sld [smem:$0x3FFC];
	_ =	sdelay $0x3  }
0x94: {  	_ =	strace s2  }
0x95: {  	s2 =	sld [smem:$0x3FFD];
	_ =	sdelay $0x3  }
0x96: {  	_ =	strace s2  }
0x97: {  	_ =	strace $0x8FFFFFFF  }
0x98: {  	s18 =	sld [smem:$0x3FDB];
	_ =	sdelay $0x1  }
0x99: {  	s19 =	simm.s32 $_scs_section_size  }
0x9a: {  	s4 =	simm.s32 $_size__tile_overlayer_lowered;
	s5 =	simm.s32 $_tile_overlayer_lowered  }
0x9b: {  	s22 =	simm.s32 $0x1BFF;
	s21 =	sshll.u32 s5, $0x1;
	s2 =	sadd.s32 s19, s18  }
0x9c: {  	s6 =	simm.s32 $0x0;
	s20 =	sshll.u32 s4, $0x1;
	s4 =	sadd.s32 s21, s2  }
0x9d: {  	[timem:s6], [sflag:s22] =	dma.local [hbm:s4], s20  }
0x9e: {  	_ =	swait.ge [sflag:s22], s20  }
0x9f: {  	s3 =	ssub.s32 $0x0, s20;
	[sflag:s22] =	ssyncset.done $0x0  }
0xa0: {  	[sflag:s22] =	ssyncadd.s32 s3;
	_ =	sdelay $0x1  }
0xa1: {  	s23 =	simm.s32 $0x1B8B  }
0xa2: {  	_ =	swait.ge [sflag:s23], $0x1  }
0xa3: {  	[sflag:s23] =	ssyncset.done $0x0  }
0xa4: {  	s25 =	simm.s32 $0x1B8E;
	s24 =	sld [smem:$0x3FFE];
	[sflag:s23] =	ssyncadd.s32 $0xFFFFFFFF  }
0xa5: {  	s26 =	simm.s32 $execute0_lowered;
	[smem:$0x3FD2] =	sst s25  }
0xa6: {  	s4 =	sshll.u32 s26, $0x1;
	_ =	strace $0x80000049;
	[dreg:$0x1] =	wrdreg $0xFFFFFFFF  }
0xa7: {  	s28 =	simm.s32 $_size_execute0_lowered;
	s2 =	sadd.s32 s2, s4;
	[dreg:$0x0] =	wrdreg $0x0  }
0xa8: {  	s4 =	sshll.u32 s28, $0x1;
	[dreg:$0x2] =	wrdreg s2  }
0xa9: {  	[dreg:$0x3] =	wrdreg s4  }
0xaa: {  	[dreg:$0x4] =	wrdreg $0xC0  }
0xab: {  	_ =	task [dreg:s6], $0x5FFFF  }
0xac: {  	[dreg:$0x1] =	wrdreg $0xFFFFFFFF  }
0xad: {  	[dreg:$0x0] =	wrdreg $0x60  }
0xae: {  	[dreg:$0x2] =	wrdreg s24  }
0xaf: {  	[dreg:$0x3] =	wrdreg $0x9  }
0xb0: {  	_ =	task.clear_ibuf [dreg:s6], $0x4FFFF;
	_ =	strace $0x90000049  }
0xb1: {  	s29 =	simm.s32 $0x9;
	_ =	strace $0x8000004B  }
0xb2: {  	_ =	swait.ge [sflag:s29], $0x1  }
0xb3: {  	[sflag:s29] =	ssyncadd.s32 $0xFFFFFFFF  }
0xb4: {  	_ =	strace $0x9000004B  }
0xb5: {  	_ =	sfence  }
0xb6: {  	s30 =	sld [smem:$0x0];
	_ =	sdelay $0x2  }
0xb7: {  	s31 =	sshll.u32 s1, $0xD;
	s1 =	sshrl.u32 s1, $0x2  }
0xb8: {  	s3 =	sand.u32 $0x4000, s31;
	s1 =	sadd.s32 s1, s30  }
0xb9: {  	s0 =	sor.u32 s3, s0;
	s1 =	sshll.u32 s1, $0x11  }
0xba: {  	s0 =	sor.u32 s1, s0  }
0xbb: {  	s0 =	sadd.s32 $0x8F2B, s0  }
0xbc: {  	[sflag:s0] =	ssyncadd.remote.s32 $0x1  }
0xbd: {  	_ =	sfence.sel $0xFFFF  }
0xbe: {  	[dreg:$0x0] =	wrdreg $0xFFFFFFFF;
	(pc) =	sbr.abs _section_cstart, $3  }
0xbf: {  	[dreg:$0x1] =	wrdreg $0xFFFFFFFF  }
0xc0: {  	_ =	task.clear_ibuf [dreg:s6], $0x2FFFF;
	_ =	strace $0x9FFFFFFF  }
0xc1: {  	(tm) =	ssettm $0x7FFFFFFF  }
tec
execute0_lowered:
.L_overlay_start_1:
0x0: {  	(tag) =	ssettag $0x1  }
0x1: {  	s1 =	srdreg.scid  }
0x2: {  	s0 =	stileid.u32;
	s2 =	rddreg [dreg:$0x0];
	s6 =	simm.s32 $0x1  }
0x3: {  	s9 =	simm.s32 $0x1;
	s10 =	simm.s32 $0x3;
	s1 =	sshll.u32 s1, $0x6  }
0x4: {  	s13 =	simm.s32 $0x0;
	s3 =	sshll.u32 s0, $0x7;
	s4 =	sand.u32 $0x40, s1  }
0x5: {  	s12 =	simm.s32 $0x0;
	s5 =	sadd.s32 $0x1800, s2;
	s3 =	sor.u32 s3, s4  }
0x6: {  	s1 =	rddreg [dreg:$0x1];
	_ =	strace $0x8000004A;
	s8 =	ssub.s32 $0x1000, s3  }
.Ltmp0:
0x7: {  	s4 =	sadd.s32 $0x1000, s2;
	s7 =	sand.u32 $0x7C0, s8;
	(pc) =	sbr.rel .LBB2_1-.Ltmp0, $4  }
0x8: {  	[sflag:s6] =	ssyncpa.u1 $0x0;
	s11 =	smov.u32 s3;
	p0 =	sne.s32 s7, $0x0  }
0x9: {  	s8 =	sshrl.u32 s8, $0xB;
	s7 =	simm.s32 $0x2;
	s9 =	simm.s32 @!p0 $0x0  }
0xa: {  	[sflag:s7] =	ssyncpa.u1 $0x0;
	p0 =	por $0x0, $0x0;
	s8 =	sadd.s32 s9, s8  }
0xb: {  	vm0 =	vmmov $0xffff;
	[sflag:s10] =	ssyncpa.u1 $0x0;
	s10 =	simm.s32 $0x0;
	s9 =	sadd.s32 $0x1, s8  }
.LBB2_4:
0xc: {  	v1 =	vsel vm1, $0xFFFFFFFF, v1;
	v2 =	vand.u32 $0x7, v2  }
0xd: {  	v2 =	vsel vm1, $0xFFFFFFFF, v2;
	v3 =	vshll.u32 v1, $0x3  }
0xe: {  	v4 =	vand.u32 $0xFFFF8000, v2;
	v3 =	vand.u32 $0xFFFFFC00, v3;
	v2 =	vshll.u32 v2, $0x7  }
0xf: {  	v3 =	vadd.s32 v3, v4;
	v2 =	vand.u32 $0x380, v2  }
0x10: {  	v1 =	vand.u32 $0x7F, v1;
	v2 =	vor.u32 v2, v3  }
0x11: {  	v1 =	vor.u32 v1, v2;
	_ =	sdelay $0x1  }
0x12: {  	(ifvalue) =	ssetifvalue $0x7FFFFFFF;
	s15 =	sadd.s32 $0x10, s15  }
0x13: {  	[tilespmem:s15], [sflag:$0x1] =	stream.indirect_vreg.gather [hbm4b:s2+s10], $0x1, v0, vm0, $0x4038;
	[tilespmem:$0x100] =	vst v63  }
0x14: {  	(ifvalue) =	ssetifvalue $0x7FFFFFFF;
	s15 =	sadd.s32 $0x10, s15  }
0x15: {  	[tilespmem:s15], [sflag:$0x1] =	stream.indirect_vreg.gather [hbm4b:s2+s10], $0x1, v1, vm0, $0x4038;
	[tilespmem:$0x100] =	vst v63  }
0x16: {  	_ =	swait.ge [sflag:s6], $0x40  }
0x17: {  	s30 =	sshrl.u32 s13, $0x3;
	[sflag:s6] =	ssyncset.done $0x0  }
0x18: {  	s31 =	sand.u32 $0x7, s13;
	s15 =	sadd.s32 s5, s30;
	[sflag:s6] =	ssyncadd.s32 $0xFFFFFFC0  }
0x19: {  	[hbm4b:s15+s31] =	stream.linear.scatter [tilespmem:s14], [sflag:$0x3], $0x40, $0x38;
	[tilespmem:$0x100] =	vst v63  }
.LBB2_5:
0x1a: {  	s15 =	sadd.s32 $0x800, s11  }
0x1b: {  	p2 =	sgt.s32 s15, $0xFFF  }
0x1c: {  	s15 =	smov.u32 @p2 s3;
	p2 =	sne.s32 s12, s9  }
.Ltmp1:
0x1d: {  	p1 =	slt.u32 s12, $0x2;
	(pc) =	sbr.rel @!p2 .LBB2_6-.Ltmp1, $4  }
0x1e: {  	s14 =	simm.s32 @!p1 $0x3  }
0x1f: {  	s16 =	sadd.s32 $0x1, s12;
	_ =	swait.ge @!p1 [sflag:s14], $0x40  }
0x20: {  	s13 =	smov.u32 s11;
	p0 =	por !p0, !p0;
	[sflag:s14] =	ssyncset.done @!p1 $0x0  }
0x21: {  	s12 =	smov.u32 s16;
	s11 =	smov.u32 s15;
	[sflag:s14] =	ssyncadd.s32 @!p1 $0xFFFFFFC0  }
.LBB2_1:
0x22: {  	p1 =	sge.u32 s12, s8  }
0x23: {  	s14 =	sxor.u32 @!p1 $0xFFFFFFFF, s12  }
0x24: {  	s31 =	sadd.s32 $0xFFFFFFFF, s12;
	s15 =	sshrl.u32 @!p1 s11, $0x3;
	s14 =	sshll.u32 @!p1 s14, $0x6  }
0x25: {  	s16 =	sand.u32 @!p1 $0x7, s11;
	s15 =	sadd.s32 @!p1 s4, s15;
	s14 =	sand.u32 @!p1 $0x40, s14  }
0x26: {  	[tilespmem:s14], [sflag:$0x2] =	stream.linear.gather @!p1 [hbm4b:s15+s16], $0x40, $0x38;
	[tilespmem:$0x100] =	vst v63  }
0x27: {  	p1 =	sge.u32 s31, s8  }
.Ltmp2:
0x28: {  	_ = 	snop;
	(pc) =	sbr.rel @p1 .LBB2_5-.Ltmp2, $1  }
0x29: {  	_ =	sdelay $0x3  }
0x2a: {  	s14 =	simm.s32 $0x1  }
0x2b: {  	_ =	swait.ge [sflag:s7], $0x40;
	s14 =	simm.s32 @!p0 $0x0  }
0x2c: {  	[sflag:s7] =	ssyncset.done $0x0;
	s14 =	sshll.u32 s14, $0x6  }
0x2d: {  	[sflag:s7] =	ssyncadd.s32 $0xFFFFFFC0;
	(ifvalue) =	ssetifvalue $0x7FFFFFFF;
	v0 =	vld.msk [tilespmem:s14+$0x0 ss:$0x1], $0xffff;
	_ =	sdelay $0x3  }
0x2e: {  	s15 =	sadd.s32 $0x10, s14  }
0x2f: {  	v2 =	vld.msk [tilespmem:s15+$0x0 ss:$0x1], $0xffff;
	vm1 =	veq.s32 v0, $0x80000000;
	v1 =	vand.u32 $0xFFF, v0;
	v0 =	vshrl.u32 v0, $0xC  }
0x30: {  	v1 =	vsel vm1, $0xFFFFFFFF, v1;
	v0 =	vand.u32 $0x7, v0  }
0x31: {  	v0 =	vsel vm1, $0xFFFFFFFF, v0;
	v3 =	vshll.u32 v1, $0x3  }
0x32: {  	v4 =	vand.u32 $0xFFFF8000, v0;
	v3 =	vand.u32 $0xFFFFFC00, v3;
	v0 =	vshll.u32 v0, $0x7  }
0x33: {  	v3 =	vadd.s32 v3, v4;
	v0 =	vand.u32 $0x380, v0  }
0x34: {  	v1 =	vand.u32 $0x7F, v1;
	vm1 =	veq.s32 v2, $0x80000000;
	v0 =	vor.u32 v0, v3  }
0x35: {  	v0 =	vor.u32 v1, v0;
	v1 =	vand.u32 $0xFFF, v2;
	v2 =	vshrl.u32 v2, $0xC  }
0x36: {  	s17 =	sadd.s32 $0x10, s15;
	v1 =	vsel vm1, $0xFFFFFFFF, v1;
	v2 =	vand.u32 $0x7, v2  }
0x37: {  	v3 =	vld.msk [tilespmem:s17+$0x0 ss:$0x1], $0xffff;
	v2 =	vsel vm1, $0xFFFFFFFF, v2;
	v63 =	vshll.u32 v1, $0x3  }
0x38: {  	v5 =	vand.u32 $0xFFFF8000, v2;
	v4 =	vand.u32 $0xFFFFFC00, v63;
	v2 =	vshll.u32 v2, $0x7  }
0x39: {  	s31 =	sshll.u32 s12, $0x6;
	s15 =	sor.u32 $0x80, s14;
	(ifvalue) =	ssetifvalue $0x7FFFFFFF;
	v4 =	vadd.s32 v4, v5;
	v2 =	vand.u32 $0x380, v2  }
0x3a: {  	[tilespmem:s15], [sflag:$0x1] =	stream.indirect_vreg.gather [hbm4b:s2+s10], $0x1, v0, vm0, $0x4038;
	v0 =	vand.u32 $0x7F, v1;
	v1 =	vor.u32 v2, v4;
	[tilespmem:$0x100] =	vst v63  }
0x3b: {  	s14 =	sand.u32 $0x40, s31;
	v0 =	vor.u32 v0, v1  }
0x3c: {  	s16 =	simm.s32 $0x20;
	s14 =	sor.u32 $0x80, s14;
	s17 =	sadd.s32 $0x10, s17;
	vm1 =	veq.s32 v3, $0x80000000;
	v2 =	vshrl.u32 v3, $0xC;
	v1 =	vand.u32 $0xFFF, v3  }
.LBB2_3:
0x3d: {  	v3 =	vld.msk [tilespmem:s17+$0x0 ss:$0x1], $0xffff;
	s16 =	sadd.s32 $0x10, s16;
	v1 =	vsel vm1, $0xFFFFFFFF, v1;
	v2 =	vand.u32 $0x7, v2  }
0x3e: {  	p1 =	slt.u32 s16, $0x30;
	v2 =	vsel vm1, $0xFFFFFFFF, v2;
	v4 =	vshll.u32 v1, $0x3  }
.Ltmp3:
0x3f: {  	s15 =	sadd.s32 $0x10, s15;
	v5 =	vand.u32 $0xFFFF8000, v2;
	v4 =	vand.u32 $0xFFFFFC00, v4;
	v2 =	vshll.u32 v2, $0x7;
	(ifvalue) =	ssetifvalue $0x7FFFFFFF;
	(pc) =	sbr.rel @p1 .LBB2_3-.Ltmp3, $4  }
0x40: {  	v4 =	vadd.s32 v4, v5;
	v2 =	vand.u32 $0x380, v2;
	[tilespmem:s15], [sflag:$0x1] =	stream.indirect_vreg.gather [hbm4b:s2+s10], $0x1, v0, vm0, $0x4038;
	[tilespmem:$0x100] =	vst v63  }
0x41: {  	v0 =	vand.u32 $0x7F, v1;
	v1 =	vor.u32 v2, v4  }
0x42: {  	v0 =	vor.u32 v0, v1  }
0x43: {  	s17 =	sadd.s32 $0x10, s17;
	vm1 =	veq.s32 v3, $0x80000000;
	v1 =	vand.u32 $0xFFF, v3;
	v2 =	vshrl.u32 v3, $0xC  }
.Ltmp4:
0x44: {  	_ = 	snop;
	(pc) =	sbr.rel .LBB2_4-.Ltmp4, $1  }
0x45: {  	_ =	sdelay $0x3  }
.LBB2_6:
0x46: {  	_ =	sfence.sel $0x180000  }
0x47: {  	s2 =	simm.s32 $0x2;
	[bflag:$0x0] =	sbarrier.arrive $0xFFFF  }
0x48: {  	s30 =	simm.s32 $0x3;
	[sflag:s2] =	ssyncpa.u1 $0x1  }
0x49: {  	s31 =	simm.s32 $0x1;
	[sflag:s30] =	ssyncpa.u1 $0x1  }
0x4a: {  	[sflag:s31] =	ssyncpa.u1 $0x1  }
0x4b: {  	p0 =	sne.s32 s0, $0x0;
	_ =	strace $0x9000004A  }
0x4c: {  	s0 =	sadd.s32 @!p0 $0x100000, s1;
	[bflag:$0x2] =	sbarrier.arrive $0xFFFF  }
0x4d: {  	[sflag:s0] =	ssyncadd.tile.s32 @!p0 $0x1;
	_ =	shalt  }
.Lfunc_end2:
_tile_overlayer_lowered:
.L_overlay_start_2:
0x4e: {  	(tag) =	ssettag $0x2  }
0x4f: {  	s0 =	rddreg [dreg:$0x0];
	s2 =	stileid.u32  }
0x50: {  	s1 =	rddreg [dreg:$0x1];
	p0 =	sne.s32 s2, $0x0  }
0x51: {  	s3 =	rddreg [dreg:$0x2];
	[bflag:$0x3] =	sbarrier.arrive $0xFFFF;
	s2 =	simm.s32 @!p0 $0x1C01  }
0x52: {  	[timem:s3], [sflag:s2] =	dma.local @!p0 [hbm:s0], s1  }
0x53: {  	s0 =	simm.s32 @!p0 $0x1  }
0x54: {  	_ =	swait.ge @!p0 [sflag:s0], s1  }
0x55: {  	s1 =	ssub.s32 @!p0 $0x0, s1;
	[sflag:s0] =	ssyncset.done @!p0 $0x0  }
0x56: {  	[sflag:s0] =	ssyncadd.s32 @!p0 s1  }
0x57: {  	[bflag:$0x3] =	sbarrier.arrive $0xFFFF  }
0x58: {  	_ =	shalt  }

// kernel: gather_offload_async_start
scs
__scs_entry_jumppad:
0x0: {  	(pc) =	sbr.rel $0x88, $3  }
0x1: {  	(tag) =	ssettag $0x0;
	lr =	simm.s32 $0x1  }
0x2: {  	[smem:$0x3F98] =	sst lr;
	_ =	strace $0xD0000000  }
0x3: {  	_ = 	snop  }
0x4: {  	_ = 	snop  }
0x5: {  	_ = 	snop  }
0x6: {  	_ = 	snop  }
0x7: {  	_ = 	snop  }
__scs_overlays_trampoline_lowered:
0x8: {  	[smem:$0x3FA7] =	sst s0  }
0x9: {  	[smem:$0x3FA8] =	sst s1  }
0xa: {  	[smem:$0x3FA9] =	sst s2  }
0xb: {  	[smem:$0x3FAA] =	sst s3  }
0xc: {  	[smem:$0x3FAB] =	sst s4  }
0xd: {  	[smem:$0x3FAC] =	sst s5  }
0xe: {  	[smem:$0x3FAD] =	sst s6  }
0xf: {  	[smem:$0x3FAE] =	sst s7  }
0x10: {  	[smem:$0x3FAF] =	sst s8  }
0x11: {  	[smem:$0x3FB0] =	sst s9;
	s0 =	simm.s32 @!p0 $0x0  }
0x12: {  	s1 =	sld [smem:$0x3F96];
	s0 =	simm.s32 @p0 $0x1  }
0x13: {  	[smem:$0x3FB1] =	sst s0;
	s0 =	simm.s32 @!p1 $0x0  }
0x14: {  	s2 =	sld [smem:$0x3F95];
	s0 =	simm.s32 @p1 $0x1  }
0x15: {  	[smem:$0x3FB2] =	sst s0;
	s0 =	simm.s32 @!p2 $0x0  }
0x16: {  	s3 =	sld [smem:$0x3FDB];
	s0 =	simm.s32 @p2 $0x1  }
0x17: {  	s4 =	simm.s32 $0x1BF5;
	[smem:$0x3FB4] =	sst s0  }
0x18: {  	s0 =	sld [smem:$0x3F97];
	_ =	swait.ge [sflag:s4], $0x0  }
0x19: {  	s7 =	sld [smem:$0x3F98]  }
0x1a: {  	s8 =	sadd.s32 $0xFFFFE003, lr  }
0x1b: {  	s9 =	sadd.s32 $0xFFFFFEF7, lr;
	s5 =	simm.s32 $0xFFFFFFFF;
	p2 =	slt.u32 s8, $0xFFFFF086  }
0x1c: {  	p1 =	slt.u32 s9, $0xF7A;
	s5 =	simm.s32 @!p2 $0x0  }
0x1d: {  	s5 =	simm.s32 @p1 $0x1;
	p0 =	seq.s32 s7, s2  }
0x1e: {  	s7 =	smul.u32 @!p0 $0xF7A, s2;
	p2 =	seq.s32 @!p0 s5, $0x0  }
0x1f: {  	s9 =	smul.u32 $0xF7A, s1;
	s8 =	simm.s32 @!p0 $0x1BF5;
	p2 =	por !p2, p0  }
0x20: {  	[sflag:s8] =	ssyncset.s32 @!p0 $0xFFFFF086;
	s6 =	sadd.s32 @!p0 s3, s7;
	s7 =	simm.s32 @!p0 $0x108  }
0x21: {  	s3 =	sadd.s32 s3, s9;
	s6 =	sadd.s32 @!p0 $0x88, s6;
	s7 =	simm.s32 @p2 $0x1082  }
0x22: {  	[simem:s7], [sflag:s8] =	dma.local @!p0 [hbm:s6], $0xF7A  }
0x23: {  	s9 =	sor.u32 $0xD0000000, s2;
	s6 =	simm.s32 $0x108;
	_ =	swait.ge @!p0 [sflag:s8], $0x0  }
0x24: {  	s3 =	sadd.s32 $0x88, s3;
	s6 =	simm.s32 @!p1 $0x1082;
	[sflag:s4] =	ssyncset.s32 $0xFFFFF086  }
0x25: {  	[simem:s6], [sflag:s4] =	dma.local [hbm:s3], $0xF7A  }
0x26: {  	[smem:$0x3F98] =	sst s1;
	(tag) =	ssettag s2;
	_ =	strace s9  }
0x27: {  	s1 =	sld [smem:$0x3FA8]  }
0x28: {  	s2 =	sld [smem:$0x3FA9]  }
0x29: {  	s4 =	sld [smem:$0x3FAB]  }
0x2a: {  	p0 =	seq.s32 s5, $0x0;
	s5 =	sld [smem:$0x3FAC]  }
0x2b: {  	s6 =	sld [smem:$0x3FAD]  }
0x2c: {  	s7 =	sld [smem:$0x3FAE]  }
0x2d: {  	s3 =	simm.s32 $0x108;
	s8 =	sld [smem:$0x3FAF]  }
0x2e: {  	s3 =	simm.s32 @!p0 $0x1082;
	s9 =	sld [smem:$0x3FB0]  }
0x2f: {  	lr =	sadd.s32 s0, s3;
	s0 =	sld [smem:$0x3FA7]  }
0x30: {  	s3 =	sld [smem:$0x3FAA]  }
0x31: {  	[smem:$0x3FB3] =	sst s10  }
0x32: {  	s10 =	sld [smem:$0x3FB1];
	_ =	sdelay $0x3  }
0x33: {  	p0 =	seq.s32 s10, $0x1;
	s10 =	sld [smem:$0x3FB3];
	_ =	sdelay $0x3  }
0x34: {  	[smem:$0x3FB3] =	sst s10  }
0x35: {  	s10 =	sld [smem:$0x3FB2];
	_ =	sdelay $0x3  }
0x36: {  	p1 =	seq.s32 s10, $0x1;
	s10 =	sld [smem:$0x3FB3];
	_ =	sdelay $0x3  }
0x37: {  	[smem:$0x3FB3] =	sst s10  }
0x38: {  	s10 =	sld [smem:$0x3FB4]  }
0x39: {  	_ = 	snop;
	(pc) =	sbr.ind lr, $3  }
0x3a: {  	_ = 	snop  }
0x3b: {  	_ = 	snop  }
0x3c: {  	p2 =	seq.s32 s10, $0x1;
	s10 =	sld [smem:$0x3FB3]  }
0x3d: {  	_ =	shalt  }
0x3e: {  	_ =	shalt  }
0x3f: {  	_ =	shalt  }
0x40: {  	_ =	shalt  }
0x41: {  	_ =	shalt  }
0x42: {  	_ =	shalt  }
0x43: {  	_ =	shalt  }
0x44: {  	_ =	shalt  }
0x45: {  	_ =	shalt  }
0x46: {  	_ =	shalt  }
0x47: {  	_ =	shalt  }
0x48: {  	_ =	shalt  }
0x49: {  	_ =	shalt  }
0x4a: {  	_ =	shalt  }
0x4b: {  	_ =	shalt  }
0x4c: {  	_ =	shalt  }
0x4d: {  	_ =	shalt  }
0x4e: {  	_ =	shalt  }
0x4f: {  	_ =	shalt  }
0x50: {  	_ =	shalt  }
0x51: {  	_ =	shalt  }
0x52: {  	_ =	shalt  }
0x53: {  	_ =	shalt  }
0x54: {  	_ =	shalt  }
0x55: {  	_ =	shalt  }
0x56: {  	_ =	shalt  }
0x57: {  	_ =	shalt  }
0x58: {  	_ =	shalt  }
0x59: {  	_ =	shalt  }
0x5a: {  	_ =	shalt  }
0x5b: {  	_ =	shalt  }
0x5c: {  	_ =	shalt  }
0x5d: {  	_ =	shalt  }
0x5e: {  	_ =	shalt  }
0x5f: {  	_ =	shalt  }
0x60: {  	_ =	shalt  }
0x61: {  	_ =	shalt  }
0x62: {  	_ =	shalt  }
0x63: {  	_ =	shalt  }
0x64: {  	_ =	shalt  }
0x65: {  	_ =	shalt  }
0x66: {  	_ =	shalt  }
0x67: {  	_ =	shalt  }
0x68: {  	_ =	shalt  }
0x69: {  	_ =	shalt  }
0x6a: {  	_ =	shalt  }
0x6b: {  	_ =	shalt  }
0x6c: {  	_ =	shalt  }
0x6d: {  	_ =	shalt  }
0x6e: {  	_ =	shalt  }
0x6f: {  	_ =	shalt  }
0x70: {  	_ =	shalt  }
0x71: {  	_ =	shalt  }
0x72: {  	_ =	shalt  }
0x73: {  	_ =	shalt  }
0x74: {  	_ =	shalt  }
0x75: {  	_ =	shalt  }
0x76: {  	_ =	shalt  }
0x77: {  	_ =	shalt  }
0x78: {  	_ =	shalt  }
0x79: {  	_ =	shalt  }
0x7a: {  	_ =	shalt  }
0x7b: {  	_ =	shalt  }
0x7c: {  	_ =	shalt  }
0x7d: {  	_ =	shalt  }
0x7e: {  	_ =	shalt  }
0x7f: {  	_ =	shalt  }
0x80: {  	_ =	shalt  }
0x81: {  	_ =	shalt  }
0x82: {  	_ =	shalt  }
0x83: {  	_ =	shalt  }
0x84: {  	_ =	shalt  }
0x85: {  	_ =	shalt  }
0x86: {  	_ =	shalt  }
0x87: {  	_ =	shalt  }
.Lfunc_end0:
.L_simem_size_0:
called_computation_lowered:
.L_overlay_start_0:
0x88: {  	s2 =	sld [smem:$0x3FD9]  }
0x89: {  	s3 =	sld [smem:$0x3FFE];
	_ =	sdelay $0x1  }
0x8a: {  	s1 =	srdreg.scid  }
0x8b: {  	s0 =	sand.u32 $0x1, s1  }
0x8c: {  	s17 =	sshll.u32 s0, $0xA;
	s2 =	sadd.s32 s3, s2  }
0x8d: {  	s2 =	sadd.s32 s2, s17  }
0x8e: {  	[smem:$0x3FBF] =	sst s2  }
0x8f: {  	_ = 	snop  }
0x90: {  	s2 =	sld [smem:$0x3FD0];
	(tm) =	ssettm $0x1  }
0x91: {  	s18 =	sld [smem:$0x3FFB];
	_ =	sdelay $0x3  }
0x92: {  	_ =	strace s18  }
0x93: {  	s3 =	sld [smem:$0x3FFC];
	_ =	sdelay $0x3  }
0x94: {  	_ =	strace s3  }
0x95: {  	s3 =	sld [smem:$0x3FFD];
	_ =	sdelay $0x3  }
0x96: {  	_ =	strace s3  }
0x97: {  	_ =	strace $0x8FFFFFFF  }
0x98: {  	s19 =	sld [smem:$0x3FDB];
	_ =	sdelay $0x1  }
0x99: {  	s4 =	simm.s32 $_scs_section_size  }
0x9a: {  	s5 =	simm.s32 $_size__tile_overlayer_lowered;
	s6 =	simm.s32 $_tile_overlayer_lowered  }
0x9b: {  	s22 =	simm.s32 $0x1BFF;
	s21 =	sshll.u32 s6, $0x1;
	s3 =	sadd.s32 s4, s19  }
0x9c: {  	s7 =	simm.s32 $0x0;
	s20 =	sshll.u32 s5, $0x1;
	s5 =	sadd.s32 s21, s3  }
0x9d: {  	[timem:s7], [sflag:s22] =	dma.local [hbm:s5], s20  }
0x9e: {  	_ =	swait.ge [sflag:s22], s20  }
0x9f: {  	s4 =	ssub.s32 $0x0, s20;
	[sflag:s22] =	ssyncset.done $0x0  }
0xa0: {  	[sflag:s22] =	ssyncadd.s32 s4;
	_ =	sdelay $0x1  }
0xa1: {  	s23 =	simm.s32 $0x1B8B  }
0xa2: {  	_ =	swait.ge [sflag:s23], $0x1  }
0xa3: {  	[sflag:s23] =	ssyncset.done $0x0  }
0xa4: {  	s25 =	simm.s32 $0x1B8E;
	s24 =	sld [smem:$0x3FFE];
	[sflag:s23] =	ssyncadd.s32 $0xFFFFFFFF  }
0xa5: {  	s26 =	simm.s32 $execute0_lowered;
	[smem:$0x3FD2] =	sst s25  }
0xa6: {  	s5 =	sshll.u32 s26, $0x1;
	_ =	strace $0x80000046;
	[dreg:$0x1] =	wrdreg $0xFFFFFFFF  }
0xa7: {  	s28 =	simm.s32 $_size_execute0_lowered;
	s3 =	sadd.s32 s3, s5;
	[dreg:$0x0] =	wrdreg $0x0  }
0xa8: {  	s5 =	sshll.u32 s28, $0x1;
	[dreg:$0x2] =	wrdreg s3  }
0xa9: {  	[dreg:$0x3] =	wrdreg s5  }
0xaa: {  	[dreg:$0x4] =	wrdreg $0xC0  }
0xab: {  	_ =	task [dreg:s7], $0x5FFFF  }
0xac: {  	[dreg:$0x1] =	wrdreg $0xFFFFFFFF  }
0xad: {  	[dreg:$0x0] =	wrdreg $0x60  }
0xae: {  	[dreg:$0x2] =	wrdreg s2  }
0xaf: {  	[dreg:$0x3] =	wrdreg s24  }
0xb0: {  	[dreg:$0x4] =	wrdreg $0x9  }
0xb1: {  	_ =	task.clear_ibuf [dreg:s7], $0x5FFFF;
	_ =	strace $0x90000046  }
0xb2: {  	s29 =	simm.s32 $0x9;
	_ =	strace $0x80000048  }
0xb3: {  	_ =	swait.ge [sflag:s29], $0x1  }
0xb4: {  	[sflag:s29] =	ssyncadd.s32 $0xFFFFFFFF  }
0xb5: {  	_ =	strace $0x90000048  }
0xb6: {  	_ =	sfence  }
0xb7: {  	s30 =	sld [smem:$0x0];
	_ =	sdelay $0x2  }
0xb8: {  	s31 =	sshll.u32 s1, $0xD;
	s1 =	sshrl.u32 s1, $0x2  }
0xb9: {  	s3 =	sand.u32 $0x4000, s31;
	s1 =	sadd.s32 s1, s30  }
0xba: {  	s0 =	sor.u32 s3, s0;
	s1 =	sshll.u32 s1, $0x11  }
0xbb: {  	s0 =	sor.u32 s1, s0  }
0xbc: {  	s0 =	sadd.s32 $0x8F2B, s0  }
0xbd: {  	[sflag:s0] =	ssyncadd.remote.s32 $0x1  }
0xbe: {  	_ =	sfence.sel $0xFFFF  }
0xbf: {  	[dreg:$0x0] =	wrdreg $0xFFFFFFFF;
	(pc) =	sbr.abs _section_cstart, $3  }
0xc0: {  	[dreg:$0x1] =	wrdreg $0xFFFFFFFF  }
0xc1: {  	_ =	task.clear_ibuf [dreg:s7], $0x2FFFF;
	_ =	strace $0x9FFFFFFF  }
0xc2: {  	(tm) =	ssettm $0x7FFFFFFF  }
0xc3: {  	_ =	shalt  }
tec
execute0_lowered:
.L_overlay_start_1:
0x0: {  	(tag) =	ssettag $0x1  }
0x1: {  	s1 =	srdreg.scid;
	s2 =	rddreg [dreg:$0x0]  }
0x2: {  	s0 =	stileid.u32;
	s5 =	rddreg [dreg:$0x1];
	s6 =	simm.s32 $0x1  }
0x3: {  	s9 =	simm.s32 $0x1;
	s10 =	simm.s32 $0x3;
	s1 =	sshll.u32 s1, $0x6  }
0x4: {  	s13 =	simm.s32 $0x0;
	s3 =	sshll.u32 s0, $0x7;
	s4 =	sand.u32 $0x40, s1  }
0x5: {  	s12 =	simm.s32 $0x0;
	s1 =	rddreg [dreg:$0x2];
	s3 =	sor.u32 s3, s4  }
0x6: {  	_ =	strace $0x80000047;
	s4 =	sadd.s32 $0x1000, s5;
	s8 =	ssub.s32 $0x1000, s3  }
.Ltmp0:
0x7: {  	s5 =	sadd.s32 $0x1200, s5;
	s7 =	sand.u32 $0x7C0, s8;
	(pc) =	sbr.rel .LBB2_1-.Ltmp0, $4  }
0x8: {  	[sflag:s6] =	ssyncpa.u1 $0x0;
	s11 =	smov.u32 s3;
	p0 =	sne.s32 s7, $0x0  }
0x9: {  	s8 =	sshrl.u32 s8, $0xB;
	s7 =	simm.s32 $0x2;
	s9 =	simm.s32 @!p0 $0x0  }
0xa: {  	[sflag:s7] =	ssyncpa.u1 $0x0;
	p0 =	por $0x0, $0x0;
	s8 =	sadd.s32 s9, s8  }
0xb: {  	vm0 =	vmmov $0xffff;
	[sflag:s10] =	ssyncpa.u1 $0x0;
	s10 =	simm.s32 $0x0;
	s9 =	sadd.s32 $0x1, s8  }
.LBB2_4:
0xc: {  	v5 =	vshrl.u32 v1, $0xC;
	v6 =	vshll.u32 v1, $0x7  }
0xd: {  	vm1 =	veq.s32 v1, $0x80000000;
	v58 =	vand.u32 $0x7, v5;
	v59 =	vand.u32 $0x7FF80, v6  }
0xe: {  	v1 =	vsel vm1, $0xFFFFFFFF, v58;
	v5 =	vsel vm1, $0xFFFFFF80, v59  }
0xf: {  	v3 =	vor.u32 v4, v3;
	v60 =	vand.u32 $0xFFFFFC00, v5;
	v61 =	vand.u32 $0xFFFFFC00, v1  }
0x10: {  	v2 =	vor.u32 v2, v3;
	v63 =	vand.u32 $0x380, v5;
	v62 =	vadd.s32 v61, v60  }
0x11: {  	v1 =	vand.u32 $0x7F, v1;
	v3 =	vor.u32 v63, v62  }
0x12: {  	v1 =	vor.u32 v1, v3  }
0x13: {  	[tilespmem:s15], [sflag:$0x1] =	stream.indirect_vreg.gather [hbm4b:s2+s10], $0x1, v0, vm0, $0x4038;
	[tilespmem:$0x100] =	vst v63  }
0x14: {  	(ifvalue) =	ssetifvalue $0x7FFFFFFF  }
0x15: {  	[tilespmem:s16], [sflag:$0x1] =	stream.indirect_vreg.gather [hbm4b:s2+s10], $0x1, v2, vm0, $0x4038;
	[tilespmem:$0x100] =	vst v63  }
0x16: {  	s29 =	sadd.s32 $0x10, s16;
	(ifvalue) =	ssetifvalue $0x7FFFFFFF  }
0x17: {  	[tilespmem:s29], [sflag:$0x1] =	stream.indirect_vreg.gather [hbm4b:s2+s10], $0x1, v1, vm0, $0x4038;
	[tilespmem:$0x100] =	vst v63  }
0x18: {  	_ =	swait.ge [sflag:s6], $0x40  }
0x19: {  	s30 =	sshrl.u32 s13, $0x3;
	[sflag:s6] =	ssyncset.done $0x0  }
0x1a: {  	s31 =	sand.u32 $0x7, s13;
	s15 =	sadd.s32 s5, s30;
	[sflag:s6] =	ssyncadd.s32 $0xFFFFFFC0  }
0x1b: {  	[hbm4b:s15+s31] =	stream.linear.scatter [tilespmem:s14], [sflag:$0x3], $0x40, $0x38;
	[tilespmem:$0x100] =	vst v63  }
.LBB2_5:
0x1c: {  	s15 =	sadd.s32 $0x800, s11  }
0x1d: {  	p2 =	sgt.s32 s15, $0xFFF  }
0x1e: {  	s15 =	smov.u32 @p2 s3;
	p2 =	sne.s32 s12, s9  }
.Ltmp1:
0x1f: {  	p1 =	slt.u32 s12, $0x2;
	(pc) =	sbr.rel @!p2 .LBB2_6-.Ltmp1, $4  }
0x20: {  	s14 =	simm.s32 @!p1 $0x3  }
0x21: {  	s16 =	sadd.s32 $0x1, s12;
	_ =	swait.ge @!p1 [sflag:s14], $0x40  }
0x22: {  	s13 =	smov.u32 s11;
	p0 =	por !p0, !p0;
	[sflag:s14] =	ssyncset.done @!p1 $0x0  }
0x23: {  	s12 =	smov.u32 s16;
	s11 =	smov.u32 s15;
	[sflag:s14] =	ssyncadd.s32 @!p1 $0xFFFFFFC0  }
.LBB2_1:
0x24: {  	p1 =	sge.u32 s12, s8  }
0x25: {  	s14 =	sxor.u32 @!p1 $0xFFFFFFFF, s12  }
0x26: {  	s31 =	sadd.s32 $0xFFFFFFFF, s12;
	s15 =	sshrl.u32 @!p1 s11, $0x3;
	s14 =	sshll.u32 @!p1 s14, $0x6  }
0x27: {  	s16 =	sand.u32 @!p1 $0x7, s11;
	s15 =	sadd.s32 @!p1 s4, s15;
	s14 =	sand.u32 @!p1 $0x40, s14  }
0x28: {  	[tilespmem:s14], [sflag:$0x2] =	stream.linear.gather @!p1 [hbm4b:s15+s16], $0x40, $0x38;
	[tilespmem:$0x100] =	vst v63  }
0x29: {  	p1 =	sge.u32 s31, s8  }
.Ltmp2:
0x2a: {  	_ = 	snop;
	(pc) =	sbr.rel @p1 .LBB2_5-.Ltmp2, $1  }
0x2b: {  	_ =	sdelay $0x3  }
0x2c: {  	s14 =	simm.s32 $0x1  }
0x2d: {  	_ =	swait.ge [sflag:s7], $0x40;
	s14 =	simm.s32 @!p0 $0x0  }
0x2e: {  	[sflag:s7] =	ssyncset.done $0x0;
	s14 =	sshll.u32 s14, $0x6  }
0x2f: {  	[sflag:s7] =	ssyncadd.s32 $0xFFFFFFC0;
	(ifvalue) =	ssetifvalue $0x7FFFFFFF;
	v0 =	vld.msk [tilespmem:s14+$0x0 ss:$0x1], $0xffff;
	_ =	sdelay $0x4  }
0x30: {  	s15 =	sadd.s32 $0x10, s14;
	v2 =	vshrl.u32 v0, $0xC;
	v3 =	vshll.u32 v0, $0x7  }
0x31: {  	v1 =	vld.msk [tilespmem:s15+$0x0 ss:$0x1], $0xffff;
	vm1 =	veq.s32 v0, $0x80000000;
	v0 =	vand.u32 $0x7, v2;
	v2 =	vand.u32 $0x7FF80, v3  }
0x32: {  	v0 =	vsel vm1, $0xFFFFFFFF, v0;
	v2 =	vsel vm1, $0xFFFFFF80, v2  }
0x33: {  	v3 =	vand.u32 $0xFFFFFC00, v2;
	v4 =	vand.u32 $0xFFFFFC00, v0  }
0x34: {  	v2 =	vand.u32 $0x380, v2;
	v3 =	vadd.s32 v4, v3  }
0x35: {  	v0 =	vand.u32 $0x7F, v0;
	v2 =	vor.u32 v2, v3  }
0x36: {  	v5 =	vshll.u32 v1, $0x7;
	v4 =	vshrl.u32 v1, $0xC;
	v0 =	vor.u32 v0, v2  }
0x37: {  	s16 =	sshll.u32 s12, $0x6;
	vm1 =	veq.s32 v1, $0x80000000;
	v1 =	vand.u32 $0x7, v4;
	v4 =	vand.u32 $0x7FF80, v5  }
0x38: {  	s16 =	sand.u32 $0x40, s16;
	s18 =	sadd.s32 $0x10, s15;
	v3 =	vsel vm1, $0xFFFFFFFF, v1;
	v4 =	vsel vm1, $0xFFFFFF80, v4  }
0x39: {  	s17 =	simm.s32 $0x20;
	s15 =	sor.u32 $0x80, s14;
	s14 =	sor.u32 $0x80, s16;
	v1 =	vld.msk [tilespmem:s18+$0x0 ss:$0x1], $0xffff;
	v5 =	vand.u32 $0xFFFFFC00, v4;
	v6 =	vand.u32 $0xFFFFFC00, v3  }
0x3a: {  	s16 =	sadd.s32 $0x10, s15;
	s18 =	sadd.s32 $0x10, s18;
	(ifvalue) =	ssetifvalue $0x7FFFFFFF;
	v2 =	vand.u32 $0x7F, v3;
	v4 =	vand.u32 $0x380, v4;
	v3 =	vadd.s32 v6, v5  }
.LBB2_3:
0x3b: {  	[tilespmem:s15], [sflag:$0x1] =	stream.indirect_vreg.gather [hbm4b:s2+s10], $0x1, v0, vm0, $0x4038;
	[tilespmem:$0x100] =	vst v63  }
0x3c: {  	s17 =	sadd.s32 $0x10, s17  }
0x3d: {  	v3 =	vor.u32 v4, v3;
	p1 =	slt.u32 s17, $0x30  }
.Ltmp3:
0x3e: {  	v4 =	vshrl.u32 v1, $0xC;
	v5 =	vshll.u32 v1, $0x7;
	s15 =	smov.u32 s16;
	v0 =	vor.u32 v2, v3;
	v2 =	vmovc v1;
	v1 =	vld.msk [tilespmem:s18+$0x0 ss:$0x1], $0xffff;
	(pc) =	sbr.rel @p1 .LBB2_3-.Ltmp3, $4  }
0x3f: {  	v3 =	vand.u32 $0x7FF80, v5;
	vm1 =	veq.s32 v2, $0x80000000;
	v2 =	vand.u32 $0x7, v4  }
0x40: {  	v4 =	vsel vm1, $0xFFFFFFFF, v2;
	v5 =	vsel vm1, $0xFFFFFF80, v3  }
0x41: {  	v2 =	vand.u32 $0x7F, v4;
	v3 =	vand.u32 $0xFFFFFC00, v5;
	v4 =	vand.u32 $0xFFFFFC00, v4  }
0x42: {  	s16 =	sadd.s32 $0x10, s16;
	s18 =	sadd.s32 $0x10, s18;
	v3 =	vadd.s32 v4, v3;
	v4 =	vand.u32 $0x380, v5;
	(ifvalue) =	ssetifvalue $0x7FFFFFFF  }
.Ltmp4:
0x43: {  	_ = 	snop;
	(pc) =	sbr.rel .LBB2_4-.Ltmp4, $1  }
0x44: {  	_ =	sdelay $0x3  }
.LBB2_6:
0x45: {  	_ =	sfence.sel $0x180000  }
0x46: {  	s2 =	simm.s32 $0x2;
	[bflag:$0x0] =	sbarrier.arrive $0xFFFF  }
0x47: {  	s30 =	simm.s32 $0x3;
	[sflag:s2] =	ssyncpa.u1 $0x1  }
0x48: {  	s31 =	simm.s32 $0x1;
	[sflag:s30] =	ssyncpa.u1 $0x1  }
0x49: {  	[sflag:s31] =	ssyncpa.u1 $0x1  }
0x4a: {  	p0 =	sne.s32 s0, $0x0;
	_ =	strace $0x90000047  }
0x4b: {  	s0 =	sadd.s32 @!p0 $0x100000, s1;
	[bflag:$0x2] =	sbarrier.arrive $0xFFFF  }
0x4c: {  	[sflag:s0] =	ssyncadd.tile.s32 @!p0 $0x1;
	_ =	shalt  }
.Lfunc_end2:
_tile_overlayer_lowered:
.L_overlay_start_2:
0x4d: {  	(tag) =	ssettag $0x2  }
0x4e: {  	s0 =	rddreg [dreg:$0x0];
	s2 =	stileid.u32  }
0x4f: {  	s1 =	rddreg [dreg:$0x1];
	p0 =	sne.s32 s2, $0x0  }
0x50: {  	s3 =	rddreg [dreg:$0x2];
	[bflag:$0x3] =	sbarrier.arrive $0xFFFF;
	s2 =	simm.s32 @!p0 $0x1C01  }
0x51: {  	[timem:s3], [sflag:s2] =	dma.local @!p0 [hbm:s0], s1  }
0x52: {  	s0 =	simm.s32 @!p0 $0x1  }
0x53: {  	_ =	swait.ge @!p0 [sflag:s0], s1  }
0x54: {  	s1 =	ssub.s32 @!p0 $0x0, s1;
	[sflag:s0] =	ssyncset.done @!p0 $0x0  }
0x55: {  	[sflag:s0] =	ssyncadd.s32 @!p0 s1  }
0x56: {  	[bflag:$0x3] =	sbarrier.arrive $0xFFFF  }
0x57: {  	_ =	shalt  }

// kernel: kernel.5.cloned.1.call-start
scs
__scs_entry_jumppad:
0x0: {  	(pc) =	sbr.rel $0x88, $3  }
0x1: {  	(tag) =	ssettag $0x0;
	lr =	simm.s32 $0x1  }
0x2: {  	[smem:$0x3F98] =	sst lr;
	_ =	strace $0xD0000000  }
0x3: {  	_ = 	snop  }
0x4: {  	_ = 	snop  }
0x5: {  	_ = 	snop  }
0x6: {  	_ = 	snop  }
0x7: {  	_ = 	snop  }
__scs_overlays_trampoline_lowered:
0x8: {  	[smem:$0x3FA7] =	sst s0  }
0x9: {  	[smem:$0x3FA8] =	sst s1  }
0xa: {  	[smem:$0x3FA9] =	sst s2  }
0xb: {  	[smem:$0x3FAA] =	sst s3  }
0xc: {  	[smem:$0x3FAB] =	sst s4  }
0xd: {  	[smem:$0x3FAC] =	sst s5  }
0xe: {  	[smem:$0x3FAD] =	sst s6  }
0xf: {  	[smem:$0x3FAE] =	sst s7  }
0x10: {  	[smem:$0x3FAF] =	sst s8  }
0x11: {  	[smem:$0x3FB0] =	sst s9;
	s0 =	simm.s32 @!p0 $0x0  }
0x12: {  	s1 =	sld [smem:$0x3F96];
	s0 =	simm.s32 @p0 $0x1  }
0x13: {  	[smem:$0x3FB1] =	sst s0;
	s0 =	simm.s32 @!p1 $0x0  }
0x14: {  	s2 =	sld [smem:$0x3F95];
	s0 =	simm.s32 @p1 $0x1  }
0x15: {  	[smem:$0x3FB2] =	sst s0;
	s0 =	simm.s32 @!p2 $0x0  }
0x16: {  	s3 =	sld [smem:$0x3FDB];
	s0 =	simm.s32 @p2 $0x1  }
0x17: {  	s4 =	simm.s32 $0x1BF5;
	[smem:$0x3FB4] =	sst s0  }
0x18: {  	s0 =	sld [smem:$0x3F97];
	_ =	swait.ge [sflag:s4], $0x0  }
0x19: {  	s7 =	sld [smem:$0x3F98]  }
0x1a: {  	s8 =	sadd.s32 $0xFFFFE003, lr  }
0x1b: {  	s9 =	sadd.s32 $0xFFFFFEF7, lr;
	s5 =	simm.s32 $0xFFFFFFFF;
	p2 =	slt.u32 s8, $0xFFFFF086  }
0x1c: {  	p1 =	slt.u32 s9, $0xF7A;
	s5 =	simm.s32 @!p2 $0x0  }
0x1d: {  	s5 =	simm.s32 @p1 $0x1;
	p0 =	seq.s32 s7, s2  }
0x1e: {  	s7 =	smul.u32 @!p0 $0xF7A, s2;
	p2 =	seq.s32 @!p0 s5, $0x0  }
0x1f: {  	s9 =	smul.u32 $0xF7A, s1;
	s8 =	simm.s32 @!p0 $0x1BF5;
	p2 =	por !p2, p0  }
0x20: {  	[sflag:s8] =	ssyncset.s32 @!p0 $0xFFFFF086;
	s6 =	sadd.s32 @!p0 s3, s7;
	s7 =	simm.s32 @!p0 $0x108  }
0x21: {  	s3 =	sadd.s32 s3, s9;
	s6 =	sadd.s32 @!p0 $0x88, s6;
	s7 =	simm.s32 @p2 $0x1082  }
0x22: {  	[simem:s7], [sflag:s8] =	dma.local @!p0 [hbm:s6], $0xF7A  }
0x23: {  	s9 =	sor.u32 $0xD0000000, s2;
	s6 =	simm.s32 $0x108;
	_ =	swait.ge @!p0 [sflag:s8], $0x0  }
0x24: {  	s3 =	sadd.s32 $0x88, s3;
	s6 =	simm.s32 @!p1 $0x1082;
	[sflag:s4] =	ssyncset.s32 $0xFFFFF086  }
0x25: {  	[simem:s6], [sflag:s4] =	dma.local [hbm:s3], $0xF7A  }
0x26: {  	[smem:$0x3F98] =	sst s1;
	(tag) =	ssettag s2;
	_ =	strace s9  }
0x27: {  	s1 =	sld [smem:$0x3FA8]  }
0x28: {  	s2 =	sld [smem:$0x3FA9]  }
0x29: {  	s4 =	sld [smem:$0x3FAB]  }
0x2a: {  	p0 =	seq.s32 s5, $0x0;
	s5 =	sld [smem:$0x3FAC]  }
0x2b: {  	s6 =	sld [smem:$0x3FAD]  }
0x2c: {  	s7 =	sld [smem:$0x3FAE]  }
0x2d: {  	s3 =	simm.s32 $0x108;
	s8 =	sld [smem:$0x3FAF]  }
0x2e: {  	s3 =	simm.s32 @!p0 $0x1082;
	s9 =	sld [smem:$0x3FB0]  }
0x2f: {  	lr =	sadd.s32 s0, s3;
	s0 =	sld [smem:$0x3FA7]  }
0x30: {  	s3 =	sld [smem:$0x3FAA]  }
0x31: {  	[smem:$0x3FB3] =	sst s10  }
0x32: {  	s10 =	sld [smem:$0x3FB1];
	_ =	sdelay $0x3  }
0x33: {  	p0 =	seq.s32 s10, $0x1;
	s10 =	sld [smem:$0x3FB3];
	_ =	sdelay $0x3  }
0x34: {  	[smem:$0x3FB3] =	sst s10  }
0x35: {  	s10 =	sld [smem:$0x3FB2];
	_ =	sdelay $0x3  }
0x36: {  	p1 =	seq.s32 s10, $0x1;
	s10 =	sld [smem:$0x3FB3];
	_ =	sdelay $0x3  }
0x37: {  	[smem:$0x3FB3] =	sst s10  }
0x38: {  	s10 =	sld [smem:$0x3FB4]  }
0x39: {  	_ = 	snop;
	(pc) =	sbr.ind lr, $3  }
0x3a: {  	_ = 	snop  }
0x3b: {  	_ = 	snop  }
0x3c: {  	p2 =	seq.s32 s10, $0x1;
	s10 =	sld [smem:$0x3FB3]  }
0x3d: {  	_ =	shalt  }
0x3e: {  	_ =	shalt  }
0x3f: {  	_ =	shalt  }
0x40: {  	_ =	shalt  }
0x41: {  	_ =	shalt  }
0x42: {  	_ =	shalt  }
0x43: {  	_ =	shalt  }
0x44: {  	_ =	shalt  }
0x45: {  	_ =	shalt  }
0x46: {  	_ =	shalt  }
0x47: {  	_ =	shalt  }
0x48: {  	_ =	shalt  }
0x49: {  	_ =	shalt  }
0x4a: {  	_ =	shalt  }
0x4b: {  	_ =	shalt  }
0x4c: {  	_ =	shalt  }
0x4d: {  	_ =	shalt  }
0x4e: {  	_ =	shalt  }
0x4f: {  	_ =	shalt  }
0x50: {  	_ =	shalt  }
0x51: {  	_ =	shalt  }
0x52: {  	_ =	shalt  }
0x53: {  	_ =	shalt  }
0x54: {  	_ =	shalt  }
0x55: {  	_ =	shalt  }
0x56: {  	_ =	shalt  }
0x57: {  	_ =	shalt  }
0x58: {  	_ =	shalt  }
0x59: {  	_ =	shalt  }
0x5a: {  	_ =	shalt  }
0x5b: {  	_ =	shalt  }
0x5c: {  	_ =	shalt  }
0x5d: {  	_ =	shalt  }
0x5e: {  	_ =	shalt  }
0x5f: {  	_ =	shalt  }
0x60: {  	_ =	shalt  }
0x61: {  	_ =	shalt  }
0x62: {  	_ =	shalt  }
0x63: {  	_ =	shalt  }
0x64: {  	_ =	shalt  }
0x65: {  	_ =	shalt  }
0x66: {  	_ =	shalt  }
0x67: {  	_ =	shalt  }
0x68: {  	_ =	shalt  }
0x69: {  	_ =	shalt  }
0x6a: {  	_ =	shalt  }
0x6b: {  	_ =	shalt  }
0x6c: {  	_ =	shalt  }
0x6d: {  	_ =	shalt  }
0x6e: {  	_ =	shalt  }
0x6f: {  	_ =	shalt  }
0x70: {  	_ =	shalt  }
0x71: {  	_ =	shalt  }
0x72: {  	_ =	shalt  }
0x73: {  	_ =	shalt  }
0x74: {  	_ =	shalt  }
0x75: {  	_ =	shalt  }
0x76: {  	_ =	shalt  }
0x77: {  	_ =	shalt  }
0x78: {  	_ =	shalt  }
0x79: {  	_ =	shalt  }
0x7a: {  	_ =	shalt  }
0x7b: {  	_ =	shalt  }
0x7c: {  	_ =	shalt  }
0x7d: {  	_ =	shalt  }
0x7e: {  	_ =	shalt  }
0x7f: {  	_ =	shalt  }
0x80: {  	_ =	shalt  }
0x81: {  	_ =	shalt  }
0x82: {  	_ =	shalt  }
0x83: {  	_ =	shalt  }
0x84: {  	_ =	shalt  }
0x85: {  	_ =	shalt  }
0x86: {  	_ =	shalt  }
0x87: {  	_ =	shalt  }
.Lfunc_end0:
.L_simem_size_0:
called_computation.2_lowered:
.L_overlay_start_0:
0x88: {  	s2 =	sld [smem:$0x3FD9]  }
0x89: {  	s3 =	sld [smem:$0x3FFE];
	_ =	sdelay $0x1  }
0x8a: {  	s1 =	srdreg.scid  }
0x8b: {  	s0 =	sand.u32 $0x1, s1  }
0x8c: {  	s17 =	sshll.u32 s0, $0xA;
	s2 =	sadd.s32 s3, s2  }
0x8d: {  	s2 =	sadd.s32 s2, s17  }
0x8e: {  	[smem:$0x3FBF] =	sst s2  }
0x8f: {  	_ = 	snop  }
0x90: {  	s18 =	sld [smem:$0x3FC9];
	(tm) =	ssettm $0x1  }
0x91: {  	s19 =	sld [smem:$0x3FFB];
	_ =	sdelay $0x3  }
0x92: {  	_ =	strace s19  }
0x93: {  	s2 =	sld [smem:$0x3FFC];
	_ =	sdelay $0x3  }
0x94: {  	_ =	strace s2  }
0x95: {  	s2 =	sld [smem:$0x3FFD];
	_ =	sdelay $0x3  }
0x96: {  	_ =	strace s2  }
0x97: {  	_ =	strace $0x8FFFFFFF  }
0x98: {  	s20 =	sld [smem:$0x3FDB];
	_ =	sdelay $0x1  }
0x99: {  	s4 =	simm.s32 $_scs_section_size  }
0x9a: {  	s5 =	simm.s32 $_size__tile_overlayer_lowered;
	s6 =	simm.s32 $_tile_overlayer_lowered  }
0x9b: {  	s7 =	simm.s32 $0x1BFF;
	s21 =	sshll.u32 s6, $0x1;
	s4 =	sadd.s32 s4, s20  }
0x9c: {  	s22 =	simm.s32 $0x0;
	s5 =	sshll.u32 s5, $0x1;
	s6 =	sadd.s32 s21, s4  }
0x9d: {  	[timem:s22], [sflag:s7] =	dma.local [hbm:s6], s5  }
0x9e: {  	_ =	swait.ge [sflag:s7], s5  }
0x9f: {  	s5 =	ssub.s32 $0x0, s5;
	[sflag:s7] =	ssyncset.done $0x0  }
0xa0: {  	[sflag:s7] =	ssyncadd.s32 s5;
	_ =	sdelay $0x1  }
0xa1: {  	s23 =	simm.s32 $0x1B8B  }
0xa2: {  	_ =	swait.ge [sflag:s23], $0x1  }
0xa3: {  	[sflag:s23] =	ssyncset.done $0x0  }
0xa4: {  	[sflag:s23] =	ssyncadd.s32 $0xFFFFFFFF  }
0xa5: {  	s5 =	sld [smem:$0x0]  }
0xa6: {  	s6 =	sand.u32 $0xFFFFFFFE, s1  }
0xa7: {  	p0 =	sne.s32 s1, s6  }
0xa8: {  	s6 =	sshll.u32 @p0 s6, $0xE  }
0xa9: {  	s6 =	sadd.s32 @p0 $0x11B8D, s6;
	s7 =	sshll.u32 @p0 s5, $0x11  }
0xaa: {  	s6 =	sor.u32 @p0 s7, s6  }
0xab: {  	[sflag:s6] =	ssyncadd.remote.s32 @p0 $0x1;
	_ =	sdelay $0x1  }
0xac: {  	s6 =	simm.s32 @p0 $0x1B8D  }
0xad: {  	_ =	swait.eq @p0 [sflag:s6], $0x1  }
0xae: {  	[sflag:s6] =	ssyncadd.s32 @p0 $0xFFFFFFFF  }
0xaf: {  	s7 =	sshll.u32 @!p0 s1, $0xE  }
0xb0: {  	s7 =	sor.u32 @!p0 $0x4000, s7;
	s6 =	simm.s32 @!p0 $0x1B8D  }
0xb1: {  	s5 =	sshll.u32 @!p0 s5, $0x11;
	s7 =	sadd.s32 @!p0 $0x11B8D, s7;
	_ =	swait.eq @!p0 [sflag:s6], $0x1  }
0xb2: {  	s5 =	sor.u32 @!p0 s5, s7;
	[sflag:s6] =	ssyncadd.s32 @!p0 $0xFFFFFFFF  }
0xb3: {  	s25 =	simm.s32 $0x1B8E;
	s24 =	sld [smem:$0x3FFE];
	[sflag:s5] =	ssyncadd.remote.s32 @!p0 $0x1  }
0xb4: {  	s26 =	simm.s32 $execute0_lowered;
	[smem:$0x3FD2] =	sst s25  }
0xb5: {  	s6 =	sshll.u32 s26, $0x1;
	_ =	strace $0x8000004C;
	[dreg:$0x1] =	wrdreg $0xFFFFFFFF  }
0xb6: {  	s28 =	simm.s32 $_size_execute0_lowered;
	s4 =	sadd.s32 s4, s6;
	[dreg:$0x0] =	wrdreg $0x0  }
0xb7: {  	s6 =	sshll.u32 s28, $0x1;
	[dreg:$0x2] =	wrdreg s4  }
0xb8: {  	[dreg:$0x3] =	wrdreg s6  }
0xb9: {  	[dreg:$0x4] =	wrdreg $0xC0  }
0xba: {  	_ =	task [dreg:s22], $0x5FFFF  }
0xbb: {  	[dreg:$0x1] =	wrdreg $0xFFFFFFFF  }
0xbc: {  	[dreg:$0x0] =	wrdreg $0x60  }
0xbd: {  	[dreg:$0x2] =	wrdreg s18  }
0xbe: {  	[dreg:$0x3] =	wrdreg s24  }
0xbf: {  	[dreg:$0x4] =	wrdreg $0xA  }
0xc0: {  	_ =	task.clear_ibuf [dreg:s22], $0x5FFFF;
	_ =	strace $0x9000004C  }
0xc1: {  	s29 =	simm.s32 $0xA;
	_ =	strace $0x8000004E  }
0xc2: {  	_ =	swait.ge [sflag:s29], $0x1  }
0xc3: {  	[sflag:s29] =	ssyncadd.s32 $0xFFFFFFFF  }
0xc4: {  	_ =	strace $0x9000004E  }
0xc5: {  	_ =	sfence  }
0xc6: {  	s30 =	sld [smem:$0x0];
	_ =	sdelay $0x2  }
0xc7: {  	s31 =	sshll.u32 s1, $0xD;
	s1 =	sshrl.u32 s1, $0x2  }
0xc8: {  	s4 =	sand.u32 $0x4000, s31;
	s1 =	sadd.s32 s1, s30  }
0xc9: {  	s0 =	sor.u32 s4, s0;
	s1 =	sshll.u32 s1, $0x11  }
0xca: {  	s0 =	sor.u32 s1, s0  }
0xcb: {  	s0 =	sadd.s32 $0x8F2B, s0  }
0xcc: {  	[sflag:s0] =	ssyncadd.remote.s32 $0x1  }
0xcd: {  	_ =	sfence.sel $0xFFFF  }
0xce: {  	[dreg:$0x0] =	wrdreg $0xFFFFFFFF;
	(pc) =	sbr.abs _section_cstart, $3  }
0xcf: {  	[dreg:$0x1] =	wrdreg $0xFFFFFFFF  }
0xd0: {  	_ =	task.clear_ibuf [dreg:s22], $0x2FFFF;
	_ =	strace $0x9FFFFFFF  }
0xd1: {  	(tm) =	ssettm $0x7FFFFFFF  }
tec
execute0_lowered:
.L_overlay_start_1:
0x0: {  	(tag) =	ssettag $0x1  }
0x1: {  	s0 =	rddreg [dreg:$0x0]  }
0x2: {  	s1 =	rddreg [dreg:$0x1];
	s2 =	simm.s32 $0x0;
	s3 =	srdreg.scid  }
0x3: {  	s4 =	stileid.u32;
	s18 =	simm.s32 $0x1;
	s20 =	simm.s32 $0x880  }
0x4: {  	s21 =	simm.s32 $0x1080;
	s28 =	simm.s32 $0x4080;
	s29 =	simm.s32 $0x4880  }
0x5: {  	s30 =	simm.s32 $0x5080;
	s31 =	simm.s32 $0x5880;
	s10 =	simm.s32 $0x7080  }
0x6: {  	s11 =	simm.s32 $0x7880;
	s12 =	simm.s32 $0x8080;
	s13 =	simm.s32 $0x8880  }
0x7: {  	s14 =	simm.s32 $0x9080;
	s15 =	simm.s32 $0x9880;
	s16 =	simm.s32 $0xA080  }
0x8: {  	s17 =	simm.s32 $0xA880;
	[smem:$0x7FF] =	sst s2;
	s3 =	sand.u32 $0x1, s3  }
0x9: {  	s4 =	sshll.u32 s4, $0x8;
	s6 =	sadd.s32 $0x1400, s1;
	_ =	strace $0x8000004D  }
0xa: {  	s5 =	sshll.u32 s3, $0x7;
	s7 =	ssub.s32 $0x2, s3;
	s3 =	sadd.s32 $0x1A00, s1  }
0xb: {  	s4 =	sor.u32 s5, s4;
	s22 =	sshrl.u32 s7, $0x1;
	s5 =	sadd.s32 $0x1C00, s1  }
0xc: {  	s8 =	sshrl.u32 s4, $0x3;
	s7 =	ssub.s32 s7, s22;
	s24 =	sshll.u32 s4, $0x7  }
0xd: {  	s26 =	sor.u32 $0x40, s4;
	s4 =	sadd.s32 $0x1B00, s1;
	s22 =	simm.s32 $0x1880  }
0xe: {  	s23 =	sadd.s32 s6, s8;
	s25 =	sadd.s32 s0, s24;
	s9 =	sshrl.u32 s26, $0x3  }
0xf: {  	s8 =	sshll.u32 s26, $0x7;
	s7 =	smax.u32 s7, $0x1;
	[dreg:$0x3] =	wrdreg s23  }
0x10: {  	s24 =	simm.s32 $0x2880;
	s26 =	simm.s32 $0x3880;
	[dreg:$0x4] =	wrdreg s25  }
0x11: {  	v2 =	vlaneseq.u32;
	s9 =	sadd.s32 s6, s9;
	s6 =	sadd.s32 $0x1D00, s1;
	s0 =	sadd.s32 s0, s8  }
0x12: {  	vm0 =	vmmov $0xffff;
	v1 =	vshrl.u32 v2, $0x3;
	s8 =	simm.s32 $0x2;
	s23 =	simm.s32 $0x2080;
	[dreg:$0x5] =	wrdreg s9  }
0x13: {  	v0 =	vand.u32 $0x7, v2;
	v2 =	vor.u32 $0x8, v2;
	v1 =	vmul.u32 $0x8, v1;
	s25 =	simm.s32 $0x3080;
	[dreg:$0x6] =	wrdreg s0;
	s9 =	simm.s32 $0xB080  }
.LBB2_1:
0x14: {  	s19 =	rddreg [dreg:$0x3]  }
0x15: {  	[tilespmem:s2], [sflag:$0x2] =	stream.linear.gather [hbm4b:s19+s2], $0x40, $0x38;
	[tilespmem:$0x10080] =	vst v63  }
0x16: {  	_ =	swait.ge [sflag:s8], $0x40  }
0x17: {  	[sflag:s8] =	ssyncset.done $0x0  }
0x18: {  	s0 =	simm.s32 $0x80;
	s1 =	rddreg [dreg:$0x4];
	[sflag:s8] =	ssyncadd.s32 $0xFFFFFFC0  }
0x19: {  	[tilespmem:s0], [sflag:$0x2] =	stream.linear.gather [hbm4b:s1+s2], $0x10000, $0x38;
	[tilespmem:$0x10080] =	vst v63  }
0x1a: {  	_ =	swait.ge [sflag:s8], $0x10000  }
0x1b: {  	[sflag:s8] =	ssyncset.done $0x0  }
0x1c: {  	[sflag:s8] =	ssyncadd.s32 $0xFFFF0000  }
0x1d: {  	v3 =	vld [tilespmem:$0x0];
	_ =	sdelay $0x4  }
0x1e: {  	v4 =	vshll.u32 v3, $0x3  }
0x1f: {  	v3 =	vand.u32 $0x7, v3;
	v4 =	vand.u32 $0xFFFFFFC0, v4  }
0x20: {  	v3 =	vor.u32 v3, v4  }
0x21: {  	v4 =	vperm.xlane v3, v0;
	_ =	sdelay $0x1  }
0x22: {  	v4 =	vadd.s32 v1, v4;
	_ =	sdelay $0x4  }
0x23: {  	[hbm4b:s3+s2] =	stream.indirect_vreg.scatter [tilespmem:s0], [sflag:$0x1], $0x80, v4, vm0, $0xb8;
	[tilespmem:$0x10080] =	vst v63  }
0x24: {  	v3 =	vperm.xlane v3, v2  }
0x25: {  	[hbm4b:s4+s2] =	stream.indirect_vreg.scatter [tilespmem:s20], [sflag:$0x1], $0x80, v4, vm0, $0xb8;
	[tilespmem:$0x10080] =	vst v63  }
0x26: {  	v3 =	vadd.s32 v1, v3  }
0x27: {  	[hbm4b:s5+s2] =	stream.indirect_vreg.scatter [tilespmem:s21], [sflag:$0x1], $0x80, v4, vm0, $0xb8;
	[tilespmem:$0x10080] =	vst v63  }
0x28: {  	_ = 	snop  }
0x29: {  	[hbm4b:s6+s2] =	stream.indirect_vreg.scatter [tilespmem:s22], [sflag:$0x1], $0x80, v4, vm0, $0xb8;
	[tilespmem:$0x10080] =	vst v63  }
0x2a: {  	_ = 	snop  }
0x2b: {  	[hbm4b:s3+s2] =	stream.indirect_vreg.scatter [tilespmem:s23], [sflag:$0x1], $0x80, v3, vm0, $0xb8;
	[tilespmem:$0x10080] =	vst v63  }
0x2c: {  	_ = 	snop  }
0x2d: {  	[hbm4b:s4+s2] =	stream.indirect_vreg.scatter [tilespmem:s24], [sflag:$0x1], $0x80, v3, vm0, $0xb8;
	[tilespmem:$0x10080] =	vst v63  }
0x2e: {  	_ = 	snop  }
0x2f: {  	[hbm4b:s5+s2] =	stream.indirect_vreg.scatter [tilespmem:s25], [sflag:$0x1], $0x80, v3, vm0, $0xb8;
	[tilespmem:$0x10080] =	vst v63  }
0x30: {  	_ = 	snop  }
0x31: {  	[hbm4b:s6+s2] =	stream.indirect_vreg.scatter [tilespmem:s26], [sflag:$0x1], $0x80, v3, vm0, $0xb8;
	[tilespmem:$0x10080] =	vst v63  }
0x32: {  	v3 =	vld [tilespmem:$0x10];
	_ =	sdelay $0x4  }
0x33: {  	v57 =	vshll.u32 v3, $0x3  }
0x34: {  	v3 =	vand.u32 $0x7, v3;
	v4 =	vand.u32 $0xFFFFFFC0, v57  }
0x35: {  	v3 =	vor.u32 v3, v4  }
0x36: {  	v4 =	vperm.xlane v3, v0;
	_ =	sdelay $0x1  }
0x37: {  	v4 =	vadd.s32 v1, v4;
	_ =	sdelay $0x4  }
0x38: {  	[hbm4b:s3+s2] =	stream.indirect_vreg.scatter [tilespmem:s28], [sflag:$0x1], $0x80, v4, vm0, $0xb8;
	[tilespmem:$0x10080] =	vst v63  }
0x39: {  	v3 =	vperm.xlane v3, v2  }
0x3a: {  	[hbm4b:s4+s2] =	stream.indirect_vreg.scatter [tilespmem:s29], [sflag:$0x1], $0x80, v4, vm0, $0xb8;
	[tilespmem:$0x10080] =	vst v63  }
0x3b: {  	v3 =	vadd.s32 v1, v3  }
0x3c: {  	[hbm4b:s5+s2] =	stream.indirect_vreg.scatter [tilespmem:s30], [sflag:$0x1], $0x80, v4, vm0, $0xb8;
	[tilespmem:$0x10080] =	vst v63  }
0x3d: {  	_ = 	snop  }
0x3e: {  	[hbm4b:s6+s2] =	stream.indirect_vreg.scatter [tilespmem:s31], [sflag:$0x1], $0x80, v4, vm0, $0xb8;
	[tilespmem:$0x10080] =	vst v63  }
0x3f: {  	s1 =	simm.s32 $0x6080  }
0x40: {  	[hbm4b:s3+s2] =	stream.indirect_vreg.scatter [tilespmem:s1], [sflag:$0x1], $0x80, v3, vm0, $0xb8;
	[tilespmem:$0x10080] =	vst v63  }
0x41: {  	s1 =	simm.s32 $0x6880  }
0x42: {  	[hbm4b:s4+s2] =	stream.indirect_vreg.scatter [tilespmem:s1], [sflag:$0x1], $0x80, v3, vm0, $0xb8;
	[tilespmem:$0x10080] =	vst v63  }
0x43: {  	_ = 	snop  }
0x44: {  	[hbm4b:s5+s2] =	stream.indirect_vreg.scatter [tilespmem:s10], [sflag:$0x1], $0x80, v3, vm0, $0xb8;
	[tilespmem:$0x10080] =	vst v63  }
0x45: {  	_ = 	snop  }
0x46: {  	[hbm4b:s6+s2] =	stream.indirect_vreg.scatter [tilespmem:s11], [sflag:$0x1], $0x80, v3, vm0, $0xb8;
	[tilespmem:$0x10080] =	vst v63  }
0x47: {  	v3 =	vld [tilespmem:$0x20];
	_ =	sdelay $0x4  }
0x48: {  	v58 =	vshll.u32 v3, $0x3  }
0x49: {  	v3 =	vand.u32 $0x7, v3;
	v4 =	vand.u32 $0xFFFFFFC0, v58  }
0x4a: {  	v3 =	vor.u32 v3, v4  }
0x4b: {  	v4 =	vperm.xlane v3, v0;
	_ =	sdelay $0x1  }
0x4c: {  	v4 =	vadd.s32 v1, v4;
	_ =	sdelay $0x4  }
0x4d: {  	[hbm4b:s3+s2] =	stream.indirect_vreg.scatter [tilespmem:s12], [sflag:$0x1], $0x80, v4, vm0, $0xb8;
	[tilespmem:$0x10080] =	vst v63  }
0x4e: {  	v3 =	vperm.xlane v3, v2  }
0x4f: {  	[hbm4b:s4+s2] =	stream.indirect_vreg.scatter [tilespmem:s13], [sflag:$0x1], $0x80, v4, vm0, $0xb8;
	[tilespmem:$0x10080] =	vst v63  }
0x50: {  	v3 =	vadd.s32 v1, v3  }
0x51: {  	[hbm4b:s5+s2] =	stream.indirect_vreg.scatter [tilespmem:s14], [sflag:$0x1], $0x80, v4, vm0, $0xb8;
	[tilespmem:$0x10080] =	vst v63  }
0x52: {  	_ = 	snop  }
0x53: {  	[hbm4b:s6+s2] =	stream.indirect_vreg.scatter [tilespmem:s15], [sflag:$0x1], $0x80, v4, vm0, $0xb8;
	[tilespmem:$0x10080] =	vst v63  }
0x54: {  	_ = 	snop  }
0x55: {  	[hbm4b:s3+s2] =	stream.indirect_vreg.scatter [tilespmem:s16], [sflag:$0x1], $0x80, v3, vm0, $0xb8;
	[tilespmem:$0x10080] =	vst v63  }
0x56: {  	_ = 	snop  }
0x57: {  	[hbm4b:s4+s2] =	stream.indirect_vreg.scatter [tilespmem:s17], [sflag:$0x1], $0x80, v3, vm0, $0xb8;
	[tilespmem:$0x10080] =	vst v63  }
0x58: {  	_ = 	snop  }
0x59: {  	[hbm4b:s5+s2] =	stream.indirect_vreg.scatter [tilespmem:s9], [sflag:$0x1], $0x80, v3, vm0, $0xb8;
	[tilespmem:$0x10080] =	vst v63  }
0x5a: {  	s19 =	simm.s32 $0xB880  }
0x5b: {  	[hbm4b:s6+s2] =	stream.indirect_vreg.scatter [tilespmem:s19], [sflag:$0x1], $0x80, v3, vm0, $0xb8;
	[tilespmem:$0x10080] =	vst v63  }
0x5c: {  	v3 =	vld [tilespmem:$0x30];
	_ =	sdelay $0x4  }
0x5d: {  	v59 =	vshll.u32 v3, $0x3  }
0x5e: {  	v3 =	vand.u32 $0x7, v3;
	v4 =	vand.u32 $0xFFFFFFC0, v59  }
0x5f: {  	v3 =	vor.u32 v3, v4  }
0x60: {  	v4 =	vperm.xlane v3, v0;
	_ =	sdelay $0x1  }
0x61: {  	v4 =	vadd.s32 v1, v4;
	_ =	sdelay $0x3  }
0x62: {  	s19 =	simm.s32 $0xC080  }
0x63: {  	[hbm4b:s3+s2] =	stream.indirect_vreg.scatter [tilespmem:s19], [sflag:$0x1], $0x80, v4, vm0, $0xb8;
	[tilespmem:$0x10080] =	vst v63  }
0x64: {  	v3 =	vperm.xlane v3, v2;
	s19 =	simm.s32 $0xC880  }
0x65: {  	[hbm4b:s4+s2] =	stream.indirect_vreg.scatter [tilespmem:s19], [sflag:$0x1], $0x80, v4, vm0, $0xb8;
	[tilespmem:$0x10080] =	vst v63  }
0x66: {  	v3 =	vadd.s32 v1, v3;
	s19 =	simm.s32 $0xD080  }
0x67: {  	[hbm4b:s5+s2] =	stream.indirect_vreg.scatter [tilespmem:s19], [sflag:$0x1], $0x80, v4, vm0, $0xb8;
	[tilespmem:$0x10080] =	vst v63  }
0x68: {  	s19 =	simm.s32 $0xD880  }
0x69: {  	[hbm4b:s6+s2] =	stream.indirect_vreg.scatter [tilespmem:s19], [sflag:$0x1], $0x80, v4, vm0, $0xb8;
	[tilespmem:$0x10080] =	vst v63  }
0x6a: {  	s19 =	simm.s32 $0xE080  }
0x6b: {  	[hbm4b:s3+s2] =	stream.indirect_vreg.scatter [tilespmem:s19], [sflag:$0x1], $0x80, v3, vm0, $0xb8;
	[tilespmem:$0x10080] =	vst v63  }
0x6c: {  	s19 =	simm.s32 $0xE880  }
0x6d: {  	[hbm4b:s4+s2] =	stream.indirect_vreg.scatter [tilespmem:s19], [sflag:$0x1], $0x80, v3, vm0, $0xb8;
	[tilespmem:$0x10080] =	vst v63  }
0x6e: {  	s19 =	simm.s32 $0xF080  }
0x6f: {  	[hbm4b:s5+s2] =	stream.indirect_vreg.scatter [tilespmem:s19], [sflag:$0x1], $0x80, v3, vm0, $0xb8;
	[tilespmem:$0x10080] =	vst v63  }
0x70: {  	s19 =	simm.s32 $0xF880  }
0x71: {  	[hbm4b:s6+s2] =	stream.indirect_vreg.scatter [tilespmem:s19], [sflag:$0x1], $0x80, v3, vm0, $0xb8;
	[tilespmem:$0x10080] =	vst v63  }
0x72: {  	_ =	swait.ge [sflag:s18], $0x10000  }
0x73: {  	[sflag:s18] =	ssyncset.done $0x0  }
0x74: {  	s19 =	rddreg [dreg:$0x5];
	[sflag:s18] =	ssyncadd.s32 $0xFFFF0000  }
0x75: {  	[tilespmem:s2], [sflag:$0x2] =	stream.linear.gather [hbm4b:s19+s2], $0x40, $0x38;
	[tilespmem:$0x10080] =	vst v63  }
0x76: {  	_ =	swait.ge [sflag:s8], $0x40  }
0x77: {  	[sflag:s8] =	ssyncset.done $0x0  }
0x78: {  	s19 =	rddreg [dreg:$0x6];
	[sflag:s8] =	ssyncadd.s32 $0xFFFFFFC0  }
0x79: {  	[tilespmem:s0], [sflag:$0x2] =	stream.linear.gather [hbm4b:s19+s2], $0x10000, $0x38;
	[tilespmem:$0x10080] =	vst v63  }
0x7a: {  	_ =	swait.ge [sflag:s8], $0x10000  }
0x7b: {  	[sflag:s8] =	ssyncset.done $0x0  }
0x7c: {  	[sflag:s8] =	ssyncadd.s32 $0xFFFF0000  }
0x7d: {  	v3 =	vld [tilespmem:$0x0];
	_ =	sdelay $0x4  }
0x7e: {  	v60 =	vshll.u32 v3, $0x3  }
0x7f: {  	v3 =	vand.u32 $0x7, v3;
	v4 =	vand.u32 $0xFFFFFFC0, v60  }
0x80: {  	v3 =	vor.u32 v3, v4  }
0x81: {  	v4 =	vperm.xlane v3, v0;
	_ =	sdelay $0x1  }
0x82: {  	v4 =	vadd.s32 v1, v4;
	_ =	sdelay $0x4  }
0x83: {  	[hbm4b:s3+s2] =	stream.indirect_vreg.scatter [tilespmem:s0], [sflag:$0x1], $0x80, v4, vm0, $0xb8;
	[tilespmem:$0x10080] =	vst v63  }
0x84: {  	v3 =	vperm.xlane v3, v2  }
0x85: {  	[hbm4b:s4+s2] =	stream.indirect_vreg.scatter [tilespmem:s20], [sflag:$0x1], $0x80, v4, vm0, $0xb8;
	[tilespmem:$0x10080] =	vst v63  }
0x86: {  	v3 =	vadd.s32 v1, v3  }
0x87: {  	[hbm4b:s5+s2] =	stream.indirect_vreg.scatter [tilespmem:s21], [sflag:$0x1], $0x80, v4, vm0, $0xb8;
	[tilespmem:$0x10080] =	vst v63  }
0x88: {  	_ = 	snop  }
0x89: {  	[hbm4b:s6+s2] =	stream.indirect_vreg.scatter [tilespmem:s22], [sflag:$0x1], $0x80, v4, vm0, $0xb8;
	[tilespmem:$0x10080] =	vst v63  }
0x8a: {  	_ = 	snop  }
0x8b: {  	[hbm4b:s3+s2] =	stream.indirect_vreg.scatter [tilespmem:s23], [sflag:$0x1], $0x80, v3, vm0, $0xb8;
	[tilespmem:$0x10080] =	vst v63  }
0x8c: {  	_ = 	snop  }
0x8d: {  	[hbm4b:s4+s2] =	stream.indirect_vreg.scatter [tilespmem:s24], [sflag:$0x1], $0x80, v3, vm0, $0xb8;
	[tilespmem:$0x10080] =	vst v63  }
0x8e: {  	_ = 	snop  }
0x8f: {  	[hbm4b:s5+s2] =	stream.indirect_vreg.scatter [tilespmem:s25], [sflag:$0x1], $0x80, v3, vm0, $0xb8;
	[tilespmem:$0x10080] =	vst v63  }
0x90: {  	_ = 	snop  }
0x91: {  	[hbm4b:s6+s2] =	stream.indirect_vreg.scatter [tilespmem:s26], [sflag:$0x1], $0x80, v3, vm0, $0xb8;
	[tilespmem:$0x10080] =	vst v63  }
0x92: {  	v3 =	vld [tilespmem:$0x10];
	_ =	sdelay $0x4  }
0x93: {  	v61 =	vshll.u32 v3, $0x3  }
0x94: {  	v3 =	vand.u32 $0x7, v3;
	v4 =	vand.u32 $0xFFFFFFC0, v61  }
0x95: {  	v3 =	vor.u32 v3, v4  }
0x96: {  	v4 =	vperm.xlane v3, v0;
	_ =	sdelay $0x1  }
0x97: {  	v4 =	vadd.s32 v1, v4;
	_ =	sdelay $0x4  }
0x98: {  	[hbm4b:s3+s2] =	stream.indirect_vreg.scatter [tilespmem:s28], [sflag:$0x1], $0x80, v4, vm0, $0xb8;
	[tilespmem:$0x10080] =	vst v63  }
0x99: {  	v3 =	vperm.xlane v3, v2  }
0x9a: {  	[hbm4b:s4+s2] =	stream.indirect_vreg.scatter [tilespmem:s29], [sflag:$0x1], $0x80, v4, vm0, $0xb8;
	[tilespmem:$0x10080] =	vst v63  }
0x9b: {  	v3 =	vadd.s32 v1, v3  }
0x9c: {  	[hbm4b:s5+s2] =	stream.indirect_vreg.scatter [tilespmem:s30], [sflag:$0x1], $0x80, v4, vm0, $0xb8;
	[tilespmem:$0x10080] =	vst v63  }
0x9d: {  	_ = 	snop  }
0x9e: {  	[hbm4b:s6+s2] =	stream.indirect_vreg.scatter [tilespmem:s31], [sflag:$0x1], $0x80, v4, vm0, $0xb8;
	[tilespmem:$0x10080] =	vst v63  }
0x9f: {  	s19 =	simm.s32 $0x6080  }
0xa0: {  	[hbm4b:s3+s2] =	stream.indirect_vreg.scatter [tilespmem:s19], [sflag:$0x1], $0x80, v3, vm0, $0xb8;
	[tilespmem:$0x10080] =	vst v63  }
0xa1: {  	_ = 	snop  }
0xa2: {  	[hbm4b:s4+s2] =	stream.indirect_vreg.scatter [tilespmem:s1], [sflag:$0x1], $0x80, v3, vm0, $0xb8;
	[tilespmem:$0x10080] =	vst v63  }
0xa3: {  	_ = 	snop  }
0xa4: {  	[hbm4b:s5+s2] =	stream.indirect_vreg.scatter [tilespmem:s10], [sflag:$0x1], $0x80, v3, vm0, $0xb8;
	[tilespmem:$0x10080] =	vst v63  }
0xa5: {  	_ = 	snop  }
0xa6: {  	[hbm4b:s6+s2] =	stream.indirect_vreg.scatter [tilespmem:s11], [sflag:$0x1], $0x80, v3, vm0, $0xb8;
	[tilespmem:$0x10080] =	vst v63  }
0xa7: {  	v3 =	vld [tilespmem:$0x20];
	_ =	sdelay $0x4  }
0xa8: {  	v62 =	vshll.u32 v3, $0x3  }
0xa9: {  	v3 =	vand.u32 $0x7, v3;
	v4 =	vand.u32 $0xFFFFFFC0, v62  }
0xaa: {  	v3 =	vor.u32 v3, v4  }
0xab: {  	v4 =	vperm.xlane v3, v0;
	_ =	sdelay $0x1  }
0xac: {  	v4 =	vadd.s32 v1, v4;
	_ =	sdelay $0x4  }
0xad: {  	[hbm4b:s3+s2] =	stream.indirect_vreg.scatter [tilespmem:s12], [sflag:$0x1], $0x80, v4, vm0, $0xb8;
	[tilespmem:$0x10080] =	vst v63  }
0xae: {  	v3 =	vperm.xlane v3, v2  }
0xaf: {  	[hbm4b:s4+s2] =	stream.indirect_vreg.scatter [tilespmem:s13], [sflag:$0x1], $0x80, v4, vm0, $0xb8;
	[tilespmem:$0x10080] =	vst v63  }
0xb0: {  	v3 =	vadd.s32 v1, v3  }
0xb1: {  	[hbm4b:s5+s2] =	stream.indirect_vreg.scatter [tilespmem:s14], [sflag:$0x1], $0x80, v4, vm0, $0xb8;
	[tilespmem:$0x10080] =	vst v63  }
0xb2: {  	_ = 	snop  }
0xb3: {  	[hbm4b:s6+s2] =	stream.indirect_vreg.scatter [tilespmem:s15], [sflag:$0x1], $0x80, v4, vm0, $0xb8;
	[tilespmem:$0x10080] =	vst v63  }
0xb4: {  	_ = 	snop  }
0xb5: {  	[hbm4b:s3+s2] =	stream.indirect_vreg.scatter [tilespmem:s16], [sflag:$0x1], $0x80, v3, vm0, $0xb8;
	[tilespmem:$0x10080] =	vst v63  }
0xb6: {  	_ = 	snop  }
0xb7: {  	[hbm4b:s4+s2] =	stream.indirect_vreg.scatter [tilespmem:s17], [sflag:$0x1], $0x80, v3, vm0, $0xb8;
	[tilespmem:$0x10080] =	vst v63  }
0xb8: {  	_ = 	snop  }
0xb9: {  	[hbm4b:s5+s2] =	stream.indirect_vreg.scatter [tilespmem:s9], [sflag:$0x1], $0x80, v3, vm0, $0xb8;
	[tilespmem:$0x10080] =	vst v63  }
0xba: {  	s19 =	simm.s32 $0xB880  }
0xbb: {  	[hbm4b:s6+s2] =	stream.indirect_vreg.scatter [tilespmem:s19], [sflag:$0x1], $0x80, v3, vm0, $0xb8;
	[tilespmem:$0x10080] =	vst v63  }
0xbc: {  	v3 =	vld [tilespmem:$0x30];
	_ =	sdelay $0x4  }
0xbd: {  	v63 =	vshll.u32 v3, $0x3  }
0xbe: {  	v3 =	vand.u32 $0x7, v3;
	v4 =	vand.u32 $0xFFFFFFC0, v63  }
0xbf: {  	v3 =	vor.u32 v3, v4  }
0xc0: {  	v4 =	vperm.xlane v3, v0;
	_ =	sdelay $0x1  }
0xc1: {  	v4 =	vadd.s32 v1, v4;
	_ =	sdelay $0x3  }
0xc2: {  	s1 =	simm.s32 $0xC080  }
0xc3: {  	[hbm4b:s3+s2] =	stream.indirect_vreg.scatter [tilespmem:s1], [sflag:$0x1], $0x80, v4, vm0, $0xb8;
	[tilespmem:$0x10080] =	vst v63  }
0xc4: {  	s19 =	simm.s32 $0xC880;
	v3 =	vperm.xlane v3, v2  }
0xc5: {  	[hbm4b:s4+s2] =	stream.indirect_vreg.scatter [tilespmem:s19], [sflag:$0x1], $0x80, v4, vm0, $0xb8;
	[tilespmem:$0x10080] =	vst v63  }
0xc6: {  	v3 =	vadd.s32 v1, v3;
	s1 =	simm.s32 $0xD080  }
0xc7: {  	[hbm4b:s5+s2] =	stream.indirect_vreg.scatter [tilespmem:s1], [sflag:$0x1], $0x80, v4, vm0, $0xb8;
	[tilespmem:$0x10080] =	vst v63  }
0xc8: {  	s19 =	simm.s32 $0xD880  }
0xc9: {  	[hbm4b:s6+s2] =	stream.indirect_vreg.scatter [tilespmem:s19], [sflag:$0x1], $0x80, v4, vm0, $0xb8;
	[tilespmem:$0x10080] =	vst v63  }
0xca: {  	s1 =	simm.s32 $0xE080  }
0xcb: {  	[hbm4b:s3+s2] =	stream.indirect_vreg.scatter [tilespmem:s1], [sflag:$0x1], $0x80, v3, vm0, $0xb8;
	[tilespmem:$0x10080] =	vst v63  }
0xcc: {  	s19 =	simm.s32 $0xE880  }
0xcd: {  	[hbm4b:s4+s2] =	stream.indirect_vreg.scatter [tilespmem:s19], [sflag:$0x1], $0x80, v3, vm0, $0xb8;
	[tilespmem:$0x10080] =	vst v63  }
0xce: {  	p0 =	sne.s32 s7, $0x1;
	s1 =	simm.s32 $0xF080  }
0xcf: {  	[hbm4b:s5+s2] =	stream.indirect_vreg.scatter [tilespmem:s1], [sflag:$0x1], $0x80, v3, vm0, $0xb8;
	[tilespmem:$0x10080] =	vst v63  }
.Ltmp0:
0xd0: {  	s19 =	simm.s32 $0xF880;
	(pc) =	sbr.rel @p0 .LBB2_1-.Ltmp0, $4  }
0xd1: {  	[hbm4b:s6+s2] =	stream.indirect_vreg.scatter [tilespmem:s19], [sflag:$0x1], $0x80, v3, vm0, $0xb8;
	[tilespmem:$0x10080] =	vst v63  }
0xd2: {  	_ =	swait.ge [sflag:s18], $0x10000  }
0xd3: {  	[sflag:s18] =	ssyncset.done $0x0  }
0xd4: {  	s7 =	sadd.s32 $0xFFFFFFFF, s7;
	[sflag:s18] =	ssyncadd.s32 $0xFFFF0000  }
0xd5: {  	_ =	sfence.sel $0x180000  }
0xd6: {  	[bflag:$0x0] =	sbarrier.arrive $0xFFFF  }
0xd7: {  	_ =	strace $0x9000004D  }
0xd8: {  	s0 =	stileid.u32;
	[bflag:$0x2] =	sbarrier.arrive $0xFFFF  }
0xd9: {  	p0 =	sne.s32 s0, $0x0;
	s0 =	rddreg [dreg:$0x2]  }
0xda: {  	s0 =	sadd.s32 @!p0 $0x100000, s0  }
0xdb: {  	[sflag:s0] =	ssyncadd.tile.s32 @!p0 $0x1;
	_ =	shalt  }
.Lfunc_end2:
_tile_overlayer_lowered:
.L_overlay_start_2:
0xdc: {  	(tag) =	ssettag $0x2  }
0xdd: {  	s0 =	rddreg [dreg:$0x0];
	s2 =	stileid.u32  }
0xde: {  	s1 =	rddreg [dreg:$0x1];
	p0 =	sne.s32 s2, $0x0  }
0xdf: {  	s3 =	rddreg [dreg:$0x2];
	[bflag:$0x3] =	sbarrier.arrive $0xFFFF;
	s2 =	simm.s32 @!p0 $0x1C02  }
0xe0: {  	[timem:s3], [sflag:s2] =	dma.local @!p0 [hbm:s0], s1  }
0xe1: {  	s0 =	simm.s32 @!p0 $0x2  }
0xe2: {  	_ =	swait.ge @!p0 [sflag:s0], s1  }
0xe3: {  	s1 =	ssub.s32 @!p0 $0x0, s1;
	[sflag:s0] =	ssyncset.done @!p0 $0x0  }
0xe4: {  	[sflag:s0] =	ssyncadd.s32 @!p0 s1  }
0xe5: {  	[bflag:$0x3] =	sbarrier.arrive $0xFFFF  }
0xe6: {  	_ =	shalt  }

// kernel: kernel.8.cloned.1.call-start
scs
__scs_entry_jumppad:
0x0: {  	(pc) =	sbr.rel $0x88, $3  }
0x1: {  	(tag) =	ssettag $0x0;
	lr =	simm.s32 $0x1  }
0x2: {  	[smem:$0x3F98] =	sst lr;
	_ =	strace $0xD0000000  }
0x3: {  	_ = 	snop  }
0x4: {  	_ = 	snop  }
0x5: {  	_ = 	snop  }
0x6: {  	_ = 	snop  }
0x7: {  	_ = 	snop  }
__scs_overlays_trampoline_lowered:
0x8: {  	[smem:$0x3FA7] =	sst s0  }
0x9: {  	[smem:$0x3FA8] =	sst s1  }
0xa: {  	[smem:$0x3FA9] =	sst s2  }
0xb: {  	[smem:$0x3FAA] =	sst s3  }
0xc: {  	[smem:$0x3FAB] =	sst s4  }
0xd: {  	[smem:$0x3FAC] =	sst s5  }
0xe: {  	[smem:$0x3FAD] =	sst s6  }
0xf: {  	[smem:$0x3FAE] =	sst s7  }
0x10: {  	[smem:$0x3FAF] =	sst s8  }
0x11: {  	[smem:$0x3FB0] =	sst s9;
	s0 =	simm.s32 @!p0 $0x0  }
0x12: {  	s1 =	sld [smem:$0x3F96];
	s0 =	simm.s32 @p0 $0x1  }
0x13: {  	[smem:$0x3FB1] =	sst s0;
	s0 =	simm.s32 @!p1 $0x0  }
0x14: {  	s2 =	sld [smem:$0x3F95];
	s0 =	simm.s32 @p1 $0x1  }
0x15: {  	[smem:$0x3FB2] =	sst s0;
	s0 =	simm.s32 @!p2 $0x0  }
0x16: {  	s3 =	sld [smem:$0x3FDB];
	s0 =	simm.s32 @p2 $0x1  }
0x17: {  	s4 =	simm.s32 $0x1BF5;
	[smem:$0x3FB4] =	sst s0  }
0x18: {  	s0 =	sld [smem:$0x3F97];
	_ =	swait.ge [sflag:s4], $0x0  }
0x19: {  	s7 =	sld [smem:$0x3F98]  }
0x1a: {  	s8 =	sadd.s32 $0xFFFFE003, lr  }
0x1b: {  	s9 =	sadd.s32 $0xFFFFFEF7, lr;
	s5 =	simm.s32 $0xFFFFFFFF;
	p2 =	slt.u32 s8, $0xFFFFF086  }
0x1c: {  	p1 =	slt.u32 s9, $0xF7A;
	s5 =	simm.s32 @!p2 $0x0  }
0x1d: {  	s5 =	simm.s32 @p1 $0x1;
	p0 =	seq.s32 s7, s2  }
0x1e: {  	s7 =	smul.u32 @!p0 $0xF7A, s2;
	p2 =	seq.s32 @!p0 s5, $0x0  }
0x1f: {  	s9 =	smul.u32 $0xF7A, s1;
	s8 =	simm.s32 @!p0 $0x1BF5;
	p2 =	por !p2, p0  }
0x20: {  	[sflag:s8] =	ssyncset.s32 @!p0 $0xFFFFF086;
	s6 =	sadd.s32 @!p0 s3, s7;
	s7 =	simm.s32 @!p0 $0x108  }
0x21: {  	s3 =	sadd.s32 s3, s9;
	s6 =	sadd.s32 @!p0 $0x88, s6;
	s7 =	simm.s32 @p2 $0x1082  }
0x22: {  	[simem:s7], [sflag:s8] =	dma.local @!p0 [hbm:s6], $0xF7A  }
0x23: {  	s9 =	sor.u32 $0xD0000000, s2;
	s6 =	simm.s32 $0x108;
	_ =	swait.ge @!p0 [sflag:s8], $0x0  }
0x24: {  	s3 =	sadd.s32 $0x88, s3;
	s6 =	simm.s32 @!p1 $0x1082;
	[sflag:s4] =	ssyncset.s32 $0xFFFFF086  }
0x25: {  	[simem:s6], [sflag:s4] =	dma.local [hbm:s3], $0xF7A  }
0x26: {  	[smem:$0x3F98] =	sst s1;
	(tag) =	ssettag s2;
	_ =	strace s9  }
0x27: {  	s1 =	sld [smem:$0x3FA8]  }
0x28: {  	s2 =	sld [smem:$0x3FA9]  }
0x29: {  	s4 =	sld [smem:$0x3FAB]  }
0x2a: {  	p0 =	seq.s32 s5, $0x0;
	s5 =	sld [smem:$0x3FAC]  }
0x2b: {  	s6 =	sld [smem:$0x3FAD]  }
0x2c: {  	s7 =	sld [smem:$0x3FAE]  }
0x2d: {  	s3 =	simm.s32 $0x108;
	s8 =	sld [smem:$0x3FAF]  }
0x2e: {  	s3 =	simm.s32 @!p0 $0x1082;
	s9 =	sld [smem:$0x3FB0]  }
0x2f: {  	lr =	sadd.s32 s0, s3;
	s0 =	sld [smem:$0x3FA7]  }
0x30: {  	s3 =	sld [smem:$0x3FAA]  }
0x31: {  	[smem:$0x3FB3] =	sst s10  }
0x32: {  	s10 =	sld [smem:$0x3FB1];
	_ =	sdelay $0x3  }
0x33: {  	p0 =	seq.s32 s10, $0x1;
	s10 =	sld [smem:$0x3FB3];
	_ =	sdelay $0x3  }
0x34: {  	[smem:$0x3FB3] =	sst s10  }
0x35: {  	s10 =	sld [smem:$0x3FB2];
	_ =	sdelay $0x3  }
0x36: {  	p1 =	seq.s32 s10, $0x1;
	s10 =	sld [smem:$0x3FB3];
	_ =	sdelay $0x3  }
0x37: {  	[smem:$0x3FB3] =	sst s10  }
0x38: {  	s10 =	sld [smem:$0x3FB4]  }
0x39: {  	_ = 	snop;
	(pc) =	sbr.ind lr, $3  }
0x3a: {  	_ = 	snop  }
0x3b: {  	_ = 	snop  }
0x3c: {  	p2 =	seq.s32 s10, $0x1;
	s10 =	sld [smem:$0x3FB3]  }
0x3d: {  	_ =	shalt  }
0x3e: {  	_ =	shalt  }
0x3f: {  	_ =	shalt  }
0x40: {  	_ =	shalt  }
0x41: {  	_ =	shalt  }
0x42: {  	_ =	shalt  }
0x43: {  	_ =	shalt  }
0x44: {  	_ =	shalt  }
0x45: {  	_ =	shalt  }
0x46: {  	_ =	shalt  }
0x47: {  	_ =	shalt  }
0x48: {  	_ =	shalt  }
0x49: {  	_ =	shalt  }
0x4a: {  	_ =	shalt  }
0x4b: {  	_ =	shalt  }
0x4c: {  	_ =	shalt  }
0x4d: {  	_ =	shalt  }
0x4e: {  	_ =	shalt  }
0x4f: {  	_ =	shalt  }
0x50: {  	_ =	shalt  }
0x51: {  	_ =	shalt  }
0x52: {  	_ =	shalt  }
0x53: {  	_ =	shalt  }
0x54: {  	_ =	shalt  }
0x55: {  	_ =	shalt  }
0x56: {  	_ =	shalt  }
0x57: {  	_ =	shalt  }
0x58: {  	_ =	shalt  }
0x59: {  	_ =	shalt  }
0x5a: {  	_ =	shalt  }
0x5b: {  	_ =	shalt  }
0x5c: {  	_ =	shalt  }
0x5d: {  	_ =	shalt  }
0x5e: {  	_ =	shalt  }
0x5f: {  	_ =	shalt  }
0x60: {  	_ =	shalt  }
0x61: {  	_ =	shalt  }
0x62: {  	_ =	shalt  }
0x63: {  	_ =	shalt  }
0x64: {  	_ =	shalt  }
0x65: {  	_ =	shalt  }
0x66: {  	_ =	shalt  }
0x67: {  	_ =	shalt  }
0x68: {  	_ =	shalt  }
0x69: {  	_ =	shalt  }
0x6a: {  	_ =	shalt  }
0x6b: {  	_ =	shalt  }
0x6c: {  	_ =	shalt  }
0x6d: {  	_ =	shalt  }
0x6e: {  	_ =	shalt  }
0x6f: {  	_ =	shalt  }
0x70: {  	_ =	shalt  }
0x71: {  	_ =	shalt  }
0x72: {  	_ =	shalt  }
0x73: {  	_ =	shalt  }
0x74: {  	_ =	shalt  }
0x75: {  	_ =	shalt  }
0x76: {  	_ =	shalt  }
0x77: {  	_ =	shalt  }
0x78: {  	_ =	shalt  }
0x79: {  	_ =	shalt  }
0x7a: {  	_ =	shalt  }
0x7b: {  	_ =	shalt  }
0x7c: {  	_ =	shalt  }
0x7d: {  	_ =	shalt  }
0x7e: {  	_ =	shalt  }
0x7f: {  	_ =	shalt  }
0x80: {  	_ =	shalt  }
0x81: {  	_ =	shalt  }
0x82: {  	_ =	shalt  }
0x83: {  	_ =	shalt  }
0x84: {  	_ =	shalt  }
0x85: {  	_ =	shalt  }
0x86: {  	_ =	shalt  }
0x87: {  	_ =	shalt  }
.Lfunc_end0:
.L_simem_size_0:
called_computation.3_lowered:
.L_overlay_start_0:
0x88: {  	s2 =	sld [smem:$0x3FD9]  }
0x89: {  	s3 =	sld [smem:$0x3FFE];
	_ =	sdelay $0x1  }
0x8a: {  	s1 =	srdreg.scid  }
0x8b: {  	s0 =	sand.u32 $0x1, s1  }
0x8c: {  	s17 =	sshll.u32 s0, $0xA;
	s2 =	sadd.s32 s3, s2  }
0x8d: {  	s2 =	sadd.s32 s2, s17  }
0x8e: {  	[smem:$0x3FBF] =	sst s2  }
0x8f: {  	_ = 	snop  }
0x90: {  	s2 =	sld [smem:$0x3FD0];
	(tm) =	ssettm $0x1  }
0x91: {  	s18 =	sld [smem:$0x3FFB];
	_ =	sdelay $0x3  }
0x92: {  	_ =	strace s18  }
0x93: {  	s3 =	sld [smem:$0x3FFC];
	_ =	sdelay $0x3  }
0x94: {  	_ =	strace s3  }
0x95: {  	s3 =	sld [smem:$0x3FFD];
	_ =	sdelay $0x3  }
0x96: {  	_ =	strace s3  }
0x97: {  	_ =	strace $0x8FFFFFFF  }
0x98: {  	s19 =	sld [smem:$0x3FDB];
	_ =	sdelay $0x1  }
0x99: {  	s4 =	simm.s32 $_scs_section_size  }
0x9a: {  	s5 =	simm.s32 $_size__tile_overlayer_lowered;
	s6 =	simm.s32 $_tile_overlayer_lowered  }
0x9b: {  	s22 =	simm.s32 $0x1BFF;
	s21 =	sshll.u32 s6, $0x1;
	s3 =	sadd.s32 s4, s19  }
0x9c: {  	s7 =	simm.s32 $0x0;
	s20 =	sshll.u32 s5, $0x1;
	s5 =	sadd.s32 s21, s3  }
0x9d: {  	[timem:s7], [sflag:s22] =	dma.local [hbm:s5], s20  }
0x9e: {  	_ =	swait.ge [sflag:s22], s20  }
0x9f: {  	s4 =	ssub.s32 $0x0, s20;
	[sflag:s22] =	ssyncset.done $0x0  }
0xa0: {  	[sflag:s22] =	ssyncadd.s32 s4;
	_ =	sdelay $0x1  }
0xa1: {  	s23 =	simm.s32 $0x1B8B  }
0xa2: {  	_ =	swait.ge [sflag:s23], $0x1  }
0xa3: {  	[sflag:s23] =	ssyncset.done $0x0  }
0xa4: {  	s25 =	simm.s32 $0x1B8E;
	s24 =	sld [smem:$0x3FFE];
	[sflag:s23] =	ssyncadd.s32 $0xFFFFFFFF  }
0xa5: {  	s26 =	simm.s32 $execute0_lowered;
	[smem:$0x3FD2] =	sst s25  }
0xa6: {  	s5 =	sshll.u32 s26, $0x1;
	_ =	strace $0x8000004F;
	[dreg:$0x1] =	wrdreg $0xFFFFFFFF  }
0xa7: {  	s28 =	simm.s32 $_size_execute0_lowered;
	s3 =	sadd.s32 s3, s5;
	[dreg:$0x0] =	wrdreg $0x0  }
0xa8: {  	s5 =	sshll.u32 s28, $0x1;
	[dreg:$0x2] =	wrdreg s3  }
0xa9: {  	[dreg:$0x3] =	wrdreg s5  }
0xaa: {  	[dreg:$0x4] =	wrdreg $0xC0  }
0xab: {  	_ =	task [dreg:s7], $0x5FFFF  }
0xac: {  	[dreg:$0x1] =	wrdreg $0xFFFFFFFF  }
0xad: {  	[dreg:$0x0] =	wrdreg $0x60  }
0xae: {  	[dreg:$0x2] =	wrdreg s24  }
0xaf: {  	[dreg:$0x3] =	wrdreg s2  }
0xb0: {  	[dreg:$0x4] =	wrdreg $0x9  }
0xb1: {  	_ =	task.clear_ibuf [dreg:s7], $0x5FFFF;
	_ =	strace $0x9000004F  }
0xb2: {  	s29 =	simm.s32 $0x9;
	_ =	strace $0x80000051  }
0xb3: {  	_ =	swait.ge [sflag:s29], $0x1  }
0xb4: {  	[sflag:s29] =	ssyncadd.s32 $0xFFFFFFFF  }
0xb5: {  	_ =	strace $0x90000051  }
0xb6: {  	_ =	sfence  }
0xb7: {  	s30 =	sld [smem:$0x0];
	_ =	sdelay $0x2  }
0xb8: {  	s31 =	sshll.u32 s1, $0xD;
	s1 =	sshrl.u32 s1, $0x2  }
0xb9: {  	s3 =	sand.u32 $0x4000, s31;
	s1 =	sadd.s32 s1, s30  }
0xba: {  	s0 =	sor.u32 s3, s0;
	s1 =	sshll.u32 s1, $0x11  }
0xbb: {  	s0 =	sor.u32 s1, s0  }
0xbc: {  	s0 =	sadd.s32 $0x8F2B, s0  }
0xbd: {  	[sflag:s0] =	ssyncadd.remote.s32 $0x1  }
0xbe: {  	_ =	sfence.sel $0xFFFF  }
0xbf: {  	[dreg:$0x0] =	wrdreg $0xFFFFFFFF;
	(pc) =	sbr.abs _section_cstart, $3  }
0xc0: {  	[dreg:$0x1] =	wrdreg $0xFFFFFFFF  }
0xc1: {  	_ =	task.clear_ibuf [dreg:s7], $0x2FFFF;
	_ =	strace $0x9FFFFFFF  }
0xc2: {  	(tm) =	ssettm $0x7FFFFFFF  }
0xc3: {  	_ =	shalt  }
tec
execute0_lowered:
.L_overlay_start_1:
0x0: {  	(tag) =	ssettag $0x1  }
0x1: {  	s0 =	rddreg [dreg:$0x0]  }
0x2: {  	s2 =	rddreg [dreg:$0x1]  }
0x3: {  	s1 =	simm.s32 $0x0;
	s4 =	srdreg.scid;
	s6 =	stileid.u32  }
0x4: {  	s14 =	simm.s32 $0x2;
	s15 =	simm.s32 $0x2080;
	s16 =	simm.s32 $0xC880  }
0x5: {  	s17 =	simm.s32 $0xD080;
	s18 =	simm.s32 $0xD880;
	s19 =	simm.s32 $0xE080  }
0x6: {  	s20 =	simm.s32 $0xE880;
	s21 =	simm.s32 $0xF880;
	s22 =	simm.s32 $0x10880  }
0x7: {  	s12 =	simm.s32 $0x11080;
	s13 =	simm.s32 $0x1;
	[smem:$0x7FF] =	sst s1  }
0x8: {  	s3 =	sadd.s32 $0x121A00, s0;
	s4 =	sand.u32 $0x1, s4;
	s5 =	sadd.s32 $0x1600, s0  }
0x9: {  	s6 =	sshll.u32 s6, $0x8;
	s9 =	sadd.s32 $0x1800, s0;
	s7 =	sshll.u32 s4, $0x7  }
0xa: {  	_ =	strace $0x80000050;
	s4 =	ssub.s32 $0x2, s4;
	s10 =	sor.u32 s7, s6  }
0xb: {  	s23 =	sshrl.u32 s4, $0x1;
	s6 =	sadd.s32 $0x121B00, s0;
	s7 =	sshrl.u32 s10, $0x3  }
0xc: {  	s8 =	sshll.u32 s10, $0x4;
	s4 =	ssub.s32 s4, s23;
	s11 =	sshll.u32 s10, $0x7  }
0xd: {  	s28 =	sor.u32 $0x40, s10;
	s23 =	simm.s32 $0x11880;
	s24 =	sadd.s32 s5, s7  }
0xe: {  	s25 =	sadd.s32 s9, s8;
	s7 =	sadd.s32 $0x121C00, s0;
	s8 =	sadd.s32 $0x121D00, s0  }
0xf: {  	s26 =	sadd.s32 s2, s11;
	s10 =	sshrl.u32 s28, $0x3;
	[dreg:$0x3] =	wrdreg s24  }
0x10: {  	s29 =	sshll.u32 s28, $0x4;
	s0 =	sshll.u32 s28, $0x7;
	[dreg:$0x4] =	wrdreg s25  }
0x11: {  	s31 =	smax.u32 s4, $0x1;
	s4 =	simm.s32 $0xB080;
	[dreg:$0x5] =	wrdreg s26  }
0x12: {  	s11 =	simm.s32 $0x10080;
	s5 =	sadd.s32 s5, s10;
	[dreg:$0x9] =	wrdreg s31  }
0x13: {  	v2 =	vlaneseq.u32;
	s30 =	sadd.s32 s9, s29;
	s0 =	sadd.s32 s2, s0;
	[dreg:$0x6] =	wrdreg s5  }
0x14: {  	vm0 =	vmmov $0xffff;
	v1 =	vshrl.u32 v2, $0x3;
	s9 =	simm.s32 $0xC080;
	s10 =	simm.s32 $0xF080;
	[dreg:$0x7] =	wrdreg s30  }
0x15: {  	v0 =	vand.u32 $0x7, v2;
	v2 =	vor.u32 $0x8, v2;
	v1 =	vmul.u32 $0x8, v1;
	s24 =	simm.s32 $0x0;
	[dreg:$0x8] =	wrdreg s0;
	s5 =	simm.s32 $0xB880  }
.LBB2_1:
0x16: {  	s0 =	rddreg [dreg:$0x3]  }
0x17: {  	[tilespmem:s1], [sflag:$0x2] =	stream.linear.gather [hbm4b:s0+s1], $0x40, $0x38;
	[tilespmem:$0x12080] =	vst v63  }
0x18: {  	_ =	swait.ge [sflag:s14], $0x40  }
0x19: {  	[sflag:s14] =	ssyncset.done $0x0  }
0x1a: {  	s25 =	simm.s32 $0x80;
	s2 =	rddreg [dreg:$0x4];
	[sflag:s14] =	ssyncadd.s32 $0xFFFFFFC0  }
0x1b: {  	[tilespmem:s25], [sflag:$0x2] =	stream.linear.gather [hbm4b:s2+s1], $0x2000, $0x38;
	[tilespmem:$0x12080] =	vst v63  }
0x1c: {  	_ =	swait.ge [sflag:s14], $0x2000  }
0x1d: {  	[sflag:s14] =	ssyncset.done $0x0  }
0x1e: {  	[sflag:s14] =	ssyncadd.s32 $0xFFFFE000  }
0x1f: {  	v3 =	vld [tilespmem:$0x0];
	_ =	sdelay $0x4  }
0x20: {  	v4 =	vshll.u32 v3, $0x3  }
0x21: {  	v3 =	vand.u32 $0x7, v3;
	v4 =	vand.u32 $0xFFFFFFC0, v4  }
0x22: {  	v3 =	vor.u32 v3, v4  }
0x23: {  	v4 =	vperm.xlane v3, v0;
	_ =	sdelay $0x1  }
0x24: {  	v4 =	vadd.s32 v1, v4;
	_ =	sdelay $0x4  }
0x25: {  	[tilespmem:s15], [sflag:$0x1] =	stream.indirect_vreg.gather [hbm4b:s3+s1], $0x80, v4, vm0, $0xb8;
	[tilespmem:$0x12080] =	vst v63  }
0x26: {  	s26 =	simm.s32 $0x2880;
	v3 =	vperm.xlane v3, v2  }
0x27: {  	[tilespmem:s26], [sflag:$0x1] =	stream.indirect_vreg.gather [hbm4b:s6+s1], $0x80, v4, vm0, $0xb8;
	[tilespmem:$0x12080] =	vst v63  }
0x28: {  	s31 =	simm.s32 $0x3080;
	v3 =	vadd.s32 v1, v3  }
0x29: {  	[tilespmem:s31], [sflag:$0x1] =	stream.indirect_vreg.gather [hbm4b:s7+s1], $0x80, v4, vm0, $0xb8;
	[tilespmem:$0x12080] =	vst v63  }
0x2a: {  	s2 =	simm.s32 $0x3880  }
0x2b: {  	[tilespmem:s2], [sflag:$0x1] =	stream.indirect_vreg.gather [hbm4b:s8+s1], $0x80, v4, vm0, $0xb8;
	[tilespmem:$0x12080] =	vst v63  }
0x2c: {  	s26 =	simm.s32 $0x4080  }
0x2d: {  	[tilespmem:s26], [sflag:$0x1] =	stream.indirect_vreg.gather [hbm4b:s3+s1], $0x80, v3, vm0, $0xb8;
	[tilespmem:$0x12080] =	vst v63  }
0x2e: {  	s31 =	simm.s32 $0x4880  }
0x2f: {  	[tilespmem:s31], [sflag:$0x1] =	stream.indirect_vreg.gather [hbm4b:s6+s1], $0x80, v3, vm0, $0xb8;
	[tilespmem:$0x12080] =	vst v63  }
0x30: {  	s2 =	simm.s32 $0x5080  }
0x31: {  	[tilespmem:s2], [sflag:$0x1] =	stream.indirect_vreg.gather [hbm4b:s7+s1], $0x80, v3, vm0, $0xb8;
	[tilespmem:$0x12080] =	vst v63  }
0x32: {  	s26 =	simm.s32 $0x5880  }
0x33: {  	[tilespmem:s26], [sflag:$0x1] =	stream.indirect_vreg.gather [hbm4b:s8+s1], $0x80, v3, vm0, $0xb8;
	[tilespmem:$0x12080] =	vst v63  }
0x34: {  	v3 =	vld [tilespmem:$0x10];
	_ =	sdelay $0x4  }
0x35: {  	v61 =	vshll.u32 v3, $0x3  }
0x36: {  	v3 =	vand.u32 $0x7, v3;
	v4 =	vand.u32 $0xFFFFFFC0, v61  }
0x37: {  	v3 =	vor.u32 v3, v4  }
0x38: {  	v4 =	vperm.xlane v3, v0;
	_ =	sdelay $0x1  }
0x39: {  	v4 =	vadd.s32 v1, v4;
	_ =	sdelay $0x3  }
0x3a: {  	s31 =	simm.s32 $0x6080  }
0x3b: {  	[tilespmem:s31], [sflag:$0x1] =	stream.indirect_vreg.gather [hbm4b:s3+s1], $0x80, v4, vm0, $0xb8;
	[tilespmem:$0x12080] =	vst v63  }
0x3c: {  	s2 =	simm.s32 $0x6880;
	v3 =	vperm.xlane v3, v2  }
0x3d: {  	[tilespmem:s2], [sflag:$0x1] =	stream.indirect_vreg.gather [hbm4b:s6+s1], $0x80, v4, vm0, $0xb8;
	[tilespmem:$0x12080] =	vst v63  }
0x3e: {  	s26 =	simm.s32 $0x7080;
	v3 =	vadd.s32 v1, v3  }
0x3f: {  	[tilespmem:s26], [sflag:$0x1] =	stream.indirect_vreg.gather [hbm4b:s7+s1], $0x80, v4, vm0, $0xb8;
	[tilespmem:$0x12080] =	vst v63  }
0x40: {  	s31 =	simm.s32 $0x7880  }
0x41: {  	[tilespmem:s31], [sflag:$0x1] =	stream.indirect_vreg.gather [hbm4b:s8+s1], $0x80, v4, vm0, $0xb8;
	[tilespmem:$0x12080] =	vst v63  }
0x42: {  	s2 =	simm.s32 $0x8080  }
0x43: {  	[tilespmem:s2], [sflag:$0x1] =	stream.indirect_vreg.gather [hbm4b:s3+s1], $0x80, v3, vm0, $0xb8;
	[tilespmem:$0x12080] =	vst v63  }
0x44: {  	s26 =	simm.s32 $0x8880  }
0x45: {  	[tilespmem:s26], [sflag:$0x1] =	stream.indirect_vreg.gather [hbm4b:s6+s1], $0x80, v3, vm0, $0xb8;
	[tilespmem:$0x12080] =	vst v63  }
0x46: {  	s31 =	simm.s32 $0x9080  }
0x47: {  	[tilespmem:s31], [sflag:$0x1] =	stream.indirect_vreg.gather [hbm4b:s7+s1], $0x80, v3, vm0, $0xb8;
	[tilespmem:$0x12080] =	vst v63  }
0x48: {  	s2 =	simm.s32 $0x9880  }
0x49: {  	[tilespmem:s2], [sflag:$0x1] =	stream.indirect_vreg.gather [hbm4b:s8+s1], $0x80, v3, vm0, $0xb8;
	[tilespmem:$0x12080] =	vst v63  }
0x4a: {  	v3 =	vld [tilespmem:$0x20];
	_ =	sdelay $0x4  }
0x4b: {  	v62 =	vshll.u32 v3, $0x3  }
0x4c: {  	v3 =	vand.u32 $0x7, v3;
	v4 =	vand.u32 $0xFFFFFFC0, v62  }
0x4d: {  	v3 =	vor.u32 v3, v4  }
0x4e: {  	v4 =	vperm.xlane v3, v0;
	_ =	sdelay $0x1  }
0x4f: {  	v4 =	vadd.s32 v1, v4;
	_ =	sdelay $0x3  }
0x50: {  	s26 =	simm.s32 $0xA080  }
0x51: {  	[tilespmem:s26], [sflag:$0x1] =	stream.indirect_vreg.gather [hbm4b:s3+s1], $0x80, v4, vm0, $0xb8;
	[tilespmem:$0x12080] =	vst v63  }
0x52: {  	s31 =	simm.s32 $0xA880;
	v3 =	vperm.xlane v3, v2  }
0x53: {  	[tilespmem:s31], [sflag:$0x1] =	stream.indirect_vreg.gather [hbm4b:s6+s1], $0x80, v4, vm0, $0xb8;
	[tilespmem:$0x12080] =	vst v63  }
0x54: {  	v3 =	vadd.s32 v1, v3  }
0x55: {  	[tilespmem:s4], [sflag:$0x1] =	stream.indirect_vreg.gather [hbm4b:s7+s1], $0x80, v4, vm0, $0xb8;
	[tilespmem:$0x12080] =	vst v63  }
0x56: {  	_ = 	snop  }
0x57: {  	[tilespmem:s5], [sflag:$0x1] =	stream.indirect_vreg.gather [hbm4b:s8+s1], $0x80, v4, vm0, $0xb8;
	[tilespmem:$0x12080] =	vst v63  }
0x58: {  	_ = 	snop  }
0x59: {  	[tilespmem:s9], [sflag:$0x1] =	stream.indirect_vreg.gather [hbm4b:s3+s1], $0x80, v3, vm0, $0xb8;
	[tilespmem:$0x12080] =	vst v63  }
0x5a: {  	_ = 	snop  }
0x5b: {  	[tilespmem:s16], [sflag:$0x1] =	stream.indirect_vreg.gather [hbm4b:s6+s1], $0x80, v3, vm0, $0xb8;
	[tilespmem:$0x12080] =	vst v63  }
0x5c: {  	_ = 	snop  }
0x5d: {  	[tilespmem:s17], [sflag:$0x1] =	stream.indirect_vreg.gather [hbm4b:s7+s1], $0x80, v3, vm0, $0xb8;
	[tilespmem:$0x12080] =	vst v63  }
0x5e: {  	_ = 	snop  }
0x5f: {  	[tilespmem:s18], [sflag:$0x1] =	stream.indirect_vreg.gather [hbm4b:s8+s1], $0x80, v3, vm0, $0xb8;
	[tilespmem:$0x12080] =	vst v63  }
0x60: {  	v3 =	vld [tilespmem:$0x30];
	_ =	sdelay $0x4  }
0x61: {  	v63 =	vshll.u32 v3, $0x3  }
0x62: {  	v3 =	vand.u32 $0x7, v3;
	v4 =	vand.u32 $0xFFFFFFC0, v63  }
0x63: {  	v3 =	vor.u32 v3, v4  }
0x64: {  	v4 =	vperm.xlane v3, v0;
	_ =	sdelay $0x1  }
0x65: {  	v4 =	vadd.s32 v1, v4;
	_ =	sdelay $0x4  }
0x66: {  	[tilespmem:s19], [sflag:$0x1] =	stream.indirect_vreg.gather [hbm4b:s3+s1], $0x80, v4, vm0, $0xb8;
	[tilespmem:$0x12080] =	vst v63  }
0x67: {  	v3 =	vperm.xlane v3, v2  }
0x68: {  	[tilespmem:s20], [sflag:$0x1] =	stream.indirect_vreg.gather [hbm4b:s6+s1], $0x80, v4, vm0, $0xb8;
	[tilespmem:$0x12080] =	vst v63  }
0x69: {  	v3 =	vadd.s32 v1, v3  }
0x6a: {  	[tilespmem:s10], [sflag:$0x1] =	stream.indirect_vreg.gather [hbm4b:s7+s1], $0x80, v4, vm0, $0xb8;
	[tilespmem:$0x12080] =	vst v63  }
0x6b: {  	_ = 	snop  }
0x6c: {  	[tilespmem:s21], [sflag:$0x1] =	stream.indirect_vreg.gather [hbm4b:s8+s1], $0x80, v4, vm0, $0xb8;
	[tilespmem:$0x12080] =	vst v63  }
0x6d: {  	_ = 	snop  }
0x6e: {  	[tilespmem:s11], [sflag:$0x1] =	stream.indirect_vreg.gather [hbm4b:s3+s1], $0x80, v3, vm0, $0xb8;
	[tilespmem:$0x12080] =	vst v63  }
0x6f: {  	_ = 	snop  }
0x70: {  	[tilespmem:s22], [sflag:$0x1] =	stream.indirect_vreg.gather [hbm4b:s6+s1], $0x80, v3, vm0, $0xb8;
	[tilespmem:$0x12080] =	vst v63  }
0x71: {  	_ = 	snop  }
0x72: {  	[tilespmem:s12], [sflag:$0x1] =	stream.indirect_vreg.gather [hbm4b:s7+s1], $0x80, v3, vm0, $0xb8;
	[tilespmem:$0x12080] =	vst v63  }
0x73: {  	_ = 	snop  }
0x74: {  	[tilespmem:s23], [sflag:$0x1] =	stream.indirect_vreg.gather [hbm4b:s8+s1], $0x80, v3, vm0, $0xb8;
	[tilespmem:$0x12080] =	vst v63  }
0x75: {  	_ =	swait.ge [sflag:s13], $0x10000  }
0x76: {  	s28 =	simm.s32 $0x0;
	s29 =	simm.s32 $0x0;
	[sflag:s13] =	ssyncset.done $0x0  }
0x77: {  	s30 =	simm.s32 $0x0;
	s26 =	simm.s32 $0xFFFF0000;
	[sflag:s13] =	ssyncadd.s32 $0xFFFF0000  }
.LBB2_2:
0x78: {  	s31 =	sadd.s32 $0x10000, s26  }
0x79: {  	s0 =	sand.u32 $0x380, s30;
	s31 =	sand.u32 $0xE000, s31  }
0x7a: {  	v3 =	vld [tilespmem:s25+$0x0];
	s31 =	sor.u32 s0, s31  }
0x7b: {  	v4 =	vld [tilespmem:s31+$0x2080]  }
0x7c: {  	v5 =	vld [tilespmem:s31+$0x2090]  }
0x7d: {  	v6 =	vld [tilespmem:s31+$0x20A0]  }
0x7e: {  	v7 =	vld [tilespmem:s31+$0x20B0]  }
0x7f: {  	v8 =	vld [tilespmem:s31+$0x20D0]  }
0x80: {  	v9 =	vld [tilespmem:s31+$0x20E0];
	v4 =	vmul.f32 v4, v3  }
0x81: {  	v10 =	vld [tilespmem:s31+$0x20F0];
	v5 =	vmul.f32 v5, v3  }
0x82: {  	v19 =	vld [tilespmem:s31+$0x2480];
	v18 =	vmul.f32 v6, v3;
	[tilespmem:s31+$0x2080] =	vst v4  }
0x83: {  	v21 =	vld [tilespmem:s31+$0x2490];
	v20 =	vmul.f32 v7, v3;
	[tilespmem:s31+$0x2090] =	vst v5  }
0x84: {  	v23 =	vld [tilespmem:s31+$0x24A0];
	v22 =	vmul.f32 v8, v3;
	[tilespmem:s31+$0x20A0] =	vst v18  }
0x85: {  	v25 =	vld [tilespmem:s31+$0x24B0];
	v24 =	vmul.f32 v9, v3;
	[tilespmem:s31+$0x20B0] =	vst v20  }
0x86: {  	v27 =	vld [tilespmem:s31+$0x24D0];
	v26 =	vmul.f32 v10, v3;
	[tilespmem:s31+$0x20D0] =	vst v22  }
0x87: {  	v29 =	vld [tilespmem:s31+$0x24E0];
	v28 =	vmul.f32 v19, v3;
	[tilespmem:s31+$0x20E0] =	vst v24  }
0x88: {  	v31 =	vld [tilespmem:s31+$0x24F0];
	v30 =	vmul.f32 v21, v3;
	[tilespmem:s31+$0x20F0] =	vst v26  }
0x89: {  	v33 =	vld [tilespmem:s31+$0x2880];
	v32 =	vmul.f32 v23, v3;
	[tilespmem:s31+$0x2480] =	vst v28  }
0x8a: {  	v35 =	vld [tilespmem:s31+$0x2890];
	v34 =	vmul.f32 v25, v3;
	[tilespmem:s31+$0x2490] =	vst v30  }
0x8b: {  	v37 =	vld [tilespmem:s31+$0x28A0];
	v36 =	vmul.f32 v27, v3;
	[tilespmem:s31+$0x24A0] =	vst v32  }
0x8c: {  	v39 =	vld [tilespmem:s31+$0x28B0];
	v38 =	vmul.f32 v29, v3;
	[tilespmem:s31+$0x24B0] =	vst v34  }
0x8d: {  	v41 =	vld [tilespmem:s31+$0x28D0];
	v40 =	vmul.f32 v31, v3;
	[tilespmem:s31+$0x24D0] =	vst v36  }
0x8e: {  	v43 =	vld [tilespmem:s31+$0x28E0];
	v42 =	vmul.f32 v33, v3;
	[tilespmem:s31+$0x24E0] =	vst v38  }
0x8f: {  	v45 =	vld [tilespmem:s31+$0x28F0];
	v44 =	vmul.f32 v35, v3;
	[tilespmem:s31+$0x24F0] =	vst v40  }
0x90: {  	v47 =	vld [tilespmem:s31+$0x2C80];
	v46 =	vmul.f32 v37, v3;
	[tilespmem:s31+$0x2880] =	vst v42  }
0x91: {  	v49 =	vld [tilespmem:s31+$0x2C90];
	v48 =	vmul.f32 v39, v3;
	[tilespmem:s31+$0x2890] =	vst v44  }
0x92: {  	v51 =	vld [tilespmem:s31+$0x2CA0];
	v50 =	vmul.f32 v41, v3;
	[tilespmem:s31+$0x28A0] =	vst v46  }
0x93: {  	v53 =	vld [tilespmem:s31+$0x2CB0];
	v52 =	vmul.f32 v43, v3;
	[tilespmem:s31+$0x28B0] =	vst v48  }
0x94: {  	v55 =	vld [tilespmem:s31+$0x2CD0];
	v54 =	vmul.f32 v45, v3;
	[tilespmem:s31+$0x28D0] =	vst v50  }
0x95: {  	v57 =	vld [tilespmem:s31+$0x2CE0];
	v56 =	vmul.f32 v47, v3;
	[tilespmem:s31+$0x28E0] =	vst v52  }
0x96: {  	v59 =	vld [tilespmem:s31+$0x2CF0];
	v58 =	vmul.f32 v49, v3;
	[tilespmem:s31+$0x28F0] =	vst v54  }
0x97: {  	v61 =	vld [tilespmem:s31+$0x3080];
	v60 =	vmul.f32 v51, v3;
	[tilespmem:s31+$0x2C80] =	vst v56  }
0x98: {  	v63 =	vld [tilespmem:s31+$0x3090];
	v62 =	vmul.f32 v53, v3;
	[tilespmem:s31+$0x2C90] =	vst v58  }
0x99: {  	v13 =	vld [tilespmem:s31+$0x30A0];
	v12 =	vmul.f32 v55, v3;
	[tilespmem:s31+$0x2CA0] =	vst v60  }
0x9a: {  	v15 =	vld [tilespmem:s31+$0x30B0];
	v14 =	vmul.f32 v57, v3;
	[tilespmem:s31+$0x2CB0] =	vst v62  }
0x9b: {  	v17 =	vld [tilespmem:s31+$0x30D0];
	v16 =	vmul.f32 v59, v3;
	[tilespmem:s31+$0x2CD0] =	vst v12  }
0x9c: {  	v19 =	vld [tilespmem:s31+$0x30E0];
	[tilespmem:s31+$0x2CE0] =	vst v14;
	v18 =	vmul.f32 v61, v3  }
0x9d: {  	v21 =	vld [tilespmem:s31+$0x30F0];
	[tilespmem:s31+$0x2CF0] =	vst v16;
	v20 =	vmul.f32 v63, v3  }
0x9e: {  	v23 =	vld [tilespmem:s31+$0x3480];
	v22 =	vmul.f32 v13, v3;
	[tilespmem:s31+$0x3080] =	vst v18  }
0x9f: {  	v25 =	vld [tilespmem:s31+$0x3490];
	v24 =	vmul.f32 v15, v3;
	[tilespmem:s31+$0x3090] =	vst v20  }
0xa0: {  	v27 =	vld [tilespmem:s31+$0x34A0];
	v26 =	vmul.f32 v17, v3;
	[tilespmem:s31+$0x30A0] =	vst v22  }
0xa1: {  	v29 =	vld [tilespmem:s31+$0x34B0];
	[tilespmem:s31+$0x30B0] =	vst v24;
	v28 =	vmul.f32 v19, v3  }
0xa2: {  	v31 =	vld [tilespmem:s31+$0x34D0];
	[tilespmem:s31+$0x30D0] =	vst v26;
	v30 =	vmul.f32 v21, v3  }
0xa3: {  	v33 =	vld [tilespmem:s31+$0x34E0];
	v32 =	vmul.f32 v23, v3;
	[tilespmem:s31+$0x30E0] =	vst v28  }
0xa4: {  	v35 =	vld [tilespmem:s31+$0x34F0];
	v34 =	vmul.f32 v25, v3;
	[tilespmem:s31+$0x30F0] =	vst v30  }
0xa5: {  	v37 =	vld [tilespmem:s31+$0x3880];
	v36 =	vmul.f32 v27, v3;
	[tilespmem:s31+$0x3480] =	vst v32  }
0xa6: {  	v39 =	vld [tilespmem:s31+$0x3890];
	v38 =	vmul.f32 v29, v3;
	[tilespmem:s31+$0x3490] =	vst v34  }
0xa7: {  	v41 =	vld [tilespmem:s31+$0x38A0];
	v40 =	vmul.f32 v31, v3;
	[tilespmem:s31+$0x34A0] =	vst v36  }
0xa8: {  	v43 =	vld [tilespmem:s31+$0x38B0];
	v42 =	vmul.f32 v33, v3;
	[tilespmem:s31+$0x34B0] =	vst v38  }
0xa9: {  	v45 =	vld [tilespmem:s31+$0x38D0];
	v44 =	vmul.f32 v35, v3;
	[tilespmem:s31+$0x34D0] =	vst v40  }
0xaa: {  	v47 =	vld [tilespmem:s31+$0x38E0];
	v46 =	vmul.f32 v37, v3;
	[tilespmem:s31+$0x34E0] =	vst v42  }
0xab: {  	v49 =	vld [tilespmem:s31+$0x38F0];
	v48 =	vmul.f32 v39, v3;
	[tilespmem:s31+$0x34F0] =	vst v44  }
0xac: {  	v51 =	vld [tilespmem:s31+$0x24C0];
	v8 =	vmul.f32 v41, v3;
	[tilespmem:s31+$0x3880] =	vst v46  }
0xad: {  	v53 =	vld [tilespmem:s31+$0x2CC0];
	v9 =	vmul.f32 v43, v3;
	[tilespmem:s31+$0x3890] =	vst v48  }
0xae: {  	v55 =	vld [tilespmem:s31+$0x34C0];
	v10 =	vmul.f32 v45, v3;
	[tilespmem:s31+$0x38A0] =	vst v8  }
0xaf: {  	s2 =	sand.u32 $0x7, s28;
	v50 =	vld [tilespmem:s31+$0x20C0];
	v6 =	vmul.f32 v47, v3;
	[tilespmem:s31+$0x38B0] =	vst v9  }
0xb0: {  	s0 =	sshll.u32 s2, $0x7;
	v52 =	vld [tilespmem:s31+$0x28C0];
	v7 =	vmul.f32 v49, v3;
	[tilespmem:s31+$0x38D0] =	vst v10  }
0xb1: {  	s0 =	sadd.s32 s0, s29;
	v54 =	vld [tilespmem:s31+$0x30C0];
	v5 =	vmul.f32 v51, v3;
	[tilespmem:s31+$0x38E0] =	vst v6  }
0xb2: {  	s2 =	sor.u32 $0x1C00, s0;
	v56 =	vld [tilespmem:s31+$0x38C0];
	v59 =	vmul.f32 v53, v3;
	[tilespmem:s31+$0x38F0] =	vst v7  }
0xb3: {  	v61 =	vmul.f32 v55, v3;
	[tilespmem:s31+$0x24C0] =	vst v5;
	v58 =	vld [tilespmem:s2+$0x2080]  }
0xb4: {  	v4 =	vmul.f32 v50, v3;
	[tilespmem:s31+$0x2CC0] =	vst v59  }
0xb5: {  	v57 =	vmul.f32 v52, v3;
	[tilespmem:s31+$0x34C0] =	vst v61  }
0xb6: {  	v60 =	vmul.f32 v54, v3;
	[tilespmem:s31+$0x20C0] =	vst v4  }
0xb7: {  	v62 =	vmul.f32 v56, v3;
	[tilespmem:s31+$0x28C0] =	vst v57  }
0xb8: {  	[tilespmem:s31+$0x30C0] =	vst v60;
	v63 =	vmul.f32 v58, v3  }
0xb9: {  	[tilespmem:s31+$0x38C0] =	vst v62  }
0xba: {  	s31 =	sor.u32 $0x1C10, s0;
	[tilespmem:s2+$0x2080] =	vst v63  }
0xbb: {  	v4 =	vld [tilespmem:s31+$0x2080];
	_ =	sdelay $0x4  }
0xbc: {  	v4 =	vmul.f32 v4, v3;
	_ =	sdelay $0x1  }
0xbd: {  	[tilespmem:s31+$0x2080] =	vst v4;
	s31 =	sor.u32 $0x1C20, s0  }
0xbe: {  	v4 =	vld [tilespmem:s31+$0x2080];
	_ =	sdelay $0x4  }
0xbf: {  	v4 =	vmul.f32 v4, v3;
	_ =	sdelay $0x1  }
0xc0: {  	[tilespmem:s31+$0x2080] =	vst v4;
	s31 =	sor.u32 $0x1C30, s0  }
0xc1: {  	v4 =	vld [tilespmem:s31+$0x2080];
	_ =	sdelay $0x4  }
0xc2: {  	v4 =	vmul.f32 v4, v3;
	_ =	sdelay $0x1  }
0xc3: {  	[tilespmem:s31+$0x2080] =	vst v4;
	s31 =	sor.u32 $0x1C40, s0  }
0xc4: {  	v4 =	vld [tilespmem:s31+$0x2080];
	_ =	sdelay $0x4  }
0xc5: {  	v4 =	vmul.f32 v4, v3;
	_ =	sdelay $0x1  }
0xc6: {  	[tilespmem:s31+$0x2080] =	vst v4;
	s31 =	sor.u32 $0x1C50, s0  }
0xc7: {  	v4 =	vld [tilespmem:s31+$0x2080];
	_ =	sdelay $0x4  }
0xc8: {  	v4 =	vmul.f32 v4, v3;
	_ =	sdelay $0x1  }
0xc9: {  	[tilespmem:s31+$0x2080] =	vst v4;
	s31 =	sor.u32 $0x1C60, s0  }
0xca: {  	v4 =	vld [tilespmem:s31+$0x2080];
	_ =	sdelay $0x4  }
0xcb: {  	v4 =	vmul.f32 v4, v3;
	_ =	sdelay $0x1  }
0xcc: {  	s0 =	sor.u32 $0x1C70, s0;
	[tilespmem:s31+$0x2080] =	vst v4  }
0xcd: {  	v4 =	vld [tilespmem:s0+$0x2080];
	_ =	sdelay $0x1  }
0xce: {  	p0 =	sne.s32 s30, $0x1F80  }
.Ltmp0:
0xcf: {  	_ = 	snop;
	(pc) =	sbr.rel @p0 .LBB2_2-.Ltmp0, $4  }
0xd0: {  	_ = 	snop  }
0xd1: {  	v3 =	vmul.f32 v4, v3  }
0xd2: {  	s28 =	sadd.s32 $0x1, s28;
	s26 =	sadd.s32 $0x400, s26  }
0xd3: {  	s25 =	sadd.s32 $0x80, s25;
	s30 =	sadd.s32 $0x80, s30;
	s29 =	sadd.s32 $0x400, s29;
	[tilespmem:s0+$0x2080] =	vst v3  }
0xd4: {  	s25 =	simm.s32 $0x0;
	s0 =	rddreg [dreg:$0x5]  }
0xd5: {  	[hbm4b:s0+s25] =	stream.linear.scatter [tilespmem:s15], [sflag:$0x2], $0x10000, $0x38;
	[tilespmem:$0x12080] =	vst v63  }
0xd6: {  	_ =	swait.ge [sflag:s14], $0x10000  }
0xd7: {  	[sflag:s14] =	ssyncset.done $0x0  }
0xd8: {  	s31 =	rddreg [dreg:$0x6];
	[sflag:s14] =	ssyncadd.s32 $0xFFFF0000  }
0xd9: {  	[tilespmem:s25], [sflag:$0x2] =	stream.linear.gather [hbm4b:s31+s25], $0x40, $0x38;
	[tilespmem:$0x12080] =	vst v63  }
0xda: {  	_ =	swait.ge [sflag:s14], $0x40  }
0xdb: {  	[sflag:s14] =	ssyncset.done $0x0  }
0xdc: {  	s26 =	simm.s32 $0x80;
	s2 =	rddreg [dreg:$0x7];
	[sflag:s14] =	ssyncadd.s32 $0xFFFFFFC0  }
0xdd: {  	[tilespmem:s26], [sflag:$0x2] =	stream.linear.gather [hbm4b:s2+s25], $0x2000, $0x38;
	[tilespmem:$0x12080] =	vst v63  }
0xde: {  	_ =	swait.ge [sflag:s14], $0x2000  }
0xdf: {  	[sflag:s14] =	ssyncset.done $0x0  }
0xe0: {  	[sflag:s14] =	ssyncadd.s32 $0xFFFFE000  }
0xe1: {  	v3 =	vld [tilespmem:$0x0];
	_ =	sdelay $0x4  }
0xe2: {  	v4 =	vshll.u32 v3, $0x3  }
0xe3: {  	v3 =	vand.u32 $0x7, v3;
	v4 =	vand.u32 $0xFFFFFFC0, v4  }
0xe4: {  	v3 =	vor.u32 v3, v4  }
0xe5: {  	v4 =	vperm.xlane v3, v0;
	_ =	sdelay $0x1  }
0xe6: {  	v4 =	vadd.s32 v1, v4;
	_ =	sdelay $0x4  }
0xe7: {  	[tilespmem:s15], [sflag:$0x1] =	stream.indirect_vreg.gather [hbm4b:s3+s25], $0x80, v4, vm0, $0xb8;
	[tilespmem:$0x12080] =	vst v63  }
0xe8: {  	s31 =	simm.s32 $0x2880;
	v3 =	vperm.xlane v3, v2  }
0xe9: {  	[tilespmem:s31], [sflag:$0x1] =	stream.indirect_vreg.gather [hbm4b:s6+s25], $0x80, v4, vm0, $0xb8;
	[tilespmem:$0x12080] =	vst v63  }
0xea: {  	s2 =	simm.s32 $0x3080;
	v3 =	vadd.s32 v1, v3  }
0xeb: {  	[tilespmem:s2], [sflag:$0x1] =	stream.indirect_vreg.gather [hbm4b:s7+s25], $0x80, v4, vm0, $0xb8;
	[tilespmem:$0x12080] =	vst v63  }
0xec: {  	s31 =	simm.s32 $0x3880  }
0xed: {  	[tilespmem:s31], [sflag:$0x1] =	stream.indirect_vreg.gather [hbm4b:s8+s25], $0x80, v4, vm0, $0xb8;
	[tilespmem:$0x12080] =	vst v63  }
0xee: {  	s2 =	simm.s32 $0x4080  }
0xef: {  	[tilespmem:s2], [sflag:$0x1] =	stream.indirect_vreg.gather [hbm4b:s3+s25], $0x80, v3, vm0, $0xb8;
	[tilespmem:$0x12080] =	vst v63  }
0xf0: {  	s31 =	simm.s32 $0x4880  }
0xf1: {  	[tilespmem:s31], [sflag:$0x1] =	stream.indirect_vreg.gather [hbm4b:s6+s25], $0x80, v3, vm0, $0xb8;
	[tilespmem:$0x12080] =	vst v63  }
0xf2: {  	s2 =	simm.s32 $0x5080  }
0xf3: {  	[tilespmem:s2], [sflag:$0x1] =	stream.indirect_vreg.gather [hbm4b:s7+s25], $0x80, v3, vm0, $0xb8;
	[tilespmem:$0x12080] =	vst v63  }
0xf4: {  	s31 =	simm.s32 $0x5880  }
0xf5: {  	[tilespmem:s31], [sflag:$0x1] =	stream.indirect_vreg.gather [hbm4b:s8+s25], $0x80, v3, vm0, $0xb8;
	[tilespmem:$0x12080] =	vst v63  }
0xf6: {  	v3 =	vld [tilespmem:$0x10];
	_ =	sdelay $0x4  }
0xf7: {  	v61 =	vshll.u32 v3, $0x3  }
0xf8: {  	v3 =	vand.u32 $0x7, v3;
	v4 =	vand.u32 $0xFFFFFFC0, v61  }
0xf9: {  	v3 =	vor.u32 v3, v4  }
0xfa: {  	v4 =	vperm.xlane v3, v0;
	_ =	sdelay $0x1  }
0xfb: {  	v4 =	vadd.s32 v1, v4;
	_ =	sdelay $0x3  }
0xfc: {  	s2 =	simm.s32 $0x6080  }
0xfd: {  	[tilespmem:s2], [sflag:$0x1] =	stream.indirect_vreg.gather [hbm4b:s3+s25], $0x80, v4, vm0, $0xb8;
	[tilespmem:$0x12080] =	vst v63  }
0xfe: {  	s31 =	simm.s32 $0x6880;
	v3 =	vperm.xlane v3, v2  }
0xff: {  	[tilespmem:s31], [sflag:$0x1] =	stream.indirect_vreg.gather [hbm4b:s6+s25], $0x80, v4, vm0, $0xb8;
	[tilespmem:$0x12080] =	vst v63  }
0x100: {  	v3 =	vadd.s32 v1, v3;
	s2 =	simm.s32 $0x7080  }
0x101: {  	[tilespmem:s2], [sflag:$0x1] =	stream.indirect_vreg.gather [hbm4b:s7+s25], $0x80, v4, vm0, $0xb8;
	[tilespmem:$0x12080] =	vst v63  }
0x102: {  	s31 =	simm.s32 $0x7880  }
0x103: {  	[tilespmem:s31], [sflag:$0x1] =	stream.indirect_vreg.gather [hbm4b:s8+s25], $0x80, v4, vm0, $0xb8;
	[tilespmem:$0x12080] =	vst v63  }
0x104: {  	s2 =	simm.s32 $0x8080  }
0x105: {  	[tilespmem:s2], [sflag:$0x1] =	stream.indirect_vreg.gather [hbm4b:s3+s25], $0x80, v3, vm0, $0xb8;
	[tilespmem:$0x12080] =	vst v63  }
0x106: {  	s31 =	simm.s32 $0x8880  }
0x107: {  	[tilespmem:s31], [sflag:$0x1] =	stream.indirect_vreg.gather [hbm4b:s6+s25], $0x80, v3, vm0, $0xb8;
	[tilespmem:$0x12080] =	vst v63  }
0x108: {  	s2 =	simm.s32 $0x9080  }
0x109: {  	[tilespmem:s2], [sflag:$0x1] =	stream.indirect_vreg.gather [hbm4b:s7+s25], $0x80, v3, vm0, $0xb8;
	[tilespmem:$0x12080] =	vst v63  }
0x10a: {  	s31 =	simm.s32 $0x9880  }
0x10b: {  	[tilespmem:s31], [sflag:$0x1] =	stream.indirect_vreg.gather [hbm4b:s8+s25], $0x80, v3, vm0, $0xb8;
	[tilespmem:$0x12080] =	vst v63  }
0x10c: {  	v3 =	vld [tilespmem:$0x20];
	_ =	sdelay $0x4  }
0x10d: {  	v62 =	vshll.u32 v3, $0x3  }
0x10e: {  	v3 =	vand.u32 $0x7, v3;
	v4 =	vand.u32 $0xFFFFFFC0, v62  }
0x10f: {  	v3 =	vor.u32 v3, v4  }
0x110: {  	v4 =	vperm.xlane v3, v0;
	_ =	sdelay $0x1  }
0x111: {  	v4 =	vadd.s32 v1, v4;
	_ =	sdelay $0x3  }
0x112: {  	s2 =	simm.s32 $0xA080  }
0x113: {  	[tilespmem:s2], [sflag:$0x1] =	stream.indirect_vreg.gather [hbm4b:s3+s25], $0x80, v4, vm0, $0xb8;
	[tilespmem:$0x12080] =	vst v63  }
0x114: {  	s31 =	simm.s32 $0xA880;
	v3 =	vperm.xlane v3, v2  }
0x115: {  	[tilespmem:s31], [sflag:$0x1] =	stream.indirect_vreg.gather [hbm4b:s6+s25], $0x80, v4, vm0, $0xb8;
	[tilespmem:$0x12080] =	vst v63  }
0x116: {  	v3 =	vadd.s32 v1, v3  }
0x117: {  	[tilespmem:s4], [sflag:$0x1] =	stream.indirect_vreg.gather [hbm4b:s7+s25], $0x80, v4, vm0, $0xb8;
	[tilespmem:$0x12080] =	vst v63  }
0x118: {  	_ = 	snop  }
0x119: {  	[tilespmem:s5], [sflag:$0x1] =	stream.indirect_vreg.gather [hbm4b:s8+s25], $0x80, v4, vm0, $0xb8;
	[tilespmem:$0x12080] =	vst v63  }
0x11a: {  	_ = 	snop  }
0x11b: {  	[tilespmem:s9], [sflag:$0x1] =	stream.indirect_vreg.gather [hbm4b:s3+s25], $0x80, v3, vm0, $0xb8;
	[tilespmem:$0x12080] =	vst v63  }
0x11c: {  	_ = 	snop  }
0x11d: {  	[tilespmem:s16], [sflag:$0x1] =	stream.indirect_vreg.gather [hbm4b:s6+s25], $0x80, v3, vm0, $0xb8;
	[tilespmem:$0x12080] =	vst v63  }
0x11e: {  	_ = 	snop  }
0x11f: {  	[tilespmem:s17], [sflag:$0x1] =	stream.indirect_vreg.gather [hbm4b:s7+s25], $0x80, v3, vm0, $0xb8;
	[tilespmem:$0x12080] =	vst v63  }
0x120: {  	_ = 	snop  }
0x121: {  	[tilespmem:s18], [sflag:$0x1] =	stream.indirect_vreg.gather [hbm4b:s8+s25], $0x80, v3, vm0, $0xb8;
	[tilespmem:$0x12080] =	vst v63  }
0x122: {  	v3 =	vld [tilespmem:$0x30];
	_ =	sdelay $0x4  }
0x123: {  	v63 =	vshll.u32 v3, $0x3  }
0x124: {  	v3 =	vand.u32 $0x7, v3;
	v4 =	vand.u32 $0xFFFFFFC0, v63  }
0x125: {  	v3 =	vor.u32 v3, v4  }
0x126: {  	v4 =	vperm.xlane v3, v0;
	_ =	sdelay $0x1  }
0x127: {  	v4 =	vadd.s32 v1, v4;
	_ =	sdelay $0x4  }
0x128: {  	[tilespmem:s19], [sflag:$0x1] =	stream.indirect_vreg.gather [hbm4b:s3+s25], $0x80, v4, vm0, $0xb8;
	[tilespmem:$0x12080] =	vst v63  }
0x129: {  	v3 =	vperm.xlane v3, v2  }
0x12a: {  	[tilespmem:s20], [sflag:$0x1] =	stream.indirect_vreg.gather [hbm4b:s6+s25], $0x80, v4, vm0, $0xb8;
	[tilespmem:$0x12080] =	vst v63  }
0x12b: {  	v3 =	vadd.s32 v1, v3  }
0x12c: {  	[tilespmem:s10], [sflag:$0x1] =	stream.indirect_vreg.gather [hbm4b:s7+s25], $0x80, v4, vm0, $0xb8;
	[tilespmem:$0x12080] =	vst v63  }
0x12d: {  	_ = 	snop  }
0x12e: {  	[tilespmem:s21], [sflag:$0x1] =	stream.indirect_vreg.gather [hbm4b:s8+s25], $0x80, v4, vm0, $0xb8;
	[tilespmem:$0x12080] =	vst v63  }
0x12f: {  	_ = 	snop  }
0x130: {  	[tilespmem:s11], [sflag:$0x1] =	stream.indirect_vreg.gather [hbm4b:s3+s25], $0x80, v3, vm0, $0xb8;
	[tilespmem:$0x12080] =	vst v63  }
0x131: {  	_ = 	snop  }
0x132: {  	[tilespmem:s22], [sflag:$0x1] =	stream.indirect_vreg.gather [hbm4b:s6+s25], $0x80, v3, vm0, $0xb8;
	[tilespmem:$0x12080] =	vst v63  }
0x133: {  	_ = 	snop  }
0x134: {  	[tilespmem:s12], [sflag:$0x1] =	stream.indirect_vreg.gather [hbm4b:s7+s25], $0x80, v3, vm0, $0xb8;
	[tilespmem:$0x12080] =	vst v63  }
0x135: {  	_ = 	snop  }
0x136: {  	[tilespmem:s23], [sflag:$0x1] =	stream.indirect_vreg.gather [hbm4b:s8+s25], $0x80, v3, vm0, $0xb8;
	[tilespmem:$0x12080] =	vst v63  }
0x137: {  	_ =	swait.ge [sflag:s13], $0x10000  }
0x138: {  	s28 =	simm.s32 $0xFFFF0000;
	[sflag:s13] =	ssyncset.done $0x0  }
0x139: {  	s29 =	simm.s32 $0x0;
	s30 =	simm.s32 $0x0;
	[sflag:s13] =	ssyncadd.s32 $0xFFFF0000  }
.LBB2_4:
0x13a: {  	s0 =	sadd.s32 $0x10000, s28  }
0x13b: {  	s2 =	sand.u32 $0x380, s30;
	s0 =	sand.u32 $0xE000, s0  }
0x13c: {  	v3 =	vld [tilespmem:s26+$0x0];
	s31 =	sor.u32 s2, s0  }
0x13d: {  	v4 =	vld [tilespmem:s31+$0x2080]  }
0x13e: {  	v5 =	vld [tilespmem:s31+$0x2090]  }
0x13f: {  	v6 =	vld [tilespmem:s31+$0x20A0]  }
0x140: {  	v7 =	vld [tilespmem:s31+$0x20B0]  }
0x141: {  	v8 =	vld [tilespmem:s31+$0x20D0]  }
0x142: {  	v9 =	vld [tilespmem:s31+$0x20E0];
	v4 =	vmul.f32 v4, v3  }
0x143: {  	v10 =	vld [tilespmem:s31+$0x20F0];
	v5 =	vmul.f32 v5, v3  }
0x144: {  	v19 =	vld [tilespmem:s31+$0x2480];
	v18 =	vmul.f32 v6, v3;
	[tilespmem:s31+$0x2080] =	vst v4  }
0x145: {  	v21 =	vld [tilespmem:s31+$0x2490];
	v20 =	vmul.f32 v7, v3;
	[tilespmem:s31+$0x2090] =	vst v5  }
0x146: {  	v23 =	vld [tilespmem:s31+$0x24A0];
	v22 =	vmul.f32 v8, v3;
	[tilespmem:s31+$0x20A0] =	vst v18  }
0x147: {  	v25 =	vld [tilespmem:s31+$0x24B0];
	v24 =	vmul.f32 v9, v3;
	[tilespmem:s31+$0x20B0] =	vst v20  }
0x148: {  	v27 =	vld [tilespmem:s31+$0x24D0];
	v26 =	vmul.f32 v10, v3;
	[tilespmem:s31+$0x20D0] =	vst v22  }
0x149: {  	v29 =	vld [tilespmem:s31+$0x24E0];
	v28 =	vmul.f32 v19, v3;
	[tilespmem:s31+$0x20E0] =	vst v24  }
0x14a: {  	v31 =	vld [tilespmem:s31+$0x24F0];
	v30 =	vmul.f32 v21, v3;
	[tilespmem:s31+$0x20F0] =	vst v26  }
0x14b: {  	v33 =	vld [tilespmem:s31+$0x2880];
	v32 =	vmul.f32 v23, v3;
	[tilespmem:s31+$0x2480] =	vst v28  }
0x14c: {  	v35 =	vld [tilespmem:s31+$0x2890];
	v34 =	vmul.f32 v25, v3;
	[tilespmem:s31+$0x2490] =	vst v30  }
0x14d: {  	v37 =	vld [tilespmem:s31+$0x28A0];
	v36 =	vmul.f32 v27, v3;
	[tilespmem:s31+$0x24A0] =	vst v32  }
0x14e: {  	v39 =	vld [tilespmem:s31+$0x28B0];
	v38 =	vmul.f32 v29, v3;
	[tilespmem:s31+$0x24B0] =	vst v34  }
0x14f: {  	v41 =	vld [tilespmem:s31+$0x28D0];
	v40 =	vmul.f32 v31, v3;
	[tilespmem:s31+$0x24D0] =	vst v36  }
0x150: {  	v43 =	vld [tilespmem:s31+$0x28E0];
	v42 =	vmul.f32 v33, v3;
	[tilespmem:s31+$0x24E0] =	vst v38  }
0x151: {  	v45 =	vld [tilespmem:s31+$0x28F0];
	v44 =	vmul.f32 v35, v3;
	[tilespmem:s31+$0x24F0] =	vst v40  }
0x152: {  	v47 =	vld [tilespmem:s31+$0x2C80];
	v46 =	vmul.f32 v37, v3;
	[tilespmem:s31+$0x2880] =	vst v42  }
0x153: {  	v49 =	vld [tilespmem:s31+$0x2C90];
	v48 =	vmul.f32 v39, v3;
	[tilespmem:s31+$0x2890] =	vst v44  }
0x154: {  	v51 =	vld [tilespmem:s31+$0x2CA0];
	v50 =	vmul.f32 v41, v3;
	[tilespmem:s31+$0x28A0] =	vst v46  }
0x155: {  	v53 =	vld [tilespmem:s31+$0x2CB0];
	v52 =	vmul.f32 v43, v3;
	[tilespmem:s31+$0x28B0] =	vst v48  }
0x156: {  	v55 =	vld [tilespmem:s31+$0x2CD0];
	v54 =	vmul.f32 v45, v3;
	[tilespmem:s31+$0x28D0] =	vst v50  }
0x157: {  	v57 =	vld [tilespmem:s31+$0x2CE0];
	v56 =	vmul.f32 v47, v3;
	[tilespmem:s31+$0x28E0] =	vst v52  }
0x158: {  	v59 =	vld [tilespmem:s31+$0x2CF0];
	v58 =	vmul.f32 v49, v3;
	[tilespmem:s31+$0x28F0] =	vst v54  }
0x159: {  	v61 =	vld [tilespmem:s31+$0x3080];
	v60 =	vmul.f32 v51, v3;
	[tilespmem:s31+$0x2C80] =	vst v56  }
0x15a: {  	v63 =	vld [tilespmem:s31+$0x3090];
	v62 =	vmul.f32 v53, v3;
	[tilespmem:s31+$0x2C90] =	vst v58  }
0x15b: {  	v13 =	vld [tilespmem:s31+$0x30A0];
	v12 =	vmul.f32 v55, v3;
	[tilespmem:s31+$0x2CA0] =	vst v60  }
0x15c: {  	v15 =	vld [tilespmem:s31+$0x30B0];
	v14 =	vmul.f32 v57, v3;
	[tilespmem:s31+$0x2CB0] =	vst v62  }
0x15d: {  	v17 =	vld [tilespmem:s31+$0x30D0];
	v16 =	vmul.f32 v59, v3;
	[tilespmem:s31+$0x2CD0] =	vst v12  }
0x15e: {  	v19 =	vld [tilespmem:s31+$0x30E0];
	[tilespmem:s31+$0x2CE0] =	vst v14;
	v18 =	vmul.f32 v61, v3  }
0x15f: {  	v21 =	vld [tilespmem:s31+$0x30F0];
	[tilespmem:s31+$0x2CF0] =	vst v16;
	v20 =	vmul.f32 v63, v3  }
0x160: {  	v23 =	vld [tilespmem:s31+$0x3480];
	v22 =	vmul.f32 v13, v3;
	[tilespmem:s31+$0x3080] =	vst v18  }
0x161: {  	v25 =	vld [tilespmem:s31+$0x3490];
	v24 =	vmul.f32 v15, v3;
	[tilespmem:s31+$0x3090] =	vst v20  }
0x162: {  	v27 =	vld [tilespmem:s31+$0x34A0];
	v26 =	vmul.f32 v17, v3;
	[tilespmem:s31+$0x30A0] =	vst v22  }
0x163: {  	v29 =	vld [tilespmem:s31+$0x34B0];
	[tilespmem:s31+$0x30B0] =	vst v24;
	v28 =	vmul.f32 v19, v3  }
0x164: {  	v31 =	vld [tilespmem:s31+$0x34D0];
	[tilespmem:s31+$0x30D0] =	vst v26;
	v30 =	vmul.f32 v21, v3  }
0x165: {  	v33 =	vld [tilespmem:s31+$0x34E0];
	v32 =	vmul.f32 v23, v3;
	[tilespmem:s31+$0x30E0] =	vst v28  }
0x166: {  	v35 =	vld [tilespmem:s31+$0x34F0];
	v34 =	vmul.f32 v25, v3;
	[tilespmem:s31+$0x30F0] =	vst v30  }
0x167: {  	v37 =	vld [tilespmem:s31+$0x3880];
	v36 =	vmul.f32 v27, v3;
	[tilespmem:s31+$0x3480] =	vst v32  }
0x168: {  	v39 =	vld [tilespmem:s31+$0x3890];
	v38 =	vmul.f32 v29, v3;
	[tilespmem:s31+$0x3490] =	vst v34  }
0x169: {  	v41 =	vld [tilespmem:s31+$0x38A0];
	v40 =	vmul.f32 v31, v3;
	[tilespmem:s31+$0x34A0] =	vst v36  }
0x16a: {  	v43 =	vld [tilespmem:s31+$0x38B0];
	v42 =	vmul.f32 v33, v3;
	[tilespmem:s31+$0x34B0] =	vst v38  }
0x16b: {  	v45 =	vld [tilespmem:s31+$0x38D0];
	v44 =	vmul.f32 v35, v3;
	[tilespmem:s31+$0x34D0] =	vst v40  }
0x16c: {  	v47 =	vld [tilespmem:s31+$0x38E0];
	v46 =	vmul.f32 v37, v3;
	[tilespmem:s31+$0x34E0] =	vst v42  }
0x16d: {  	v49 =	vld [tilespmem:s31+$0x38F0];
	v48 =	vmul.f32 v39, v3;
	[tilespmem:s31+$0x34F0] =	vst v44  }
0x16e: {  	v51 =	vld [tilespmem:s31+$0x24C0];
	v8 =	vmul.f32 v41, v3;
	[tilespmem:s31+$0x3880] =	vst v46  }
0x16f: {  	v53 =	vld [tilespmem:s31+$0x2CC0];
	v9 =	vmul.f32 v43, v3;
	[tilespmem:s31+$0x3890] =	vst v48  }
0x170: {  	v55 =	vld [tilespmem:s31+$0x34C0];
	v10 =	vmul.f32 v45, v3;
	[tilespmem:s31+$0x38A0] =	vst v8  }
0x171: {  	s2 =	sand.u32 $0x7, s25;
	v50 =	vld [tilespmem:s31+$0x20C0];
	v6 =	vmul.f32 v47, v3;
	[tilespmem:s31+$0x38B0] =	vst v9  }
0x172: {  	s0 =	sshll.u32 s2, $0x7;
	v52 =	vld [tilespmem:s31+$0x28C0];
	v7 =	vmul.f32 v49, v3;
	[tilespmem:s31+$0x38D0] =	vst v10  }
0x173: {  	s0 =	sadd.s32 s0, s29;
	v54 =	vld [tilespmem:s31+$0x30C0];
	v5 =	vmul.f32 v51, v3;
	[tilespmem:s31+$0x38E0] =	vst v6  }
0x174: {  	s2 =	sor.u32 $0x1C00, s0;
	v56 =	vld [tilespmem:s31+$0x38C0];
	v59 =	vmul.f32 v53, v3;
	[tilespmem:s31+$0x38F0] =	vst v7  }
0x175: {  	v61 =	vmul.f32 v55, v3;
	[tilespmem:s31+$0x24C0] =	vst v5;
	v58 =	vld [tilespmem:s2+$0x2080]  }
0x176: {  	v4 =	vmul.f32 v50, v3;
	[tilespmem:s31+$0x2CC0] =	vst v59  }
0x177: {  	v57 =	vmul.f32 v52, v3;
	[tilespmem:s31+$0x34C0] =	vst v61  }
0x178: {  	v60 =	vmul.f32 v54, v3;
	[tilespmem:s31+$0x20C0] =	vst v4  }
0x179: {  	v62 =	vmul.f32 v56, v3;
	[tilespmem:s31+$0x28C0] =	vst v57  }
0x17a: {  	[tilespmem:s31+$0x30C0] =	vst v60;
	v63 =	vmul.f32 v58, v3  }
0x17b: {  	[tilespmem:s31+$0x38C0] =	vst v62  }
0x17c: {  	s31 =	sor.u32 $0x1C10, s0;
	[tilespmem:s2+$0x2080] =	vst v63  }
0x17d: {  	v4 =	vld [tilespmem:s31+$0x2080];
	_ =	sdelay $0x4  }
0x17e: {  	v4 =	vmul.f32 v4, v3;
	_ =	sdelay $0x1  }
0x17f: {  	[tilespmem:s31+$0x2080] =	vst v4;
	s31 =	sor.u32 $0x1C20, s0  }
0x180: {  	v4 =	vld [tilespmem:s31+$0x2080];
	_ =	sdelay $0x4  }
0x181: {  	v4 =	vmul.f32 v4, v3;
	_ =	sdelay $0x1  }
0x182: {  	[tilespmem:s31+$0x2080] =	vst v4;
	s31 =	sor.u32 $0x1C30, s0  }
0x183: {  	v4 =	vld [tilespmem:s31+$0x2080];
	_ =	sdelay $0x4  }
0x184: {  	v4 =	vmul.f32 v4, v3;
	_ =	sdelay $0x1  }
0x185: {  	[tilespmem:s31+$0x2080] =	vst v4;
	s31 =	sor.u32 $0x1C40, s0  }
0x186: {  	v4 =	vld [tilespmem:s31+$0x2080];
	_ =	sdelay $0x4  }
0x187: {  	v4 =	vmul.f32 v4, v3;
	_ =	sdelay $0x1  }
0x188: {  	[tilespmem:s31+$0x2080] =	vst v4;
	s31 =	sor.u32 $0x1C50, s0  }
0x189: {  	v4 =	vld [tilespmem:s31+$0x2080];
	_ =	sdelay $0x4  }
0x18a: {  	v4 =	vmul.f32 v4, v3;
	_ =	sdelay $0x1  }
0x18b: {  	[tilespmem:s31+$0x2080] =	vst v4;
	s31 =	sor.u32 $0x1C60, s0  }
0x18c: {  	v4 =	vld [tilespmem:s31+$0x2080];
	_ =	sdelay $0x4  }
0x18d: {  	v4 =	vmul.f32 v4, v3;
	_ =	sdelay $0x1  }
0x18e: {  	s0 =	sor.u32 $0x1C70, s0;
	[tilespmem:s31+$0x2080] =	vst v4  }
0x18f: {  	v4 =	vld [tilespmem:s0+$0x2080];
	_ =	sdelay $0x1  }
0x190: {  	p0 =	sne.s32 s30, $0x1F80  }
.Ltmp1:
0x191: {  	_ = 	snop;
	(pc) =	sbr.rel @p0 .LBB2_4-.Ltmp1, $4  }
0x192: {  	_ = 	snop  }
0x193: {  	v3 =	vmul.f32 v4, v3  }
0x194: {  	s28 =	sadd.s32 $0x400, s28;
	s26 =	sadd.s32 $0x80, s26  }
0x195: {  	s30 =	sadd.s32 $0x80, s30;
	s25 =	sadd.s32 $0x1, s25;
	s29 =	sadd.s32 $0x400, s29;
	[tilespmem:s0+$0x2080] =	vst v3  }
0x196: {  	s0 =	rddreg [dreg:$0x8]  }
0x197: {  	[hbm4b:s0+s1] =	stream.linear.scatter [tilespmem:s15], [sflag:$0x2], $0x10000, $0x38;
	[tilespmem:$0x12080] =	vst v63  }
0x198: {  	_ =	swait.ge [sflag:s14], $0x10000  }
0x199: {  	s24 =	sadd.s32 $0x1, s24;
	s31 =	rddreg [dreg:$0x9]  }
0x19a: {  	p0 =	sne.s32 s24, s31  }
.Ltmp2:
0x19b: {  	_ = 	snop;
	(pc) =	sbr.rel @p0 .LBB2_1-.Ltmp2, $3  }
0x19c: {  	_ =	sdelay $0x1  }
0x19d: {  	[sflag:s14] =	ssyncset.done $0x0  }
0x19e: {  	[sflag:s14] =	ssyncadd.s32 $0xFFFF0000  }
0x19f: {  	_ =	sfence.sel $0x180000  }
0x1a0: {  	[bflag:$0x0] =	sbarrier.arrive $0xFFFF  }
0x1a1: {  	_ =	strace $0x90000050  }
0x1a2: {  	s0 =	stileid.u32;
	[bflag:$0x2] =	sbarrier.arrive $0xFFFF  }
0x1a3: {  	p0 =	sne.s32 s0, $0x0;
	s0 =	rddreg [dreg:$0x2]  }
0x1a4: {  	s0 =	sadd.s32 @!p0 $0x100000, s0  }
0x1a5: {  	[sflag:s0] =	ssyncadd.tile.s32 @!p0 $0x1;
	_ =	shalt  }
.Lfunc_end2:
_tile_overlayer_lowered:
.L_overlay_start_2:
0x1a6: {  	(tag) =	ssettag $0x2  }
0x1a7: {  	s0 =	rddreg [dreg:$0x0];
	s2 =	stileid.u32  }
0x1a8: {  	s1 =	rddreg [dreg:$0x1];
	p0 =	sne.s32 s2, $0x0  }
0x1a9: {  	s3 =	rddreg [dreg:$0x2];
	[bflag:$0x3] =	sbarrier.arrive $0xFFFF;
	s2 =	simm.s32 @!p0 $0x1C02  }
0x1aa: {  	[timem:s3], [sflag:s2] =	dma.local @!p0 [hbm:s0], s1  }
0x1ab: {  	s0 =	simm.s32 @!p0 $0x2  }
0x1ac: {  	_ =	swait.ge @!p0 [sflag:s0], s1  }
0x1ad: {  	s1 =	ssub.s32 @!p0 $0x0, s1;
	[sflag:s0] =	ssyncset.done @!p0 $0x0  }
0x1ae: {  	[sflag:s0] =	ssyncadd.s32 @!p0 s1  }
0x1af: {  	[bflag:$0x3] =	sbarrier.arrive $0xFFFF  }
0x1b0: {  	_ =	shalt  }

</sc_bundles>
